<compile_context>
chip_gen: v7x
topology: tpu7x:2x2x1
jax: 0.10.2.dev20260603
libtpu: 0.0.44.dev20260713+nightly
codegen_flags: <defaults>
</compile_context>

<pallas_src>
import functools

import jax
import jax.numpy as jnp
import numpy as np
from jax import lax
from jax.experimental import pallas as pl
from jax.experimental.pallas import tpu as pltpu
from jax.experimental.pallas import tpu_sc as plsc

B, S, CLASS_NUM, E_DIMS, LEVELS = 4096, 50, 100000, 256, 128
N_TOK = B * S
N_CLS = (S + 7) // 8

_T_OVER_PI = float((2.0 ** 30) / np.pi)
_TWO64 = float(2.0 ** 64)

_D1 = 6.283185307179586
_D3 = -41.34170224039975
_D5 = 81.60524927607504
_D7 = -76.70585975306136
_D9 = 42.05869394489765

_ROWS_BLK = 16
_TOK_BLK = _ROWS_BLK * S


def _make_consts():
    lane = np.arange(256)
    k = lane >> 1
    parity = lane & 1
    pk = np.ldexp(np.float32(1.0), k).astype(np.float32)
    offh = 0.25 * parity.astype(np.float32)
    thr = np.where(k == 127, -1.0, _T_OVER_PI).astype(np.float32)
    return jnp.asarray(np.stack([pk, offh, thr]))


def _sincos(v, pk, offh, thr):
    w = v * pk
    h = w * 0.5
    f = h - jnp.floor(h)
    f2 = f + offh
    t = (f2 + f2) + 0.5
    q = jnp.minimum(jnp.floor(t), 2.0)
    g = f2 - q * 0.5
    g2 = g * g
    p = (((_D9 * g2 + _D7) * g2 + _D5) * g2 + _D3) * g2 + _D1
    res = p * g
    res = jnp.where(q == 1.0, -res, res)
    return jnp.where(w > thr, jnp.float32(jnp.nan), res)


def _enc_body(x2_ref, c_ref, g_ref, o_ref):
    v2 = x2_ref[...]
    v = jnp.reshape(v2, (_ROWS_BLK, S, 1))
    pk = jnp.reshape(c_ref[0:1, :], (1, 1, 256))
    offh = jnp.reshape(c_ref[1:2, :], (1, 1, 256))
    thr = jnp.reshape(c_ref[2:3, :], (1, 1, 256))
    o_ref[:, :, 0:128] = _sincos(v, pk[:, :, 0:128], offh[:, :, 0:128],
                                 jnp.float32(_T_OVER_PI))
    minv = jnp.min(v2)
    skip = minv * _TWO64 > _T_OVER_PI

    @pl.when(skip)
    def _():
        o_ref[:, :, 128:256] = jnp.full((_ROWS_BLK, S, 128), jnp.nan,
                                        jnp.float32)

    @pl.when(jnp.logical_not(skip))
    def _():
        o_ref[:, :, 128:256] = _sincos(v, pk[:, :, 128:256],
                                       offh[:, :, 128:256],
                                       thr[:, :, 128:256])

    for jr in range(_ROWS_BLK):
        for c in range(N_CLS):
            o_ref[pl.ds(jr, 1), pl.ds(8 * c, 1), :] = jnp.reshape(
                g_ref[c, pl.ds(jr, 1), :], (1, 1, 256))


_enc_call = pl.pallas_call(
    _enc_body,
    grid=(B // _ROWS_BLK,),
    in_specs=[
        pl.BlockSpec((_ROWS_BLK, S), lambda i: (i, jnp.int32(0))),
        pl.BlockSpec((3, 256), lambda i: (jnp.int32(0), jnp.int32(0))),
        pl.BlockSpec((N_CLS, _ROWS_BLK, 256),
                     lambda i: (jnp.int32(0), i, jnp.int32(0))),
    ],
    out_specs=pl.BlockSpec((_ROWS_BLK, S, 256),
                           lambda i: (i, jnp.int32(0), jnp.int32(0))),
    out_shape=jax.ShapeDtypeStruct((B, S, 256), jnp.float32),
    compiler_params=pltpu.CompilerParams(
        dimension_semantics=("arbitrary",),
    ),
)


def _sc_body(x_ref, e_ref, g_ref, xv, idx_v, rows_v, sem_g, sem_s):
    nc = 2
    wid = lax.axis_index("s") * nc + lax.axis_index("c")
    rows_per_w = B // 32
    base = wid * rows_per_w

    pltpu.sync_copy(x_ref.at[pl.ds(base * S, rows_per_w * S)], xv)

    lanes = lax.broadcasted_iota(jnp.int32, (16,), 0)

    def chunk(c, buf):
        for g in range(rows_per_w // 16):
            rows16 = lanes + 16 * g
            vals = plsc.load_gather(xv, [rows16 * S + 8 * c])
            idx_v[buf][pl.ds(16 * g, 16)] = vals.astype(jnp.int32)

    stores = [None, None]
    for c in range(N_CLS):
        buf = c % 2
        if stores[buf] is not None:
            stores[buf].wait()
        chunk(c, buf)
        pltpu.async_copy(e_ref.at[idx_v[buf]], rows_v[buf], sem_g).wait()
        stores[buf] = pltpu.async_copy(
            rows_v[buf], g_ref.at[jnp.int32(c), pl.ds(base, rows_per_w)],
            sem_s)
    for st in stores:
        if st is not None:
            st.wait()


@functools.cache
def _get_sc_call():
    return pl.kernel(
        _sc_body,
        out_type=jax.ShapeDtypeStruct((N_CLS, B, E_DIMS), jnp.float32),
        mesh=plsc.VectorSubcoreMesh(core_axis_name="c", subcore_axis_name="s"),
        compiler_params=pltpu.CompilerParams(needs_layout_passes=False),
        scratch_types=dict(
            xv=pltpu.VMEM((B // 32 * S,), jnp.float32),
            idx_v=[pltpu.VMEM((B // 32,), jnp.int32) for _ in range(2)],
            rows_v=[pltpu.VMEM((B // 32, E_DIMS), jnp.float32)
                    for _ in range(2)],
            sem_g=pltpu.SemaphoreType.DMA,
            sem_s=pltpu.SemaphoreType.DMA,
        ),
    )


def kernel(x, E_class):
    g = _get_sc_call()(x.reshape(N_TOK), E_class)
    return _enc_call(x, _make_consts(), g)

# --- scband reference (transcript-rebuilt; emitter-appended) ---
"""Pipeline reference for scband-embedding-40252433498312 (READ-ONLY COPY).

The authoritative reference and input builder live on the scoring server;
editing this copy changes nothing except your own understanding.
"""

import jax
jax.config.update("jax_enable_x64", True)
import jax.numpy as jnp
import numpy as np

B, S, CLASS_NUM, E_DIMS, LEVELS = 4096, 50, 100000, 256, 128


def setup_inputs(seed: int = 0) -> dict:
    key = jax.random.key(seed)
    k1, k2, k3 = jax.random.split(key, 3)
    # continuous values in [0,1) for sinusoidal-encoded tokens
    vals = jax.random.uniform(k1, (B, S), dtype=jnp.float32)
    # integer class ids (stored as float, as in the torch module's mixed-use x)
    cls_ids = jax.random.randint(k2, (B, S), 0, CLASS_NUM).astype(jnp.float32)
    class_mask = (jnp.arange(S) % 8 == 0)[None, :]
    x = jnp.where(class_mask, cls_ids, vals)
    E_class = jax.random.normal(k3, (CLASS_NUM, E_DIMS), dtype=jnp.float32)
    return {"x": x, "E_class": E_class}


def reference(x, E_class):
    # frequencies = 2**arange(128).double() * pi (torch module computes in float64)
    angles = jnp.arange(LEVELS, dtype=jnp.float64)
    frequencies = (2.0 ** angles) * np.pi  # [128], float64
    vals = x.astype(jnp.float64)
    phase = frequencies[None, None, :] * vals[:, :, None]  # [B,S,128]
    sin_e = jnp.sin(phase)
    cos_e = jnp.cos(phase)
    # stack(dim=1) then view(-1,256): interleave sin0,cos0,sin1,cos1,...
    enc = jnp.stack([sin_e, cos_e], axis=-1).reshape(x.shape[0], x.shape[1], 2 * LEVELS)
    enc = enc.astype(jnp.float32)
    # class-token path: embedding gather E_class[int(value)]
    idx = x.astype(jnp.int32)
    cls_emb = jnp.take(E_class, idx, axis=0)  # [B,S,256]
    class_mask = (jnp.arange(x.shape[1]) % 8 == 0)[None, :, None]
    return jnp.where(class_mask, cls_emb, enc)

if __name__ == "__main__":
    import jax
    _d = setup_inputs()
    print(jax.jit(kernel)(*tuple(_d.values())))

</pallas_src>

<mosaic_0001>
#map = affine_map<(d0, d1) -> (0)>
#map1 = affine_map<(d0, d1) -> (0, 0)>
#map2 = affine_map<(d0, d1) -> (0, 0, 0)>
module attributes {stable_mosaic.version = 14 : i64} {
  func.func @_sc_body(%arg0: i32, %arg1: i32, %arg2: memref<204800xf32, #tpu.memory_space<hbm>>, %arg3: memref<100000x256xf32, #tpu.memory_space<hbm>>, %arg4: memref<7x4096x256xf32, #tpu.memory_space<hbm>>, %arg5: memref<128xi32, #tpu.memory_space<vmem>>, %arg6: memref<128xi32, #tpu.memory_space<vmem>>, %arg7: memref<128x256xf32, #tpu.memory_space<vmem>>, %arg8: memref<128x256xf32, #tpu.memory_space<vmem>>, %arg9: memref<!tpu.dma_semaphore, #tpu.memory_space<semaphore_mem>>, %arg10: memref<!tpu.dma_semaphore, #tpu.memory_space<semaphore_mem>>, %arg11: memref<6400xf32, #tpu.memory_space<vmem>>) attributes {dimension_semantics = [#tpu.dimension_semantics<core_parallel>, #tpu.dimension_semantics<subcore_parallel>], iteration_bounds = array<i64: 2, 16>, scalar_prefetch = 0 : i64, scratch_operands = 7 : i64, tpu.core_type = #tpu.core_type<sc_vector_subcore>, window_params = [{transform_indices = #map}, {transform_indices = #map1}, {transform_indices = #map2}]} {
    %mul3A = arith.constant 2 : i32
    %mul3A_0 = arith.muli %arg1, %mul3A : i32
    %add3A = arith.addi %mul3A_0, %arg0 : i32
    %mul3A_1 = arith.constant 128 : i32
    %mul3A_2 = arith.muli %add3A, %mul3A_1 : i32
    %mul3A_3 = arith.constant 50 : i32
    %mul3A_4 = arith.muli %mul3A_2, %mul3A_3 : i32
    "tpu.region"() ({
      %run_scoped3A = tpu.sem_alloc : memref<!tpu.dma_semaphore, #tpu.memory_space<semaphore_mem>>
      %dma_start3A_868 = tpu.memref_slice %arg2[%mul3A_4] : memref<204800xf32, #tpu.memory_space<hbm>> -> memref<6400xf32, #tpu.memory_space<hbm>>
      %dma_start3A_869 = tpu.memref_slice %arg2[%mul3A_4] : memref<204800xf32, #tpu.memory_space<hbm>> -> memref<6400xf32, #tpu.memory_space<hbm>>
      tpu.enqueue_dma source(%dma_start3A_869 : memref<6400xf32, #tpu.memory_space<hbm>>) target(%arg11 : memref<6400xf32, #tpu.memory_space<vmem>>) target_semaphore(%run_scoped3A : memref<!tpu.dma_semaphore, #tpu.memory_space<semaphore_mem>>)
      %dma_wait3A_870 = tpu.memref_slice %arg2[%mul3A_4] : memref<204800xf32, #tpu.memory_space<hbm>> -> memref<6400xf32, #tpu.memory_space<hbm>>
      %dma_wait3A_871 = tpu.memref_slice %arg2[%mul3A_4] : memref<204800xf32, #tpu.memory_space<hbm>> -> memref<6400xf32, #tpu.memory_space<hbm>>
      tpu.wait_dma2 semaphore(%run_scoped3A : memref<!tpu.dma_semaphore, #tpu.memory_space<semaphore_mem>>) src(%dma_wait3A_871 : memref<6400xf32, #tpu.memory_space<hbm>>) dst(%arg11 : memref<6400xf32, #tpu.memory_space<vmem>>)
      tpu.yield
    }) : () -> ()
    %iota3A = tpu.iota {dimensions = array<i32: 0>} : vector<16xi32>
    %add3A_5 = arith.constant 0 : i32
    %add3A_6 = vector.broadcast %add3A_5 : i32 to vector<16xi32>
    %add3A_7 = arith.addi %iota3A, %add3A_6 : vector<16xi32>
    %mul3A_8 = arith.constant 50 : i32
    %mul3A_9 = vector.broadcast %mul3A_8 : i32 to vector<16xi32>
    %mul3A_10 = arith.muli %add3A_7, %mul3A_9 : vector<16xi32>
    %add3A_11 = arith.constant 0 : i32
    %add3A_12 = vector.broadcast %add3A_11 : i32 to vector<16xi32>
    %add3A_13 = arith.addi %mul3A_10, %add3A_12 : vector<16xi32>
    %gather3A = tpu.vector_load_idx %arg11[%add3A_13] : memref<6400xf32, #tpu.memory_space<vmem>>[vector<16xi32>], vector<16xf32>,
    %convert_element_type3A = arith.fptosi %gather3A : vector<16xf32> to vector<16xi32>
    %swap3A = arith.constant 0 : index
    %swap3A_14 = tpu.vector_load %arg5[%swap3A] {strides = array<i32>} : memref<128xi32, #tpu.memory_space<vmem>>, vector<16xi32>,
    tpu.vector_store %arg5[%swap3A], %convert_element_type3A {strides = array<i32>} : memref<128xi32, #tpu.memory_space<vmem>>, vector<16xi32>,
    %add3A_15 = arith.constant 16 : i32
    %add3A_16 = vector.broadcast %add3A_15 : i32 to vector<16xi32>
    %add3A_17 = arith.addi %iota3A, %add3A_16 : vector<16xi32>
    %mul3A_18 = arith.constant 50 : i32
    %mul3A_19 = vector.broadcast %mul3A_18 : i32 to vector<16xi32>
    %mul3A_20 = arith.muli %add3A_17, %mul3A_19 : vector<16xi32>
    %add3A_21 = arith.constant 0 : i32
    %add3A_22 = vector.broadcast %add3A_21 : i32 to vector<16xi32>
    %add3A_23 = arith.addi %mul3A_20, %add3A_22 : vector<16xi32>
    %gather3A_24 = tpu.vector_load_idx %arg11[%add3A_23] : memref<6400xf32, #tpu.memory_space<vmem>>[vector<16xi32>], vector<16xf32>,
    %convert_element_type3A_25 = arith.fptosi %gather3A_24 : vector<16xf32> to vector<16xi32>
    %swap3A_26 = arith.constant 16 : index
    %swap3A_27 = tpu.vector_load %arg5[%swap3A_26] {strides = array<i32>} : memref<128xi32, #tpu.memory_space<vmem>>, vector<16xi32>,
    tpu.vector_store %arg5[%swap3A_26], %convert_element_type3A_25 {strides = array<i32>} : memref<128xi32, #tpu.memory_space<vmem>>, vector<16xi32>,
    %add3A_28 = arith.constant 32 : i32
    %add3A_29 = vector.broadcast %add3A_28 : i32 to vector<16xi32>
    %add3A_30 = arith.addi %iota3A, %add3A_29 : vector<16xi32>
    %mul3A_31 = arith.constant 50 : i32
    %mul3A_32 = vector.broadcast %mul3A_31 : i32 to vector<16xi32>
    %mul3A_33 = arith.muli %add3A_30, %mul3A_32 : vector<16xi32>
    %add3A_34 = arith.constant 0 : i32
    %add3A_35 = vector.broadcast %add3A_34 : i32 to vector<16xi32>
    %add3A_36 = arith.addi %mul3A_33, %add3A_35 : vector<16xi32>
    %gather3A_37 = tpu.vector_load_idx %arg11[%add3A_36] : memref<6400xf32, #tpu.memory_space<vmem>>[vector<16xi32>], vector<16xf32>,
    %convert_element_type3A_38 = arith.fptosi %gather3A_37 : vector<16xf32> to vector<16xi32>
    %swap3A_39 = arith.constant 32 : index
    %swap3A_40 = tpu.vector_load %arg5[%swap3A_39] {strides = array<i32>} : memref<128xi32, #tpu.memory_space<vmem>>, vector<16xi32>,
    tpu.vector_store %arg5[%swap3A_39], %convert_element_type3A_38 {strides = array<i32>} : memref<128xi32, #tpu.memory_space<vmem>>, vector<16xi32>,
    %add3A_41 = arith.constant 48 : i32
    %add3A_42 = vector.broadcast %add3A_41 : i32 to vector<16xi32>
    %add3A_43 = arith.addi %iota3A, %add3A_42 : vector<16xi32>
    %mul3A_44 = arith.constant 50 : i32
    %mul3A_45 = vector.broadcast %mul3A_44 : i32 to vector<16xi32>
    %mul3A_46 = arith.muli %add3A_43, %mul3A_45 : vector<16xi32>
    %add3A_47 = arith.constant 0 : i32
    %add3A_48 = vector.broadcast %add3A_47 : i32 to vector<16xi32>
    %add3A_49 = arith.addi %mul3A_46, %add3A_48 : vector<16xi32>
    %gather3A_50 = tpu.vector_load_idx %arg11[%add3A_49] : memref<6400xf32, #tpu.memory_space<vmem>>[vector<16xi32>], vector<16xf32>,
    %convert_element_type3A_51 = arith.fptosi %gather3A_50 : vector<16xf32> to vector<16xi32>
    %swap3A_52 = arith.constant 48 : index
    %swap3A_53 = tpu.vector_load %arg5[%swap3A_52] {strides = array<i32>} : memref<128xi32, #tpu.memory_space<vmem>>, vector<16xi32>,
    tpu.vector_store %arg5[%swap3A_52], %convert_element_type3A_51 {strides = array<i32>} : memref<128xi32, #tpu.memory_space<vmem>>, vector<16xi32>,
    %add3A_54 = arith.constant 64 : i32
    %add3A_55 = vector.broadcast %add3A_54 : i32 to vector<16xi32>
    %add3A_56 = arith.addi %iota3A, %add3A_55 : vector<16xi32>
    %mul3A_57 = arith.constant 50 : i32
    %mul3A_58 = vector.broadcast %mul3A_57 : i32 to vector<16xi32>
    %mul3A_59 = arith.muli %add3A_56, %mul3A_58 : vector<16xi32>
    %add3A_60 = arith.constant 0 : i32
    %add3A_61 = vector.broadcast %add3A_60 : i32 to vector<16xi32>
    %add3A_62 = arith.addi %mul3A_59, %add3A_61 : vector<16xi32>
    %gather3A_63 = tpu.vector_load_idx %arg11[%add3A_62] : memref<6400xf32, #tpu.memory_space<vmem>>[vector<16xi32>], vector<16xf32>,
    %convert_element_type3A_64 = arith.fptosi %gather3A_63 : vector<16xf32> to vector<16xi32>
    %swap3A_65 = arith.constant 64 : index
    %swap3A_66 = tpu.vector_load %arg5[%swap3A_65] {strides = array<i32>} : memref<128xi32, #tpu.memory_space<vmem>>, vector<16xi32>,
    tpu.vector_store %arg5[%swap3A_65], %convert_element_type3A_64 {strides = array<i32>} : memref<128xi32, #tpu.memory_space<vmem>>, vector<16xi32>,
    %add3A_67 = arith.constant 80 : i32
    %add3A_68 = vector.broadcast %add3A_67 : i32 to vector<16xi32>
    %add3A_69 = arith.addi %iota3A, %add3A_68 : vector<16xi32>
    %mul3A_70 = arith.constant 50 : i32
    %mul3A_71 = vector.broadcast %mul3A_70 : i32 to vector<16xi32>
    %mul3A_72 = arith.muli %add3A_69, %mul3A_71 : vector<16xi32>
    %add3A_73 = arith.constant 0 : i32
    %add3A_74 = vector.broadcast %add3A_73 : i32 to vector<16xi32>
    %add3A_75 = arith.addi %mul3A_72, %add3A_74 : vector<16xi32>
    %gather3A_76 = tpu.vector_load_idx %arg11[%add3A_75] : memref<6400xf32, #tpu.memory_space<vmem>>[vector<16xi32>], vector<16xf32>,
    %convert_element_type3A_77 = arith.fptosi %gather3A_76 : vector<16xf32> to vector<16xi32>
    %swap3A_78 = arith.constant 80 : index
    %swap3A_79 = tpu.vector_load %arg5[%swap3A_78] {strides = array<i32>} : memref<128xi32, #tpu.memory_space<vmem>>, vector<16xi32>,
    tpu.vector_store %arg5[%swap3A_78], %convert_element_type3A_77 {strides = array<i32>} : memref<128xi32, #tpu.memory_space<vmem>>, vector<16xi32>,
    %add3A_80 = arith.constant 96 : i32
    %add3A_81 = vector.broadcast %add3A_80 : i32 to vector<16xi32>
    %add3A_82 = arith.addi %iota3A, %add3A_81 : vector<16xi32>
    %mul3A_83 = arith.constant 50 : i32
    %mul3A_84 = vector.broadcast %mul3A_83 : i32 to vector<16xi32>
    %mul3A_85 = arith.muli %add3A_82, %mul3A_84 : vector<16xi32>
    %add3A_86 = arith.constant 0 : i32
    %add3A_87 = vector.broadcast %add3A_86 : i32 to vector<16xi32>
    %add3A_88 = arith.addi %mul3A_85, %add3A_87 : vector<16xi32>
    %gather3A_89 = tpu.vector_load_idx %arg11[%add3A_88] : memref<6400xf32, #tpu.memory_space<vmem>>[vector<16xi32>], vector<16xf32>,
    %convert_element_type3A_90 = arith.fptosi %gather3A_89 : vector<16xf32> to vector<16xi32>
    %swap3A_91 = arith.constant 96 : index
    %swap3A_92 = tpu.vector_load %arg5[%swap3A_91] {strides = array<i32>} : memref<128xi32, #tpu.memory_space<vmem>>, vector<16xi32>,
    tpu.vector_store %arg5[%swap3A_91], %convert_element_type3A_90 {strides = array<i32>} : memref<128xi32, #tpu.memory_space<vmem>>, vector<16xi32>,
    %add3A_93 = arith.constant 112 : i32
    %add3A_94 = vector.broadcast %add3A_93 : i32 to vector<16xi32>
    %add3A_95 = arith.addi %iota3A, %add3A_94 : vector<16xi32>
    %mul3A_96 = arith.constant 50 : i32
    %mul3A_97 = vector.broadcast %mul3A_96 : i32 to vector<16xi32>
    %mul3A_98 = arith.muli %add3A_95, %mul3A_97 : vector<16xi32>
    %add3A_99 = arith.constant 0 : i32
    %add3A_100 = vector.broadcast %add3A_99 : i32 to vector<16xi32>
    %add3A_101 = arith.addi %mul3A_98, %add3A_100 : vector<16xi32>
    %gather3A_102 = tpu.vector_load_idx %arg11[%add3A_101] : memref<6400xf32, #tpu.memory_space<vmem>>[vector<16xi32>], vector<16xf32>,
    %convert_element_type3A_103 = arith.fptosi %gather3A_102 : vector<16xf32> to vector<16xi32>
    %swap3A_104 = arith.constant 112 : index
    %swap3A_105 = tpu.vector_load %arg5[%swap3A_104] {strides = array<i32>} : memref<128xi32, #tpu.memory_space<vmem>>, vector<16xi32>,
    tpu.vector_store %arg5[%swap3A_104], %convert_element_type3A_103 {strides = array<i32>} : memref<128xi32, #tpu.memory_space<vmem>>, vector<16xi32>,
    %dma_start3A = arith.constant 0 : i32
    %dma_start3A_106 = arith.constant 0 : i32
    %dma_start3A_107 = tpu.memref_slice %arg3[%dma_start3A, %dma_start3A_106] : memref<100000x256xf32, #tpu.memory_space<hbm>> -> memref<100000x256xf32, #tpu.memory_space<hbm>>
    tpu.enqueue_indirect_dma source(%dma_start3A_107 : memref<100000x256xf32, #tpu.memory_space<hbm>>) target(%arg7 : memref<128x256xf32, #tpu.memory_space<vmem>>) offsets(%arg5 : memref<128xi32, #tpu.memory_space<vmem>>) semaphore(%arg9 : memref<!tpu.dma_semaphore, #tpu.memory_space<semaphore_mem>>)
    %dma_wait3A = arith.constant 0 : i32
    %dma_wait3A_108 = arith.constant 0 : i32
    %dma_wait3A_109 = tpu.memref_slice %arg3[%dma_wait3A, %dma_wait3A_108] : memref<100000x256xf32, #tpu.memory_space<hbm>> -> memref<100000x256xf32, #tpu.memory_space<hbm>>
    tpu.wait_indirect_dma semaphore(%arg9 : memref<!tpu.dma_semaphore, #tpu.memory_space<semaphore_mem>>) src(%dma_wait3A_109 : memref<100000x256xf32, #tpu.memory_space<hbm>>) dst(%arg7 : memref<128x256xf32, #tpu.memory_space<vmem>>)
    %dma_start3A_110 = arith.constant 0 : i32
    %dma_start3A_111 = arith.constant 0 : i32
    %dma_start3A_112 = tpu.memref_slice %arg4[%dma_start3A_110, %mul3A_2, %dma_start3A_111] : memref<7x4096x256xf32, #tpu.memory_space<hbm>> -> memref<1x128x256xf32, #tpu.memory_space<hbm>>
    %dma_start3A_113 = tpu.memref_squeeze %dma_start3A_112 : memref<1x128x256xf32, #tpu.memory_space<hbm>> -> memref<128x256xf32, #tpu.memory_space<hbm>>
    %dma_start3A_114 = arith.constant 0 : i32
    %dma_start3A_115 = tpu.memref_slice %arg4[%dma_start3A_110, %mul3A_2, %dma_start3A_114] : memref<7x4096x256xf32, #tpu.memory_space<hbm>> -> memref<1x128x256xf32, #tpu.memory_space<hbm>>
    %dma_start3A_116 = tpu.memref_squeeze %dma_start3A_115 : memref<1x128x256xf32, #tpu.memory_space<hbm>> -> memref<128x256xf32, #tpu.memory_space<hbm>>
    tpu.enqueue_dma source(%arg7 : memref<128x256xf32, #tpu.memory_space<vmem>>) target(%dma_start3A_116 : memref<128x256xf32, #tpu.memory_space<hbm>>) target_semaphore(%arg10 : memref<!tpu.dma_semaphore, #tpu.memory_space<semaphore_mem>>)
    %add3A_117 = arith.constant 0 : i32
    %add3A_118 = vector.broadcast %add3A_117 : i32 to vector<16xi32>
    %add3A_119 = arith.addi %iota3A, %add3A_118 : vector<16xi32>
    %mul3A_120 = arith.constant 50 : i32
    %mul3A_121 = vector.broadcast %mul3A_120 : i32 to vector<16xi32>
    %mul3A_122 = arith.muli %add3A_119, %mul3A_121 : vector<16xi32>
    %add3A_123 = arith.constant 8 : i32
    %add3A_124 = vector.broadcast %add3A_123 : i32 to vector<16xi32>
    %add3A_125 = arith.addi %mul3A_122, %add3A_124 : vector<16xi32>
    %gather3A_126 = tpu.vector_load_idx %arg11[%add3A_125] : memref<6400xf32, #tpu.memory_space<vmem>>[vector<16xi32>], vector<16xf32>,
    %convert_element_type3A_127 = arith.fptosi %gather3A_126 : vector<16xf32> to vector<16xi32>
    %swap3A_128 = arith.constant 0 : index
    %swap3A_129 = tpu.vector_load %arg6[%swap3A_128] {strides = array<i32>} : memref<128xi32, #tpu.memory_space<vmem>>, vector<16xi32>,
    tpu.vector_store %arg6[%swap3A_128], %convert_element_type3A_127 {strides = array<i32>} : memref<128xi32, #tpu.memory_space<vmem>>, vector<16xi32>,
    %add3A_130 = arith.constant 16 : i32
    %add3A_131 = vector.broadcast %add3A_130 : i32 to vector<16xi32>
    %add3A_132 = arith.addi %iota3A, %add3A_131 : vector<16xi32>
    %mul3A_133 = arith.constant 50 : i32
    %mul3A_134 = vector.broadcast %mul3A_133 : i32 to vector<16xi32>
    %mul3A_135 = arith.muli %add3A_132, %mul3A_134 : vector<16xi32>
    %add3A_136 = arith.constant 8 : i32
    %add3A_137 = vector.broadcast %add3A_136 : i32 to vector<16xi32>
    %add3A_138 = arith.addi %mul3A_135, %add3A_137 : vector<16xi32>
    %gather3A_139 = tpu.vector_load_idx %arg11[%add3A_138] : memref<6400xf32, #tpu.memory_space<vmem>>[vector<16xi32>], vector<16xf32>,
    %convert_element_type3A_140 = arith.fptosi %gather3A_139 : vector<16xf32> to vector<16xi32>
    %swap3A_141 = arith.constant 16 : index
    %swap3A_142 = tpu.vector_load %arg6[%swap3A_141] {strides = array<i32>} : memref<128xi32, #tpu.memory_space<vmem>>, vector<16xi32>,
    tpu.vector_store %arg6[%swap3A_141], %convert_element_type3A_140 {strides = array<i32>} : memref<128xi32, #tpu.memory_space<vmem>>, vector<16xi32>,
    %add3A_143 = arith.constant 32 : i32
    %add3A_144 = vector.broadcast %add3A_143 : i32 to vector<16xi32>
    %add3A_145 = arith.addi %iota3A, %add3A_144 : vector<16xi32>
    %mul3A_146 = arith.constant 50 : i32
    %mul3A_147 = vector.broadcast %mul3A_146 : i32 to vector<16xi32>
    %mul3A_148 = arith.muli %add3A_145, %mul3A_147 : vector<16xi32>
    %add3A_149 = arith.constant 8 : i32
    %add3A_150 = vector.broadcast %add3A_149 : i32 to vector<16xi32>
    %add3A_151 = arith.addi %mul3A_148, %add3A_150 : vector<16xi32>
    %gather3A_152 = tpu.vector_load_idx %arg11[%add3A_151] : memref<6400xf32, #tpu.memory_space<vmem>>[vector<16xi32>], vector<16xf32>,
    %convert_element_type3A_153 = arith.fptosi %gather3A_152 : vector<16xf32> to vector<16xi32>
    %swap3A_154 = arith.constant 32 : index
    %swap3A_155 = tpu.vector_load %arg6[%swap3A_154] {strides = array<i32>} : memref<128xi32, #tpu.memory_space<vmem>>, vector<16xi32>,
    tpu.vector_store %arg6[%swap3A_154], %convert_element_type3A_153 {strides = array<i32>} : memref<128xi32, #tpu.memory_space<vmem>>, vector<16xi32>,
    %add3A_156 = arith.constant 48 : i32
    %add3A_157 = vector.broadcast %add3A_156 : i32 to vector<16xi32>
    %add3A_158 = arith.addi %iota3A, %add3A_157 : vector<16xi32>
    %mul3A_159 = arith.constant 50 : i32
    %mul3A_160 = vector.broadcast %mul3A_159 : i32 to vector<16xi32>
    %mul3A_161 = arith.muli %add3A_158, %mul3A_160 : vector<16xi32>
    %add3A_162 = arith.constant 8 : i32
    %add3A_163 = vector.broadcast %add3A_162 : i32 to vector<16xi32>
    %add3A_164 = arith.addi %mul3A_161, %add3A_163 : vector<16xi32>
    %gather3A_165 = tpu.vector_load_idx %arg11[%add3A_164] : memref<6400xf32, #tpu.memory_space<vmem>>[vector<16xi32>], vector<16xf32>,
    %convert_element_type3A_166 = arith.fptosi %gather3A_165 : vector<16xf32> to vector<16xi32>
    %swap3A_167 = arith.constant 48 : index
    %swap3A_168 = tpu.vector_load %arg6[%swap3A_167] {strides = array<i32>} : memref<128xi32, #tpu.memory_space<vmem>>, vector<16xi32>,
    tpu.vector_store %arg6[%swap3A_167], %convert_element_type3A_166 {strides = array<i32>} : memref<128xi32, #tpu.memory_space<vmem>>, vector<16xi32>,
    %add3A_169 = arith.constant 64 : i32
    %add3A_170 = vector.broadcast %add3A_169 : i32 to vector<16xi32>
    %add3A_171 = arith.addi %iota3A, %add3A_170 : vector<16xi32>
    %mul3A_172 = arith.constant 50 : i32
    %mul3A_173 = vector.broadcast %mul3A_172 : i32 to vector<16xi32>
    %mul3A_174 = arith.muli %add3A_171, %mul3A_173 : vector<16xi32>
    %add3A_175 = arith.constant 8 : i32
    %add3A_176 = vector.broadcast %add3A_175 : i32 to vector<16xi32>
    %add3A_177 = arith.addi %mul3A_174, %add3A_176 : vector<16xi32>
    %gather3A_178 = tpu.vector_load_idx %arg11[%add3A_177] : memref<6400xf32, #tpu.memory_space<vmem>>[vector<16xi32>], vector<16xf32>,
    %convert_element_type3A_179 = arith.fptosi %gather3A_178 : vector<16xf32> to vector<16xi32>
    %swap3A_180 = arith.constant 64 : index
    %swap3A_181 = tpu.vector_load %arg6[%swap3A_180] {strides = array<i32>} : memref<128xi32, #tpu.memory_space<vmem>>, vector<16xi32>,
    tpu.vector_store %arg6[%swap3A_180], %convert_element_type3A_179 {strides = array<i32>} : memref<128xi32, #tpu.memory_space<vmem>>, vector<16xi32>,
    %add3A_182 = arith.constant 80 : i32
    %add3A_183 = vector.broadcast %add3A_182 : i32 to vector<16xi32>
    %add3A_184 = arith.addi %iota3A, %add3A_183 : vector<16xi32>
    %mul3A_185 = arith.constant 50 : i32
    %mul3A_186 = vector.broadcast %mul3A_185 : i32 to vector<16xi32>
    %mul3A_187 = arith.muli %add3A_184, %mul3A_186 : vector<16xi32>
    %add3A_188 = arith.constant 8 : i32
    %add3A_189 = vector.broadcast %add3A_188 : i32 to vector<16xi32>
    %add3A_190 = arith.addi %mul3A_187, %add3A_189 : vector<16xi32>
    %gather3A_191 = tpu.vector_load_idx %arg11[%add3A_190] : memref<6400xf32, #tpu.memory_space<vmem>>[vector<16xi32>], vector<16xf32>,
    %convert_element_type3A_192 = arith.fptosi %gather3A_191 : vector<16xf32> to vector<16xi32>
    %swap3A_193 = arith.constant 80 : index
    %swap3A_194 = tpu.vector_load %arg6[%swap3A_193] {strides = array<i32>} : memref<128xi32, #tpu.memory_space<vmem>>, vector<16xi32>,
    tpu.vector_store %arg6[%swap3A_193], %convert_element_type3A_192 {strides = array<i32>} : memref<128xi32, #tpu.memory_space<vmem>>, vector<16xi32>,
    %add3A_195 = arith.constant 96 : i32
    %add3A_196 = vector.broadcast %add3A_195 : i32 to vector<16xi32>
    %add3A_197 = arith.addi %iota3A, %add3A_196 : vector<16xi32>
    %mul3A_198 = arith.constant 50 : i32
    %mul3A_199 = vector.broadcast %mul3A_198 : i32 to vector<16xi32>
    %mul3A_200 = arith.muli %add3A_197, %mul3A_199 : vector<16xi32>
    %add3A_201 = arith.constant 8 : i32
    %add3A_202 = vector.broadcast %add3A_201 : i32 to vector<16xi32>
    %add3A_203 = arith.addi %mul3A_200, %add3A_202 : vector<16xi32>
    %gather3A_204 = tpu.vector_load_idx %arg11[%add3A_203] : memref<6400xf32, #tpu.memory_space<vmem>>[vector<16xi32>], vector<16xf32>,
    %convert_element_type3A_205 = arith.fptosi %gather3A_204 : vector<16xf32> to vector<16xi32>
    %swap3A_206 = arith.constant 96 : index
    %swap3A_207 = tpu.vector_load %arg6[%swap3A_206] {strides = array<i32>} : memref<128xi32, #tpu.memory_space<vmem>>, vector<16xi32>,
    tpu.vector_store %arg6[%swap3A_206], %convert_element_type3A_205 {strides = array<i32>} : memref<128xi32, #tpu.memory_space<vmem>>, vector<16xi32>,
    %add3A_208 = arith.constant 112 : i32
    %add3A_209 = vector.broadcast %add3A_208 : i32 to vector<16xi32>
    %add3A_210 = arith.addi %iota3A, %add3A_209 : vector<16xi32>
    %mul3A_211 = arith.constant 50 : i32
    %mul3A_212 = vector.broadcast %mul3A_211 : i32 to vector<16xi32>
    %mul3A_213 = arith.muli %add3A_210, %mul3A_212 : vector<16xi32>
    %add3A_214 = arith.constant 8 : i32
    %add3A_215 = vector.broadcast %add3A_214 : i32 to vector<16xi32>
    %add3A_216 = arith.addi %mul3A_213, %add3A_215 : vector<16xi32>
    %gather3A_217 = tpu.vector_load_idx %arg11[%add3A_216] : memref<6400xf32, #tpu.memory_space<vmem>>[vector<16xi32>], vector<16xf32>,
    %convert_element_type3A_218 = arith.fptosi %gather3A_217 : vector<16xf32> to vector<16xi32>
    %swap3A_219 = arith.constant 112 : index
    %swap3A_220 = tpu.vector_load %arg6[%swap3A_219] {strides = array<i32>} : memref<128xi32, #tpu.memory_space<vmem>>, vector<16xi32>,
    tpu.vector_store %arg6[%swap3A_219], %convert_element_type3A_218 {strides = array<i32>} : memref<128xi32, #tpu.memory_space<vmem>>, vector<16xi32>,
    %dma_start3A_221 = arith.constant 0 : i32
    %dma_start3A_222 = arith.constant 0 : i32
    %dma_start3A_223 = tpu.memref_slice %arg3[%dma_start3A_221, %dma_start3A_222] : memref<100000x256xf32, #tpu.memory_space<hbm>> -> memref<100000x256xf32, #tpu.memory_space<hbm>>
    tpu.enqueue_indirect_dma source(%dma_start3A_223 : memref<100000x256xf32, #tpu.memory_space<hbm>>) target(%arg8 : memref<128x256xf32, #tpu.memory_space<vmem>>) offsets(%arg6 : memref<128xi32, #tpu.memory_space<vmem>>) semaphore(%arg9 : memref<!tpu.dma_semaphore, #tpu.memory_space<semaphore_mem>>)
    %dma_wait3A_224 = arith.constant 0 : i32
    %dma_wait3A_225 = arith.constant 0 : i32
    %dma_wait3A_226 = tpu.memref_slice %arg3[%dma_wait3A_224, %dma_wait3A_225] : memref<100000x256xf32, #tpu.memory_space<hbm>> -> memref<100000x256xf32, #tpu.memory_space<hbm>>
    tpu.wait_indirect_dma semaphore(%arg9 : memref<!tpu.dma_semaphore, #tpu.memory_space<semaphore_mem>>) src(%dma_wait3A_226 : memref<100000x256xf32, #tpu.memory_space<hbm>>) dst(%arg8 : memref<128x256xf32, #tpu.memory_space<vmem>>)
    %dma_start3A_227 = arith.constant 1 : i32
    %dma_start3A_228 = arith.constant 0 : i32
    %dma_start3A_229 = tpu.memref_slice %arg4[%dma_start3A_227, %mul3A_2, %dma_start3A_228] : memref<7x4096x256xf32, #tpu.memory_space<hbm>> -> memref<1x128x256xf32, #tpu.memory_space<hbm>>
    %dma_start3A_230 = tpu.memref_squeeze %dma_start3A_229 : memref<1x128x256xf32, #tpu.memory_space<hbm>> -> memref<128x256xf32, #tpu.memory_space<hbm>>
    %dma_start3A_231 = arith.constant 0 : i32
    %dma_start3A_232 = tpu.memref_slice %arg4[%dma_start3A_227, %mul3A_2, %dma_start3A_231] : memref<7x4096x256xf32, #tpu.memory_space<hbm>> -> memref<1x128x256xf32, #tpu.memory_space<hbm>>
    %dma_start3A_233 = tpu.memref_squeeze %dma_start3A_232 : memref<1x128x256xf32, #tpu.memory_space<hbm>> -> memref<128x256xf32, #tpu.memory_space<hbm>>
    tpu.enqueue_dma source(%arg8 : memref<128x256xf32, #tpu.memory_space<vmem>>) target(%dma_start3A_233 : memref<128x256xf32, #tpu.memory_space<hbm>>) target_semaphore(%arg10 : memref<!tpu.dma_semaphore, #tpu.memory_space<semaphore_mem>>)
    %dma_wait3A_234 = arith.constant 0 : i32
    %dma_wait3A_235 = arith.constant 0 : i32
    %dma_wait3A_236 = tpu.memref_slice %arg4[%dma_wait3A_234, %mul3A_2, %dma_wait3A_235] : memref<7x4096x256xf32, #tpu.memory_space<hbm>> -> memref<1x128x256xf32, #tpu.memory_space<hbm>>
    %dma_wait3A_237 = tpu.memref_squeeze %dma_wait3A_236 : memref<1x128x256xf32, #tpu.memory_space<hbm>> -> memref<128x256xf32, #tpu.memory_space<hbm>>
    %dma_wait3A_238 = arith.constant 0 : i32
    %dma_wait3A_239 = tpu.memref_slice %arg4[%dma_wait3A_234, %mul3A_2, %dma_wait3A_238] : memref<7x4096x256xf32, #tpu.memory_space<hbm>> -> memref<1x128x256xf32, #tpu.memory_space<hbm>>
    %dma_wait3A_240 = tpu.memref_squeeze %dma_wait3A_239 : memref<1x128x256xf32, #tpu.memory_space<hbm>> -> memref<128x256xf32, #tpu.memory_space<hbm>>
    tpu.wait_dma2 semaphore(%arg10 : memref<!tpu.dma_semaphore, #tpu.memory_space<semaphore_mem>>) src(%arg7 : memref<128x256xf32, #tpu.memory_space<vmem>>) dst(%dma_wait3A_240 : memref<128x256xf32, #tpu.memory_space<hbm>>)
    %add3A_241 = arith.constant 0 : i32
    %add3A_242 = vector.broadcast %add3A_241 : i32 to vector<16xi32>
    %add3A_243 = arith.addi %iota3A, %add3A_242 : vector<16xi32>
    %mul3A_244 = arith.constant 50 : i32
    %mul3A_245 = vector.broadcast %mul3A_244 : i32 to vector<16xi32>
    %mul3A_246 = arith.muli %add3A_243, %mul3A_245 : vector<16xi32>
    %add3A_247 = arith.constant 16 : i32
    %add3A_248 = vector.broadcast %add3A_247 : i32 to vector<16xi32>
    %add3A_249 = arith.addi %mul3A_246, %add3A_248 : vector<16xi32>
    %gather3A_250 = tpu.vector_load_idx %arg11[%add3A_249] : memref<6400xf32, #tpu.memory_space<vmem>>[vector<16xi32>], vector<16xf32>,
    %convert_element_type3A_251 = arith.fptosi %gather3A_250 : vector<16xf32> to vector<16xi32>
    %swap3A_252 = arith.constant 0 : index
    %swap3A_253 = tpu.vector_load %arg5[%swap3A_252] {strides = array<i32>} : memref<128xi32, #tpu.memory_space<vmem>>, vector<16xi32>,
    tpu.vector_store %arg5[%swap3A_252], %convert_element_type3A_251 {strides = array<i32>} : memref<128xi32, #tpu.memory_space<vmem>>, vector<16xi32>,
    %add3A_254 = arith.constant 16 : i32
    %add3A_255 = vector.broadcast %add3A_254 : i32 to vector<16xi32>
    %add3A_256 = arith.addi %iota3A, %add3A_255 : vector<16xi32>
    %mul3A_257 = arith.constant 50 : i32
    %mul3A_258 = vector.broadcast %mul3A_257 : i32 to vector<16xi32>
    %mul3A_259 = arith.muli %add3A_256, %mul3A_258 : vector<16xi32>
    %add3A_260 = arith.constant 16 : i32
    %add3A_261 = vector.broadcast %add3A_260 : i32 to vector<16xi32>
    %add3A_262 = arith.addi %mul3A_259, %add3A_261 : vector<16xi32>
    %gather3A_263 = tpu.vector_load_idx %arg11[%add3A_262] : memref<6400xf32, #tpu.memory_space<vmem>>[vector<16xi32>], vector<16xf32>,
    %convert_element_type3A_264 = arith.fptosi %gather3A_263 : vector<16xf32> to vector<16xi32>
    %swap3A_265 = arith.constant 16 : index
    %swap3A_266 = tpu.vector_load %arg5[%swap3A_265] {strides = array<i32>} : memref<128xi32, #tpu.memory_space<vmem>>, vector<16xi32>,
    tpu.vector_store %arg5[%swap3A_265], %convert_element_type3A_264 {strides = array<i32>} : memref<128xi32, #tpu.memory_space<vmem>>, vector<16xi32>,
    %add3A_267 = arith.constant 32 : i32
    %add3A_268 = vector.broadcast %add3A_267 : i32 to vector<16xi32>
    %add3A_269 = arith.addi %iota3A, %add3A_268 : vector<16xi32>
    %mul3A_270 = arith.constant 50 : i32
    %mul3A_271 = vector.broadcast %mul3A_270 : i32 to vector<16xi32>
    %mul3A_272 = arith.muli %add3A_269, %mul3A_271 : vector<16xi32>
    %add3A_273 = arith.constant 16 : i32
    %add3A_274 = vector.broadcast %add3A_273 : i32 to vector<16xi32>
    %add3A_275 = arith.addi %mul3A_272, %add3A_274 : vector<16xi32>
    %gather3A_276 = tpu.vector_load_idx %arg11[%add3A_275] : memref<6400xf32, #tpu.memory_space<vmem>>[vector<16xi32>], vector<16xf32>,
    %convert_element_type3A_277 = arith.fptosi %gather3A_276 : vector<16xf32> to vector<16xi32>
    %swap3A_278 = arith.constant 32 : index
    %swap3A_279 = tpu.vector_load %arg5[%swap3A_278] {strides = array<i32>} : memref<128xi32, #tpu.memory_space<vmem>>, vector<16xi32>,
    tpu.vector_store %arg5[%swap3A_278], %convert_element_type3A_277 {strides = array<i32>} : memref<128xi32, #tpu.memory_space<vmem>>, vector<16xi32>,
    %add3A_280 = arith.constant 48 : i32
    %add3A_281 = vector.broadcast %add3A_280 : i32 to vector<16xi32>
    %add3A_282 = arith.addi %iota3A, %add3A_281 : vector<16xi32>
    %mul3A_283 = arith.constant 50 : i32
    %mul3A_284 = vector.broadcast %mul3A_283 : i32 to vector<16xi32>
    %mul3A_285 = arith.muli %add3A_282, %mul3A_284 : vector<16xi32>
    %add3A_286 = arith.constant 16 : i32
    %add3A_287 = vector.broadcast %add3A_286 : i32 to vector<16xi32>
    %add3A_288 = arith.addi %mul3A_285, %add3A_287 : vector<16xi32>
    %gather3A_289 = tpu.vector_load_idx %arg11[%add3A_288] : memref<6400xf32, #tpu.memory_space<vmem>>[vector<16xi32>], vector<16xf32>,
    %convert_element_type3A_290 = arith.fptosi %gather3A_289 : vector<16xf32> to vector<16xi32>
    %swap3A_291 = arith.constant 48 : index
    %swap3A_292 = tpu.vector_load %arg5[%swap3A_291] {strides = array<i32>} : memref<128xi32, #tpu.memory_space<vmem>>, vector<16xi32>,
    tpu.vector_store %arg5[%swap3A_291], %convert_element_type3A_290 {strides = array<i32>} : memref<128xi32, #tpu.memory_space<vmem>>, vector<16xi32>,
    %add3A_293 = arith.constant 64 : i32
    %add3A_294 = vector.broadcast %add3A_293 : i32 to vector<16xi32>
    %add3A_295 = arith.addi %iota3A, %add3A_294 : vector<16xi32>
    %mul3A_296 = arith.constant 50 : i32
    %mul3A_297 = vector.broadcast %mul3A_296 : i32 to vector<16xi32>
    %mul3A_298 = arith.muli %add3A_295, %mul3A_297 : vector<16xi32>
    %add3A_299 = arith.constant 16 : i32
    %add3A_300 = vector.broadcast %add3A_299 : i32 to vector<16xi32>
    %add3A_301 = arith.addi %mul3A_298, %add3A_300 : vector<16xi32>
    %gather3A_302 = tpu.vector_load_idx %arg11[%add3A_301] : memref<6400xf32, #tpu.memory_space<vmem>>[vector<16xi32>], vector<16xf32>,
    %convert_element_type3A_303 = arith.fptosi %gather3A_302 : vector<16xf32> to vector<16xi32>
    %swap3A_304 = arith.constant 64 : index
    %swap3A_305 = tpu.vector_load %arg5[%swap3A_304] {strides = array<i32>} : memref<128xi32, #tpu.memory_space<vmem>>, vector<16xi32>,
    tpu.vector_store %arg5[%swap3A_304], %convert_element_type3A_303 {strides = array<i32>} : memref<128xi32, #tpu.memory_space<vmem>>, vector<16xi32>,
    %add3A_306 = arith.constant 80 : i32
    %add3A_307 = vector.broadcast %add3A_306 : i32 to vector<16xi32>
    %add3A_308 = arith.addi %iota3A, %add3A_307 : vector<16xi32>
    %mul3A_309 = arith.constant 50 : i32
    %mul3A_310 = vector.broadcast %mul3A_309 : i32 to vector<16xi32>
    %mul3A_311 = arith.muli %add3A_308, %mul3A_310 : vector<16xi32>
    %add3A_312 = arith.constant 16 : i32
    %add3A_313 = vector.broadcast %add3A_312 : i32 to vector<16xi32>
    %add3A_314 = arith.addi %mul3A_311, %add3A_313 : vector<16xi32>
    %gather3A_315 = tpu.vector_load_idx %arg11[%add3A_314] : memref<6400xf32, #tpu.memory_space<vmem>>[vector<16xi32>], vector<16xf32>,
    %convert_element_type3A_316 = arith.fptosi %gather3A_315 : vector<16xf32> to vector<16xi32>
    %swap3A_317 = arith.constant 80 : index
    %swap3A_318 = tpu.vector_load %arg5[%swap3A_317] {strides = array<i32>} : memref<128xi32, #tpu.memory_space<vmem>>, vector<16xi32>,
    tpu.vector_store %arg5[%swap3A_317], %convert_element_type3A_316 {strides = array<i32>} : memref<128xi32, #tpu.memory_space<vmem>>, vector<16xi32>,
    %add3A_319 = arith.constant 96 : i32
    %add3A_320 = vector.broadcast %add3A_319 : i32 to vector<16xi32>
    %add3A_321 = arith.addi %iota3A, %add3A_320 : vector<16xi32>
    %mul3A_322 = arith.constant 50 : i32
    %mul3A_323 = vector.broadcast %mul3A_322 : i32 to vector<16xi32>
    %mul3A_324 = arith.muli %add3A_321, %mul3A_323 : vector<16xi32>
    %add3A_325 = arith.constant 16 : i32
    %add3A_326 = vector.broadcast %add3A_325 : i32 to vector<16xi32>
    %add3A_327 = arith.addi %mul3A_324, %add3A_326 : vector<16xi32>
    %gather3A_328 = tpu.vector_load_idx %arg11[%add3A_327] : memref<6400xf32, #tpu.memory_space<vmem>>[vector<16xi32>], vector<16xf32>,
    %convert_element_type3A_329 = arith.fptosi %gather3A_328 : vector<16xf32> to vector<16xi32>
    %swap3A_330 = arith.constant 96 : index
    %swap3A_331 = tpu.vector_load %arg5[%swap3A_330] {strides = array<i32>} : memref<128xi32, #tpu.memory_space<vmem>>, vector<16xi32>,
    tpu.vector_store %arg5[%swap3A_330], %convert_element_type3A_329 {strides = array<i32>} : memref<128xi32, #tpu.memory_space<vmem>>, vector<16xi32>,
    %add3A_332 = arith.constant 112 : i32
    %add3A_333 = vector.broadcast %add3A_332 : i32 to vector<16xi32>
    %add3A_334 = arith.addi %iota3A, %add3A_333 : vector<16xi32>
    %mul3A_335 = arith.constant 50 : i32
    %mul3A_336 = vector.broadcast %mul3A_335 : i32 to vector<16xi32>
    %mul3A_337 = arith.muli %add3A_334, %mul3A_336 : vector<16xi32>
    %add3A_338 = arith.constant 16 : i32
    %add3A_339 = vector.broadcast %add3A_338 : i32 to vector<16xi32>
    %add3A_340 = arith.addi %mul3A_337, %add3A_339 : vector<16xi32>
    %gather3A_341 = tpu.vector_load_idx %arg11[%add3A_340] : memref<6400xf32, #tpu.memory_space<vmem>>[vector<16xi32>], vector<16xf32>,
    %convert_element_type3A_342 = arith.fptosi %gather3A_341 : vector<16xf32> to vector<16xi32>
    %swap3A_343 = arith.constant 112 : index
    %swap3A_344 = tpu.vector_load %arg5[%swap3A_343] {strides = array<i32>} : memref<128xi32, #tpu.memory_space<vmem>>, vector<16xi32>,
    tpu.vector_store %arg5[%swap3A_343], %convert_element_type3A_342 {strides = array<i32>} : memref<128xi32, #tpu.memory_space<vmem>>, vector<16xi32>,
    %dma_start3A_345 = arith.constant 0 : i32
    %dma_start3A_346 = arith.constant 0 : i32
    %dma_start3A_347 = tpu.memref_slice %arg3[%dma_start3A_345, %dma_start3A_346] : memref<100000x256xf32, #tpu.memory_space<hbm>> -> memref<100000x256xf32, #tpu.memory_space<hbm>>
    tpu.enqueue_indirect_dma source(%dma_start3A_347 : memref<100000x256xf32, #tpu.memory_space<hbm>>) target(%arg7 : memref<128x256xf32, #tpu.memory_space<vmem>>) offsets(%arg5 : memref<128xi32, #tpu.memory_space<vmem>>) semaphore(%arg9 : memref<!tpu.dma_semaphore, #tpu.memory_space<semaphore_mem>>)
    %dma_wait3A_348 = arith.constant 0 : i32
    %dma_wait3A_349 = arith.constant 0 : i32
    %dma_wait3A_350 = tpu.memref_slice %arg3[%dma_wait3A_348, %dma_wait3A_349] : memref<100000x256xf32, #tpu.memory_space<hbm>> -> memref<100000x256xf32, #tpu.memory_space<hbm>>
    tpu.wait_indirect_dma semaphore(%arg9 : memref<!tpu.dma_semaphore, #tpu.memory_space<semaphore_mem>>) src(%dma_wait3A_350 : memref<100000x256xf32, #tpu.memory_space<hbm>>) dst(%arg7 : memref<128x256xf32, #tpu.memory_space<vmem>>)
    %dma_start3A_351 = arith.constant 2 : i32
    %dma_start3A_352 = arith.constant 0 : i32
    %dma_start3A_353 = tpu.memref_slice %arg4[%dma_start3A_351, %mul3A_2, %dma_start3A_352] : memref<7x4096x256xf32, #tpu.memory_space<hbm>> -> memref<1x128x256xf32, #tpu.memory_space<hbm>>
    %dma_start3A_354 = tpu.memref_squeeze %dma_start3A_353 : memref<1x128x256xf32, #tpu.memory_space<hbm>> -> memref<128x256xf32, #tpu.memory_space<hbm>>
    %dma_start3A_355 = arith.constant 0 : i32
    %dma_start3A_356 = tpu.memref_slice %arg4[%dma_start3A_351, %mul3A_2, %dma_start3A_355] : memref<7x4096x256xf32, #tpu.memory_space<hbm>> -> memref<1x128x256xf32, #tpu.memory_space<hbm>>
    %dma_start3A_357 = tpu.memref_squeeze %dma_start3A_356 : memref<1x128x256xf32, #tpu.memory_space<hbm>> -> memref<128x256xf32, #tpu.memory_space<hbm>>
    tpu.enqueue_dma source(%arg7 : memref<128x256xf32, #tpu.memory_space<vmem>>) target(%dma_start3A_357 : memref<128x256xf32, #tpu.memory_space<hbm>>) target_semaphore(%arg10 : memref<!tpu.dma_semaphore, #tpu.memory_space<semaphore_mem>>)
    %dma_wait3A_358 = arith.constant 1 : i32
    %dma_wait3A_359 = arith.constant 0 : i32
    %dma_wait3A_360 = tpu.memref_slice %arg4[%dma_wait3A_358, %mul3A_2, %dma_wait3A_359] : memref<7x4096x256xf32, #tpu.memory_space<hbm>> -> memref<1x128x256xf32, #tpu.memory_space<hbm>>
    %dma_wait3A_361 = tpu.memref_squeeze %dma_wait3A_360 : memref<1x128x256xf32, #tpu.memory_space<hbm>> -> memref<128x256xf32, #tpu.memory_space<hbm>>
    %dma_wait3A_362 = arith.constant 0 : i32
    %dma_wait3A_363 = tpu.memref_slice %arg4[%dma_wait3A_358, %mul3A_2, %dma_wait3A_362] : memref<7x4096x256xf32, #tpu.memory_space<hbm>> -> memref<1x128x256xf32, #tpu.memory_space<hbm>>
    %dma_wait3A_364 = tpu.memref_squeeze %dma_wait3A_363 : memref<1x128x256xf32, #tpu.memory_space<hbm>> -> memref<128x256xf32, #tpu.memory_space<hbm>>
    tpu.wait_dma2 semaphore(%arg10 : memref<!tpu.dma_semaphore, #tpu.memory_space<semaphore_mem>>) src(%arg8 : memref<128x256xf32, #tpu.memory_space<vmem>>) dst(%dma_wait3A_364 : memref<128x256xf32, #tpu.memory_space<hbm>>)
    %add3A_365 = arith.constant 0 : i32
    %add3A_366 = vector.broadcast %add3A_365 : i32 to vector<16xi32>
    %add3A_367 = arith.addi %iota3A, %add3A_366 : vector<16xi32>
    %mul3A_368 = arith.constant 50 : i32
    %mul3A_369 = vector.broadcast %mul3A_368 : i32 to vector<16xi32>
    %mul3A_370 = arith.muli %add3A_367, %mul3A_369 : vector<16xi32>
    %add3A_371 = arith.constant 24 : i32
    %add3A_372 = vector.broadcast %add3A_371 : i32 to vector<16xi32>
    %add3A_373 = arith.addi %mul3A_370, %add3A_372 : vector<16xi32>
    %gather3A_374 = tpu.vector_load_idx %arg11[%add3A_373] : memref<6400xf32, #tpu.memory_space<vmem>>[vector<16xi32>], vector<16xf32>,
    %convert_element_type3A_375 = arith.fptosi %gather3A_374 : vector<16xf32> to vector<16xi32>
    %swap3A_376 = arith.constant 0 : index
    %swap3A_377 = tpu.vector_load %arg6[%swap3A_376] {strides = array<i32>} : memref<128xi32, #tpu.memory_space<vmem>>, vector<16xi32>,
    tpu.vector_store %arg6[%swap3A_376], %convert_element_type3A_375 {strides = array<i32>} : memref<128xi32, #tpu.memory_space<vmem>>, vector<16xi32>,
    %add3A_378 = arith.constant 16 : i32
    %add3A_379 = vector.broadcast %add3A_378 : i32 to vector<16xi32>
    %add3A_380 = arith.addi %iota3A, %add3A_379 : vector<16xi32>
    %mul3A_381 = arith.constant 50 : i32
    %mul3A_382 = vector.broadcast %mul3A_381 : i32 to vector<16xi32>
    %mul3A_383 = arith.muli %add3A_380, %mul3A_382 : vector<16xi32>
    %add3A_384 = arith.constant 24 : i32
    %add3A_385 = vector.broadcast %add3A_384 : i32 to vector<16xi32>
    %add3A_386 = arith.addi %mul3A_383, %add3A_385 : vector<16xi32>
    %gather3A_387 = tpu.vector_load_idx %arg11[%add3A_386] : memref<6400xf32, #tpu.memory_space<vmem>>[vector<16xi32>], vector<16xf32>,
    %convert_element_type3A_388 = arith.fptosi %gather3A_387 : vector<16xf32> to vector<16xi32>
    %swap3A_389 = arith.constant 16 : index
    %swap3A_390 = tpu.vector_load %arg6[%swap3A_389] {strides = array<i32>} : memref<128xi32, #tpu.memory_space<vmem>>, vector<16xi32>,
    tpu.vector_store %arg6[%swap3A_389], %convert_element_type3A_388 {strides = array<i32>} : memref<128xi32, #tpu.memory_space<vmem>>, vector<16xi32>,
    %add3A_391 = arith.constant 32 : i32
    %add3A_392 = vector.broadcast %add3A_391 : i32 to vector<16xi32>
    %add3A_393 = arith.addi %iota3A, %add3A_392 : vector<16xi32>
    %mul3A_394 = arith.constant 50 : i32
    %mul3A_395 = vector.broadcast %mul3A_394 : i32 to vector<16xi32>
    %mul3A_396 = arith.muli %add3A_393, %mul3A_395 : vector<16xi32>
    %add3A_397 = arith.constant 24 : i32
    %add3A_398 = vector.broadcast %add3A_397 : i32 to vector<16xi32>
    %add3A_399 = arith.addi %mul3A_396, %add3A_398 : vector<16xi32>
    %gather3A_400 = tpu.vector_load_idx %arg11[%add3A_399] : memref<6400xf32, #tpu.memory_space<vmem>>[vector<16xi32>], vector<16xf32>,
    %convert_element_type3A_401 = arith.fptosi %gather3A_400 : vector<16xf32> to vector<16xi32>
    %swap3A_402 = arith.constant 32 : index
    %swap3A_403 = tpu.vector_load %arg6[%swap3A_402] {strides = array<i32>} : memref<128xi32, #tpu.memory_space<vmem>>, vector<16xi32>,
    tpu.vector_store %arg6[%swap3A_402], %convert_element_type3A_401 {strides = array<i32>} : memref<128xi32, #tpu.memory_space<vmem>>, vector<16xi32>,
    %add3A_404 = arith.constant 48 : i32
    %add3A_405 = vector.broadcast %add3A_404 : i32 to vector<16xi32>
    %add3A_406 = arith.addi %iota3A, %add3A_405 : vector<16xi32>
    %mul3A_407 = arith.constant 50 : i32
    %mul3A_408 = vector.broadcast %mul3A_407 : i32 to vector<16xi32>
    %mul3A_409 = arith.muli %add3A_406, %mul3A_408 : vector<16xi32>
    %add3A_410 = arith.constant 24 : i32
    %add3A_411 = vector.broadcast %add3A_410 : i32 to vector<16xi32>
    %add3A_412 = arith.addi %mul3A_409, %add3A_411 : vector<16xi32>
    %gather3A_413 = tpu.vector_load_idx %arg11[%add3A_412] : memref<6400xf32, #tpu.memory_space<vmem>>[vector<16xi32>], vector<16xf32>,
    %convert_element_type3A_414 = arith.fptosi %gather3A_413 : vector<16xf32> to vector<16xi32>
    %swap3A_415 = arith.constant 48 : index
    %swap3A_416 = tpu.vector_load %arg6[%swap3A_415] {strides = array<i32>} : memref<128xi32, #tpu.memory_space<vmem>>, vector<16xi32>,
    tpu.vector_store %arg6[%swap3A_415], %convert_element_type3A_414 {strides = array<i32>} : memref<128xi32, #tpu.memory_space<vmem>>, vector<16xi32>,
    %add3A_417 = arith.constant 64 : i32
    %add3A_418 = vector.broadcast %add3A_417 : i32 to vector<16xi32>
    %add3A_419 = arith.addi %iota3A, %add3A_418 : vector<16xi32>
    %mul3A_420 = arith.constant 50 : i32
    %mul3A_421 = vector.broadcast %mul3A_420 : i32 to vector<16xi32>
    %mul3A_422 = arith.muli %add3A_419, %mul3A_421 : vector<16xi32>
    %add3A_423 = arith.constant 24 : i32
    %add3A_424 = vector.broadcast %add3A_423 : i32 to vector<16xi32>
    %add3A_425 = arith.addi %mul3A_422, %add3A_424 : vector<16xi32>
    %gather3A_426 = tpu.vector_load_idx %arg11[%add3A_425] : memref<6400xf32, #tpu.memory_space<vmem>>[vector<16xi32>], vector<16xf32>,
    %convert_element_type3A_427 = arith.fptosi %gather3A_426 : vector<16xf32> to vector<16xi32>
    %swap3A_428 = arith.constant 64 : index
    %swap3A_429 = tpu.vector_load %arg6[%swap3A_428] {strides = array<i32>} : memref<128xi32, #tpu.memory_space<vmem>>, vector<16xi32>,
    tpu.vector_store %arg6[%swap3A_428], %convert_element_type3A_427 {strides = array<i32>} : memref<128xi32, #tpu.memory_space<vmem>>, vector<16xi32>,
    %add3A_430 = arith.constant 80 : i32
    %add3A_431 = vector.broadcast %add3A_430 : i32 to vector<16xi32>
    %add3A_432 = arith.addi %iota3A, %add3A_431 : vector<16xi32>
    %mul3A_433 = arith.constant 50 : i32
    %mul3A_434 = vector.broadcast %mul3A_433 : i32 to vector<16xi32>
    %mul3A_435 = arith.muli %add3A_432, %mul3A_434 : vector<16xi32>
    %add3A_436 = arith.constant 24 : i32
    %add3A_437 = vector.broadcast %add3A_436 : i32 to vector<16xi32>
    %add3A_438 = arith.addi %mul3A_435, %add3A_437 : vector<16xi32>
    %gather3A_439 = tpu.vector_load_idx %arg11[%add3A_438] : memref<6400xf32, #tpu.memory_space<vmem>>[vector<16xi32>], vector<16xf32>,
    %convert_element_type3A_440 = arith.fptosi %gather3A_439 : vector<16xf32> to vector<16xi32>
    %swap3A_441 = arith.constant 80 : index
    %swap3A_442 = tpu.vector_load %arg6[%swap3A_441] {strides = array<i32>} : memref<128xi32, #tpu.memory_space<vmem>>, vector<16xi32>,
    tpu.vector_store %arg6[%swap3A_441], %convert_element_type3A_440 {strides = array<i32>} : memref<128xi32, #tpu.memory_space<vmem>>, vector<16xi32>,
    %add3A_443 = arith.constant 96 : i32
    %add3A_444 = vector.broadcast %add3A_443 : i32 to vector<16xi32>
    %add3A_445 = arith.addi %iota3A, %add3A_444 : vector<16xi32>
    %mul3A_446 = arith.constant 50 : i32
    %mul3A_447 = vector.broadcast %mul3A_446 : i32 to vector<16xi32>
    %mul3A_448 = arith.muli %add3A_445, %mul3A_447 : vector<16xi32>
    %add3A_449 = arith.constant 24 : i32
    %add3A_450 = vector.broadcast %add3A_449 : i32 to vector<16xi32>
    %add3A_451 = arith.addi %mul3A_448, %add3A_450 : vector<16xi32>
    %gather3A_452 = tpu.vector_load_idx %arg11[%add3A_451] : memref<6400xf32, #tpu.memory_space<vmem>>[vector<16xi32>], vector<16xf32>,
    %convert_element_type3A_453 = arith.fptosi %gather3A_452 : vector<16xf32> to vector<16xi32>
    %swap3A_454 = arith.constant 96 : index
    %swap3A_455 = tpu.vector_load %arg6[%swap3A_454] {strides = array<i32>} : memref<128xi32, #tpu.memory_space<vmem>>, vector<16xi32>,
    tpu.vector_store %arg6[%swap3A_454], %convert_element_type3A_453 {strides = array<i32>} : memref<128xi32, #tpu.memory_space<vmem>>, vector<16xi32>,
    %add3A_456 = arith.constant 112 : i32
    %add3A_457 = vector.broadcast %add3A_456 : i32 to vector<16xi32>
    %add3A_458 = arith.addi %iota3A, %add3A_457 : vector<16xi32>
    %mul3A_459 = arith.constant 50 : i32
    %mul3A_460 = vector.broadcast %mul3A_459 : i32 to vector<16xi32>
    %mul3A_461 = arith.muli %add3A_458, %mul3A_460 : vector<16xi32>
    %add3A_462 = arith.constant 24 : i32
    %add3A_463 = vector.broadcast %add3A_462 : i32 to vector<16xi32>
    %add3A_464 = arith.addi %mul3A_461, %add3A_463 : vector<16xi32>
    %gather3A_465 = tpu.vector_load_idx %arg11[%add3A_464] : memref<6400xf32, #tpu.memory_space<vmem>>[vector<16xi32>], vector<16xf32>,
    %convert_element_type3A_466 = arith.fptosi %gather3A_465 : vector<16xf32> to vector<16xi32>
    %swap3A_467 = arith.constant 112 : index
    %swap3A_468 = tpu.vector_load %arg6[%swap3A_467] {strides = array<i32>} : memref<128xi32, #tpu.memory_space<vmem>>, vector<16xi32>,
    tpu.vector_store %arg6[%swap3A_467], %convert_element_type3A_466 {strides = array<i32>} : memref<128xi32, #tpu.memory_space<vmem>>, vector<16xi32>,
    %dma_start3A_469 = arith.constant 0 : i32
    %dma_start3A_470 = arith.constant 0 : i32
    %dma_start3A_471 = tpu.memref_slice %arg3[%dma_start3A_469, %dma_start3A_470] : memref<100000x256xf32, #tpu.memory_space<hbm>> -> memref<100000x256xf32, #tpu.memory_space<hbm>>
    tpu.enqueue_indirect_dma source(%dma_start3A_471 : memref<100000x256xf32, #tpu.memory_space<hbm>>) target(%arg8 : memref<128x256xf32, #tpu.memory_space<vmem>>) offsets(%arg6 : memref<128xi32, #tpu.memory_space<vmem>>) semaphore(%arg9 : memref<!tpu.dma_semaphore, #tpu.memory_space<semaphore_mem>>)
    %dma_wait3A_472 = arith.constant 0 : i32
    %dma_wait3A_473 = arith.constant 0 : i32
    %dma_wait3A_474 = tpu.memref_slice %arg3[%dma_wait3A_472, %dma_wait3A_473] : memref<100000x256xf32, #tpu.memory_space<hbm>> -> memref<100000x256xf32, #tpu.memory_space<hbm>>
    tpu.wait_indirect_dma semaphore(%arg9 : memref<!tpu.dma_semaphore, #tpu.memory_space<semaphore_mem>>) src(%dma_wait3A_474 : memref<100000x256xf32, #tpu.memory_space<hbm>>) dst(%arg8 : memref<128x256xf32, #tpu.memory_space<vmem>>)
    %dma_start3A_475 = arith.constant 3 : i32
    %dma_start3A_476 = arith.constant 0 : i32
    %dma_start3A_477 = tpu.memref_slice %arg4[%dma_start3A_475, %mul3A_2, %dma_start3A_476] : memref<7x4096x256xf32, #tpu.memory_space<hbm>> -> memref<1x128x256xf32, #tpu.memory_space<hbm>>
    %dma_start3A_478 = tpu.memref_squeeze %dma_start3A_477 : memref<1x128x256xf32, #tpu.memory_space<hbm>> -> memref<128x256xf32, #tpu.memory_space<hbm>>
    %dma_start3A_479 = arith.constant 0 : i32
    %dma_start3A_480 = tpu.memref_slice %arg4[%dma_start3A_475, %mul3A_2, %dma_start3A_479] : memref<7x4096x256xf32, #tpu.memory_space<hbm>> -> memref<1x128x256xf32, #tpu.memory_space<hbm>>
    %dma_start3A_481 = tpu.memref_squeeze %dma_start3A_480 : memref<1x128x256xf32, #tpu.memory_space<hbm>> -> memref<128x256xf32, #tpu.memory_space<hbm>>
    tpu.enqueue_dma source(%arg8 : memref<128x256xf32, #tpu.memory_space<vmem>>) target(%dma_start3A_481 : memref<128x256xf32, #tpu.memory_space<hbm>>) target_semaphore(%arg10 : memref<!tpu.dma_semaphore, #tpu.memory_space<semaphore_mem>>)
    %dma_wait3A_482 = arith.constant 2 : i32
    %dma_wait3A_483 = arith.constant 0 : i32
    %dma_wait3A_484 = tpu.memref_slice %arg4[%dma_wait3A_482, %mul3A_2, %dma_wait3A_483] : memref<7x4096x256xf32, #tpu.memory_space<hbm>> -> memref<1x128x256xf32, #tpu.memory_space<hbm>>
    %dma_wait3A_485 = tpu.memref_squeeze %dma_wait3A_484 : memref<1x128x256xf32, #tpu.memory_space<hbm>> -> memref<128x256xf32, #tpu.memory_space<hbm>>
    %dma_wait3A_486 = arith.constant 0 : i32
    %dma_wait3A_487 = tpu.memref_slice %arg4[%dma_wait3A_482, %mul3A_2, %dma_wait3A_486] : memref<7x4096x256xf32, #tpu.memory_space<hbm>> -> memref<1x128x256xf32, #tpu.memory_space<hbm>>
    %dma_wait3A_488 = tpu.memref_squeeze %dma_wait3A_487 : memref<1x128x256xf32, #tpu.memory_space<hbm>> -> memref<128x256xf32, #tpu.memory_space<hbm>>
    tpu.wait_dma2 semaphore(%arg10 : memref<!tpu.dma_semaphore, #tpu.memory_space<semaphore_mem>>) src(%arg7 : memref<128x256xf32, #tpu.memory_space<vmem>>) dst(%dma_wait3A_488 : memref<128x256xf32, #tpu.memory_space<hbm>>)
    %add3A_489 = arith.constant 0 : i32
    %add3A_490 = vector.broadcast %add3A_489 : i32 to vector<16xi32>
    %add3A_491 = arith.addi %iota3A, %add3A_490 : vector<16xi32>
    %mul3A_492 = arith.constant 50 : i32
    %mul3A_493 = vector.broadcast %mul3A_492 : i32 to vector<16xi32>
    %mul3A_494 = arith.muli %add3A_491, %mul3A_493 : vector<16xi32>
    %add3A_495 = arith.constant 32 : i32
    %add3A_496 = vector.broadcast %add3A_495 : i32 to vector<16xi32>
    %add3A_497 = arith.addi %mul3A_494, %add3A_496 : vector<16xi32>
    %gather3A_498 = tpu.vector_load_idx %arg11[%add3A_497] : memref<6400xf32, #tpu.memory_space<vmem>>[vector<16xi32>], vector<16xf32>,
    %convert_element_type3A_499 = arith.fptosi %gather3A_498 : vector<16xf32> to vector<16xi32>
    %swap3A_500 = arith.constant 0 : index
    %swap3A_501 = tpu.vector_load %arg5[%swap3A_500] {strides = array<i32>} : memref<128xi32, #tpu.memory_space<vmem>>, vector<16xi32>,
    tpu.vector_store %arg5[%swap3A_500], %convert_element_type3A_499 {strides = array<i32>} : memref<128xi32, #tpu.memory_space<vmem>>, vector<16xi32>,
    %add3A_502 = arith.constant 16 : i32
    %add3A_503 = vector.broadcast %add3A_502 : i32 to vector<16xi32>
    %add3A_504 = arith.addi %iota3A, %add3A_503 : vector<16xi32>
    %mul3A_505 = arith.constant 50 : i32
    %mul3A_506 = vector.broadcast %mul3A_505 : i32 to vector<16xi32>
    %mul3A_507 = arith.muli %add3A_504, %mul3A_506 : vector<16xi32>
    %add3A_508 = arith.constant 32 : i32
    %add3A_509 = vector.broadcast %add3A_508 : i32 to vector<16xi32>
    %add3A_510 = arith.addi %mul3A_507, %add3A_509 : vector<16xi32>
    %gather3A_511 = tpu.vector_load_idx %arg11[%add3A_510] : memref<6400xf32, #tpu.memory_space<vmem>>[vector<16xi32>], vector<16xf32>,
    %convert_element_type3A_512 = arith.fptosi %gather3A_511 : vector<16xf32> to vector<16xi32>
    %swap3A_513 = arith.constant 16 : index
    %swap3A_514 = tpu.vector_load %arg5[%swap3A_513] {strides = array<i32>} : memref<128xi32, #tpu.memory_space<vmem>>, vector<16xi32>,
    tpu.vector_store %arg5[%swap3A_513], %convert_element_type3A_512 {strides = array<i32>} : memref<128xi32, #tpu.memory_space<vmem>>, vector<16xi32>,
    %add3A_515 = arith.constant 32 : i32
    %add3A_516 = vector.broadcast %add3A_515 : i32 to vector<16xi32>
    %add3A_517 = arith.addi %iota3A, %add3A_516 : vector<16xi32>
    %mul3A_518 = arith.constant 50 : i32
    %mul3A_519 = vector.broadcast %mul3A_518 : i32 to vector<16xi32>
    %mul3A_520 = arith.muli %add3A_517, %mul3A_519 : vector<16xi32>
    %add3A_521 = arith.constant 32 : i32
    %add3A_522 = vector.broadcast %add3A_521 : i32 to vector<16xi32>
    %add3A_523 = arith.addi %mul3A_520, %add3A_522 : vector<16xi32>
    %gather3A_524 = tpu.vector_load_idx %arg11[%add3A_523] : memref<6400xf32, #tpu.memory_space<vmem>>[vector<16xi32>], vector<16xf32>,
    %convert_element_type3A_525 = arith.fptosi %gather3A_524 : vector<16xf32> to vector<16xi32>
    %swap3A_526 = arith.constant 32 : index
    %swap3A_527 = tpu.vector_load %arg5[%swap3A_526] {strides = array<i32>} : memref<128xi32, #tpu.memory_space<vmem>>, vector<16xi32>,
    tpu.vector_store %arg5[%swap3A_526], %convert_element_type3A_525 {strides = array<i32>} : memref<128xi32, #tpu.memory_space<vmem>>, vector<16xi32>,
    %add3A_528 = arith.constant 48 : i32
    %add3A_529 = vector.broadcast %add3A_528 : i32 to vector<16xi32>
    %add3A_530 = arith.addi %iota3A, %add3A_529 : vector<16xi32>
    %mul3A_531 = arith.constant 50 : i32
    %mul3A_532 = vector.broadcast %mul3A_531 : i32 to vector<16xi32>
    %mul3A_533 = arith.muli %add3A_530, %mul3A_532 : vector<16xi32>
    %add3A_534 = arith.constant 32 : i32
    %add3A_535 = vector.broadcast %add3A_534 : i32 to vector<16xi32>
    %add3A_536 = arith.addi %mul3A_533, %add3A_535 : vector<16xi32>
    %gather3A_537 = tpu.vector_load_idx %arg11[%add3A_536] : memref<6400xf32, #tpu.memory_space<vmem>>[vector<16xi32>], vector<16xf32>,
    %convert_element_type3A_538 = arith.fptosi %gather3A_537 : vector<16xf32> to vector<16xi32>
    %swap3A_539 = arith.constant 48 : index
    %swap3A_540 = tpu.vector_load %arg5[%swap3A_539] {strides = array<i32>} : memref<128xi32, #tpu.memory_space<vmem>>, vector<16xi32>,
    tpu.vector_store %arg5[%swap3A_539], %convert_element_type3A_538 {strides = array<i32>} : memref<128xi32, #tpu.memory_space<vmem>>, vector<16xi32>,
    %add3A_541 = arith.constant 64 : i32
    %add3A_542 = vector.broadcast %add3A_541 : i32 to vector<16xi32>
    %add3A_543 = arith.addi %iota3A, %add3A_542 : vector<16xi32>
    %mul3A_544 = arith.constant 50 : i32
    %mul3A_545 = vector.broadcast %mul3A_544 : i32 to vector<16xi32>
    %mul3A_546 = arith.muli %add3A_543, %mul3A_545 : vector<16xi32>
    %add3A_547 = arith.constant 32 : i32
    %add3A_548 = vector.broadcast %add3A_547 : i32 to vector<16xi32>
    %add3A_549 = arith.addi %mul3A_546, %add3A_548 : vector<16xi32>
    %gather3A_550 = tpu.vector_load_idx %arg11[%add3A_549] : memref<6400xf32, #tpu.memory_space<vmem>>[vector<16xi32>], vector<16xf32>,
    %convert_element_type3A_551 = arith.fptosi %gather3A_550 : vector<16xf32> to vector<16xi32>
    %swap3A_552 = arith.constant 64 : index
    %swap3A_553 = tpu.vector_load %arg5[%swap3A_552] {strides = array<i32>} : memref<128xi32, #tpu.memory_space<vmem>>, vector<16xi32>,
    tpu.vector_store %arg5[%swap3A_552], %convert_element_type3A_551 {strides = array<i32>} : memref<128xi32, #tpu.memory_space<vmem>>, vector<16xi32>,
    %add3A_554 = arith.constant 80 : i32
    %add3A_555 = vector.broadcast %add3A_554 : i32 to vector<16xi32>
    %add3A_556 = arith.addi %iota3A, %add3A_555 : vector<16xi32>
    %mul3A_557 = arith.constant 50 : i32
    %mul3A_558 = vector.broadcast %mul3A_557 : i32 to vector<16xi32>
    %mul3A_559 = arith.muli %add3A_556, %mul3A_558 : vector<16xi32>
    %add3A_560 = arith.constant 32 : i32
    %add3A_561 = vector.broadcast %add3A_560 : i32 to vector<16xi32>
    %add3A_562 = arith.addi %mul3A_559, %add3A_561 : vector<16xi32>
    %gather3A_563 = tpu.vector_load_idx %arg11[%add3A_562] : memref<6400xf32, #tpu.memory_space<vmem>>[vector<16xi32>], vector<16xf32>,
    %convert_element_type3A_564 = arith.fptosi %gather3A_563 : vector<16xf32> to vector<16xi32>
    %swap3A_565 = arith.constant 80 : index
    %swap3A_566 = tpu.vector_load %arg5[%swap3A_565] {strides = array<i32>} : memref<128xi32, #tpu.memory_space<vmem>>, vector<16xi32>,
    tpu.vector_store %arg5[%swap3A_565], %convert_element_type3A_564 {strides = array<i32>} : memref<128xi32, #tpu.memory_space<vmem>>, vector<16xi32>,
    %add3A_567 = arith.constant 96 : i32
    %add3A_568 = vector.broadcast %add3A_567 : i32 to vector<16xi32>
    %add3A_569 = arith.addi %iota3A, %add3A_568 : vector<16xi32>
    %mul3A_570 = arith.constant 50 : i32
    %mul3A_571 = vector.broadcast %mul3A_570 : i32 to vector<16xi32>
    %mul3A_572 = arith.muli %add3A_569, %mul3A_571 : vector<16xi32>
    %add3A_573 = arith.constant 32 : i32
    %add3A_574 = vector.broadcast %add3A_573 : i32 to vector<16xi32>
    %add3A_575 = arith.addi %mul3A_572, %add3A_574 : vector<16xi32>
    %gather3A_576 = tpu.vector_load_idx %arg11[%add3A_575] : memref<6400xf32, #tpu.memory_space<vmem>>[vector<16xi32>], vector<16xf32>,
    %convert_element_type3A_577 = arith.fptosi %gather3A_576 : vector<16xf32> to vector<16xi32>
    %swap3A_578 = arith.constant 96 : index
    %swap3A_579 = tpu.vector_load %arg5[%swap3A_578] {strides = array<i32>} : memref<128xi32, #tpu.memory_space<vmem>>, vector<16xi32>,
    tpu.vector_store %arg5[%swap3A_578], %convert_element_type3A_577 {strides = array<i32>} : memref<128xi32, #tpu.memory_space<vmem>>, vector<16xi32>,
    %add3A_580 = arith.constant 112 : i32
    %add3A_581 = vector.broadcast %add3A_580 : i32 to vector<16xi32>
    %add3A_582 = arith.addi %iota3A, %add3A_581 : vector<16xi32>
    %mul3A_583 = arith.constant 50 : i32
    %mul3A_584 = vector.broadcast %mul3A_583 : i32 to vector<16xi32>
    %mul3A_585 = arith.muli %add3A_582, %mul3A_584 : vector<16xi32>
    %add3A_586 = arith.constant 32 : i32
    %add3A_587 = vector.broadcast %add3A_586 : i32 to vector<16xi32>
    %add3A_588 = arith.addi %mul3A_585, %add3A_587 : vector<16xi32>
    %gather3A_589 = tpu.vector_load_idx %arg11[%add3A_588] : memref<6400xf32, #tpu.memory_space<vmem>>[vector<16xi32>], vector<16xf32>,
    %convert_element_type3A_590 = arith.fptosi %gather3A_589 : vector<16xf32> to vector<16xi32>
    %swap3A_591 = arith.constant 112 : index
    %swap3A_592 = tpu.vector_load %arg5[%swap3A_591] {strides = array<i32>} : memref<128xi32, #tpu.memory_space<vmem>>, vector<16xi32>,
    tpu.vector_store %arg5[%swap3A_591], %convert_element_type3A_590 {strides = array<i32>} : memref<128xi32, #tpu.memory_space<vmem>>, vector<16xi32>,
    %dma_start3A_593 = arith.constant 0 : i32
    %dma_start3A_594 = arith.constant 0 : i32
    %dma_start3A_595 = tpu.memref_slice %arg3[%dma_start3A_593, %dma_start3A_594] : memref<100000x256xf32, #tpu.memory_space<hbm>> -> memref<100000x256xf32, #tpu.memory_space<hbm>>
    tpu.enqueue_indirect_dma source(%dma_start3A_595 : memref<100000x256xf32, #tpu.memory_space<hbm>>) target(%arg7 : memref<128x256xf32, #tpu.memory_space<vmem>>) offsets(%arg5 : memref<128xi32, #tpu.memory_space<vmem>>) semaphore(%arg9 : memref<!tpu.dma_semaphore, #tpu.memory_space<semaphore_mem>>)
    %dma_wait3A_596 = arith.constant 0 : i32
    %dma_wait3A_597 = arith.constant 0 : i32
    %dma_wait3A_598 = tpu.memref_slice %arg3[%dma_wait3A_596, %dma_wait3A_597] : memref<100000x256xf32, #tpu.memory_space<hbm>> -> memref<100000x256xf32, #tpu.memory_space<hbm>>
    tpu.wait_indirect_dma semaphore(%arg9 : memref<!tpu.dma_semaphore, #tpu.memory_space<semaphore_mem>>) src(%dma_wait3A_598 : memref<100000x256xf32, #tpu.memory_space<hbm>>) dst(%arg7 : memref<128x256xf32, #tpu.memory_space<vmem>>)
    %dma_start3A_599 = arith.constant 4 : i32
    %dma_start3A_600 = arith.constant 0 : i32
    %dma_start3A_601 = tpu.memref_slice %arg4[%dma_start3A_599, %mul3A_2, %dma_start3A_600] : memref<7x4096x256xf32, #tpu.memory_space<hbm>> -> memref<1x128x256xf32, #tpu.memory_space<hbm>>
    %dma_start3A_602 = tpu.memref_squeeze %dma_start3A_601 : memref<1x128x256xf32, #tpu.memory_space<hbm>> -> memref<128x256xf32, #tpu.memory_space<hbm>>
    %dma_start3A_603 = arith.constant 0 : i32
    %dma_start3A_604 = tpu.memref_slice %arg4[%dma_start3A_599, %mul3A_2, %dma_start3A_603] : memref<7x4096x256xf32, #tpu.memory_space<hbm>> -> memref<1x128x256xf32, #tpu.memory_space<hbm>>
    %dma_start3A_605 = tpu.memref_squeeze %dma_start3A_604 : memref<1x128x256xf32, #tpu.memory_space<hbm>> -> memref<128x256xf32, #tpu.memory_space<hbm>>
    tpu.enqueue_dma source(%arg7 : memref<128x256xf32, #tpu.memory_space<vmem>>) target(%dma_start3A_605 : memref<128x256xf32, #tpu.memory_space<hbm>>) target_semaphore(%arg10 : memref<!tpu.dma_semaphore, #tpu.memory_space<semaphore_mem>>)
    %dma_wait3A_606 = arith.constant 3 : i32
    %dma_wait3A_607 = arith.constant 0 : i32
    %dma_wait3A_608 = tpu.memref_slice %arg4[%dma_wait3A_606, %mul3A_2, %dma_wait3A_607] : memref<7x4096x256xf32, #tpu.memory_space<hbm>> -> memref<1x128x256xf32, #tpu.memory_space<hbm>>
    %dma_wait3A_609 = tpu.memref_squeeze %dma_wait3A_608 : memref<1x128x256xf32, #tpu.memory_space<hbm>> -> memref<128x256xf32, #tpu.memory_space<hbm>>
    %dma_wait3A_610 = arith.constant 0 : i32
    %dma_wait3A_611 = tpu.memref_slice %arg4[%dma_wait3A_606, %mul3A_2, %dma_wait3A_610] : memref<7x4096x256xf32, #tpu.memory_space<hbm>> -> memref<1x128x256xf32, #tpu.memory_space<hbm>>
    %dma_wait3A_612 = tpu.memref_squeeze %dma_wait3A_611 : memref<1x128x256xf32, #tpu.memory_space<hbm>> -> memref<128x256xf32, #tpu.memory_space<hbm>>
    tpu.wait_dma2 semaphore(%arg10 : memref<!tpu.dma_semaphore, #tpu.memory_space<semaphore_mem>>) src(%arg8 : memref<128x256xf32, #tpu.memory_space<vmem>>) dst(%dma_wait3A_612 : memref<128x256xf32, #tpu.memory_space<hbm>>)
    %add3A_613 = arith.constant 0 : i32
    %add3A_614 = vector.broadcast %add3A_613 : i32 to vector<16xi32>
    %add3A_615 = arith.addi %iota3A, %add3A_614 : vector<16xi32>
    %mul3A_616 = arith.constant 50 : i32
    %mul3A_617 = vector.broadcast %mul3A_616 : i32 to vector<16xi32>
    %mul3A_618 = arith.muli %add3A_615, %mul3A_617 : vector<16xi32>
    %add3A_619 = arith.constant 40 : i32
    %add3A_620 = vector.broadcast %add3A_619 : i32 to vector<16xi32>
    %add3A_621 = arith.addi %mul3A_618, %add3A_620 : vector<16xi32>
    %gather3A_622 = tpu.vector_load_idx %arg11[%add3A_621] : memref<6400xf32, #tpu.memory_space<vmem>>[vector<16xi32>], vector<16xf32>,
    %convert_element_type3A_623 = arith.fptosi %gather3A_622 : vector<16xf32> to vector<16xi32>
    %swap3A_624 = arith.constant 0 : index
    %swap3A_625 = tpu.vector_load %arg6[%swap3A_624] {strides = array<i32>} : memref<128xi32, #tpu.memory_space<vmem>>, vector<16xi32>,
    tpu.vector_store %arg6[%swap3A_624], %convert_element_type3A_623 {strides = array<i32>} : memref<128xi32, #tpu.memory_space<vmem>>, vector<16xi32>,
    %add3A_626 = arith.constant 16 : i32
    %add3A_627 = vector.broadcast %add3A_626 : i32 to vector<16xi32>
    %add3A_628 = arith.addi %iota3A, %add3A_627 : vector<16xi32>
    %mul3A_629 = arith.constant 50 : i32
    %mul3A_630 = vector.broadcast %mul3A_629 : i32 to vector<16xi32>
    %mul3A_631 = arith.muli %add3A_628, %mul3A_630 : vector<16xi32>
    %add3A_632 = arith.constant 40 : i32
    %add3A_633 = vector.broadcast %add3A_632 : i32 to vector<16xi32>
    %add3A_634 = arith.addi %mul3A_631, %add3A_633 : vector<16xi32>
    %gather3A_635 = tpu.vector_load_idx %arg11[%add3A_634] : memref<6400xf32, #tpu.memory_space<vmem>>[vector<16xi32>], vector<16xf32>,
    %convert_element_type3A_636 = arith.fptosi %gather3A_635 : vector<16xf32> to vector<16xi32>
    %swap3A_637 = arith.constant 16 : index
    %swap3A_638 = tpu.vector_load %arg6[%swap3A_637] {strides = array<i32>} : memref<128xi32, #tpu.memory_space<vmem>>, vector<16xi32>,
    tpu.vector_store %arg6[%swap3A_637], %convert_element_type3A_636 {strides = array<i32>} : memref<128xi32, #tpu.memory_space<vmem>>, vector<16xi32>,
    %add3A_639 = arith.constant 32 : i32
    %add3A_640 = vector.broadcast %add3A_639 : i32 to vector<16xi32>
    %add3A_641 = arith.addi %iota3A, %add3A_640 : vector<16xi32>
    %mul3A_642 = arith.constant 50 : i32
    %mul3A_643 = vector.broadcast %mul3A_642 : i32 to vector<16xi32>
    %mul3A_644 = arith.muli %add3A_641, %mul3A_643 : vector<16xi32>
    %add3A_645 = arith.constant 40 : i32
    %add3A_646 = vector.broadcast %add3A_645 : i32 to vector<16xi32>
    %add3A_647 = arith.addi %mul3A_644, %add3A_646 : vector<16xi32>
    %gather3A_648 = tpu.vector_load_idx %arg11[%add3A_647] : memref<6400xf32, #tpu.memory_space<vmem>>[vector<16xi32>], vector<16xf32>,
    %convert_element_type3A_649 = arith.fptosi %gather3A_648 : vector<16xf32> to vector<16xi32>
    %swap3A_650 = arith.constant 32 : index
    %swap3A_651 = tpu.vector_load %arg6[%swap3A_650] {strides = array<i32>} : memref<128xi32, #tpu.memory_space<vmem>>, vector<16xi32>,
    tpu.vector_store %arg6[%swap3A_650], %convert_element_type3A_649 {strides = array<i32>} : memref<128xi32, #tpu.memory_space<vmem>>, vector<16xi32>,
    %add3A_652 = arith.constant 48 : i32
    %add3A_653 = vector.broadcast %add3A_652 : i32 to vector<16xi32>
    %add3A_654 = arith.addi %iota3A, %add3A_653 : vector<16xi32>
    %mul3A_655 = arith.constant 50 : i32
    %mul3A_656 = vector.broadcast %mul3A_655 : i32 to vector<16xi32>
    %mul3A_657 = arith.muli %add3A_654, %mul3A_656 : vector<16xi32>
    %add3A_658 = arith.constant 40 : i32
    %add3A_659 = vector.broadcast %add3A_658 : i32 to vector<16xi32>
    %add3A_660 = arith.addi %mul3A_657, %add3A_659 : vector<16xi32>
    %gather3A_661 = tpu.vector_load_idx %arg11[%add3A_660] : memref<6400xf32, #tpu.memory_space<vmem>>[vector<16xi32>], vector<16xf32>,
    %convert_element_type3A_662 = arith.fptosi %gather3A_661 : vector<16xf32> to vector<16xi32>
    %swap3A_663 = arith.constant 48 : index
    %swap3A_664 = tpu.vector_load %arg6[%swap3A_663] {strides = array<i32>} : memref<128xi32, #tpu.memory_space<vmem>>, vector<16xi32>,
    tpu.vector_store %arg6[%swap3A_663], %convert_element_type3A_662 {strides = array<i32>} : memref<128xi32, #tpu.memory_space<vmem>>, vector<16xi32>,
    %add3A_665 = arith.constant 64 : i32
    %add3A_666 = vector.broadcast %add3A_665 : i32 to vector<16xi32>
    %add3A_667 = arith.addi %iota3A, %add3A_666 : vector<16xi32>
    %mul3A_668 = arith.constant 50 : i32
    %mul3A_669 = vector.broadcast %mul3A_668 : i32 to vector<16xi32>
    %mul3A_670 = arith.muli %add3A_667, %mul3A_669 : vector<16xi32>
    %add3A_671 = arith.constant 40 : i32
    %add3A_672 = vector.broadcast %add3A_671 : i32 to vector<16xi32>
    %add3A_673 = arith.addi %mul3A_670, %add3A_672 : vector<16xi32>
    %gather3A_674 = tpu.vector_load_idx %arg11[%add3A_673] : memref<6400xf32, #tpu.memory_space<vmem>>[vector<16xi32>], vector<16xf32>,
    %convert_element_type3A_675 = arith.fptosi %gather3A_674 : vector<16xf32> to vector<16xi32>
    %swap3A_676 = arith.constant 64 : index
    %swap3A_677 = tpu.vector_load %arg6[%swap3A_676] {strides = array<i32>} : memref<128xi32, #tpu.memory_space<vmem>>, vector<16xi32>,
    tpu.vector_store %arg6[%swap3A_676], %convert_element_type3A_675 {strides = array<i32>} : memref<128xi32, #tpu.memory_space<vmem>>, vector<16xi32>,
    %add3A_678 = arith.constant 80 : i32
    %add3A_679 = vector.broadcast %add3A_678 : i32 to vector<16xi32>
    %add3A_680 = arith.addi %iota3A, %add3A_679 : vector<16xi32>
    %mul3A_681 = arith.constant 50 : i32
    %mul3A_682 = vector.broadcast %mul3A_681 : i32 to vector<16xi32>
    %mul3A_683 = arith.muli %add3A_680, %mul3A_682 : vector<16xi32>
    %add3A_684 = arith.constant 40 : i32
    %add3A_685 = vector.broadcast %add3A_684 : i32 to vector<16xi32>
    %add3A_686 = arith.addi %mul3A_683, %add3A_685 : vector<16xi32>
    %gather3A_687 = tpu.vector_load_idx %arg11[%add3A_686] : memref<6400xf32, #tpu.memory_space<vmem>>[vector<16xi32>], vector<16xf32>,
    %convert_element_type3A_688 = arith.fptosi %gather3A_687 : vector<16xf32> to vector<16xi32>
    %swap3A_689 = arith.constant 80 : index
    %swap3A_690 = tpu.vector_load %arg6[%swap3A_689] {strides = array<i32>} : memref<128xi32, #tpu.memory_space<vmem>>, vector<16xi32>,
    tpu.vector_store %arg6[%swap3A_689], %convert_element_type3A_688 {strides = array<i32>} : memref<128xi32, #tpu.memory_space<vmem>>, vector<16xi32>,
    %add3A_691 = arith.constant 96 : i32
    %add3A_692 = vector.broadcast %add3A_691 : i32 to vector<16xi32>
    %add3A_693 = arith.addi %iota3A, %add3A_692 : vector<16xi32>
    %mul3A_694 = arith.constant 50 : i32
    %mul3A_695 = vector.broadcast %mul3A_694 : i32 to vector<16xi32>
    %mul3A_696 = arith.muli %add3A_693, %mul3A_695 : vector<16xi32>
    %add3A_697 = arith.constant 40 : i32
    %add3A_698 = vector.broadcast %add3A_697 : i32 to vector<16xi32>
    %add3A_699 = arith.addi %mul3A_696, %add3A_698 : vector<16xi32>
    %gather3A_700 = tpu.vector_load_idx %arg11[%add3A_699] : memref<6400xf32, #tpu.memory_space<vmem>>[vector<16xi32>], vector<16xf32>,
    %convert_element_type3A_701 = arith.fptosi %gather3A_700 : vector<16xf32> to vector<16xi32>
    %swap3A_702 = arith.constant 96 : index
    %swap3A_703 = tpu.vector_load %arg6[%swap3A_702] {strides = array<i32>} : memref<128xi32, #tpu.memory_space<vmem>>, vector<16xi32>,
    tpu.vector_store %arg6[%swap3A_702], %convert_element_type3A_701 {strides = array<i32>} : memref<128xi32, #tpu.memory_space<vmem>>, vector<16xi32>,
    %add3A_704 = arith.constant 112 : i32
    %add3A_705 = vector.broadcast %add3A_704 : i32 to vector<16xi32>
    %add3A_706 = arith.addi %iota3A, %add3A_705 : vector<16xi32>
    %mul3A_707 = arith.constant 50 : i32
    %mul3A_708 = vector.broadcast %mul3A_707 : i32 to vector<16xi32>
    %mul3A_709 = arith.muli %add3A_706, %mul3A_708 : vector<16xi32>
    %add3A_710 = arith.constant 40 : i32
    %add3A_711 = vector.broadcast %add3A_710 : i32 to vector<16xi32>
    %add3A_712 = arith.addi %mul3A_709, %add3A_711 : vector<16xi32>
    %gather3A_713 = tpu.vector_load_idx %arg11[%add3A_712] : memref<6400xf32, #tpu.memory_space<vmem>>[vector<16xi32>], vector<16xf32>,
    %convert_element_type3A_714 = arith.fptosi %gather3A_713 : vector<16xf32> to vector<16xi32>
    %swap3A_715 = arith.constant 112 : index
    %swap3A_716 = tpu.vector_load %arg6[%swap3A_715] {strides = array<i32>} : memref<128xi32, #tpu.memory_space<vmem>>, vector<16xi32>,
    tpu.vector_store %arg6[%swap3A_715], %convert_element_type3A_714 {strides = array<i32>} : memref<128xi32, #tpu.memory_space<vmem>>, vector<16xi32>,
    %dma_start3A_717 = arith.constant 0 : i32
    %dma_start3A_718 = arith.constant 0 : i32
    %dma_start3A_719 = tpu.memref_slice %arg3[%dma_start3A_717, %dma_start3A_718] : memref<100000x256xf32, #tpu.memory_space<hbm>> -> memref<100000x256xf32, #tpu.memory_space<hbm>>
    tpu.enqueue_indirect_dma source(%dma_start3A_719 : memref<100000x256xf32, #tpu.memory_space<hbm>>) target(%arg8 : memref<128x256xf32, #tpu.memory_space<vmem>>) offsets(%arg6 : memref<128xi32, #tpu.memory_space<vmem>>) semaphore(%arg9 : memref<!tpu.dma_semaphore, #tpu.memory_space<semaphore_mem>>)
    %dma_wait3A_720 = arith.constant 0 : i32
    %dma_wait3A_721 = arith.constant 0 : i32
    %dma_wait3A_722 = tpu.memref_slice %arg3[%dma_wait3A_720, %dma_wait3A_721] : memref<100000x256xf32, #tpu.memory_space<hbm>> -> memref<100000x256xf32, #tpu.memory_space<hbm>>
    tpu.wait_indirect_dma semaphore(%arg9 : memref<!tpu.dma_semaphore, #tpu.memory_space<semaphore_mem>>) src(%dma_wait3A_722 : memref<100000x256xf32, #tpu.memory_space<hbm>>) dst(%arg8 : memref<128x256xf32, #tpu.memory_space<vmem>>)
    %dma_start3A_723 = arith.constant 5 : i32
    %dma_start3A_724 = arith.constant 0 : i32
    %dma_start3A_725 = tpu.memref_slice %arg4[%dma_start3A_723, %mul3A_2, %dma_start3A_724] : memref<7x4096x256xf32, #tpu.memory_space<hbm>> -> memref<1x128x256xf32, #tpu.memory_space<hbm>>
    %dma_start3A_726 = tpu.memref_squeeze %dma_start3A_725 : memref<1x128x256xf32, #tpu.memory_space<hbm>> -> memref<128x256xf32, #tpu.memory_space<hbm>>
    %dma_start3A_727 = arith.constant 0 : i32
    %dma_start3A_728 = tpu.memref_slice %arg4[%dma_start3A_723, %mul3A_2, %dma_start3A_727] : memref<7x4096x256xf32, #tpu.memory_space<hbm>> -> memref<1x128x256xf32, #tpu.memory_space<hbm>>
    %dma_start3A_729 = tpu.memref_squeeze %dma_start3A_728 : memref<1x128x256xf32, #tpu.memory_space<hbm>> -> memref<128x256xf32, #tpu.memory_space<hbm>>
    tpu.enqueue_dma source(%arg8 : memref<128x256xf32, #tpu.memory_space<vmem>>) target(%dma_start3A_729 : memref<128x256xf32, #tpu.memory_space<hbm>>) target_semaphore(%arg10 : memref<!tpu.dma_semaphore, #tpu.memory_space<semaphore_mem>>)
    %dma_wait3A_730 = arith.constant 4 : i32
    %dma_wait3A_731 = arith.constant 0 : i32
    %dma_wait3A_732 = tpu.memref_slice %arg4[%dma_wait3A_730, %mul3A_2, %dma_wait3A_731] : memref<7x4096x256xf32, #tpu.memory_space<hbm>> -> memref<1x128x256xf32, #tpu.memory_space<hbm>>
    %dma_wait3A_733 = tpu.memref_squeeze %dma_wait3A_732 : memref<1x128x256xf32, #tpu.memory_space<hbm>> -> memref<128x256xf32, #tpu.memory_space<hbm>>
    %dma_wait3A_734 = arith.constant 0 : i32
    %dma_wait3A_735 = tpu.memref_slice %arg4[%dma_wait3A_730, %mul3A_2, %dma_wait3A_734] : memref<7x4096x256xf32, #tpu.memory_space<hbm>> -> memref<1x128x256xf32, #tpu.memory_space<hbm>>
    %dma_wait3A_736 = tpu.memref_squeeze %dma_wait3A_735 : memref<1x128x256xf32, #tpu.memory_space<hbm>> -> memref<128x256xf32, #tpu.memory_space<hbm>>
    tpu.wait_dma2 semaphore(%arg10 : memref<!tpu.dma_semaphore, #tpu.memory_space<semaphore_mem>>) src(%arg7 : memref<128x256xf32, #tpu.memory_space<vmem>>) dst(%dma_wait3A_736 : memref<128x256xf32, #tpu.memory_space<hbm>>)
    %add3A_737 = arith.constant 0 : i32
    %add3A_738 = vector.broadcast %add3A_737 : i32 to vector<16xi32>
    %add3A_739 = arith.addi %iota3A, %add3A_738 : vector<16xi32>
    %mul3A_740 = arith.constant 50 : i32
    %mul3A_741 = vector.broadcast %mul3A_740 : i32 to vector<16xi32>
    %mul3A_742 = arith.muli %add3A_739, %mul3A_741 : vector<16xi32>
    %add3A_743 = arith.constant 48 : i32
    %add3A_744 = vector.broadcast %add3A_743 : i32 to vector<16xi32>
    %add3A_745 = arith.addi %mul3A_742, %add3A_744 : vector<16xi32>
    %gather3A_746 = tpu.vector_load_idx %arg11[%add3A_745] : memref<6400xf32, #tpu.memory_space<vmem>>[vector<16xi32>], vector<16xf32>,
    %convert_element_type3A_747 = arith.fptosi %gather3A_746 : vector<16xf32> to vector<16xi32>
    %swap3A_748 = arith.constant 0 : index
    %swap3A_749 = tpu.vector_load %arg5[%swap3A_748] {strides = array<i32>} : memref<128xi32, #tpu.memory_space<vmem>>, vector<16xi32>,
    tpu.vector_store %arg5[%swap3A_748], %convert_element_type3A_747 {strides = array<i32>} : memref<128xi32, #tpu.memory_space<vmem>>, vector<16xi32>,
    %add3A_750 = arith.constant 16 : i32
    %add3A_751 = vector.broadcast %add3A_750 : i32 to vector<16xi32>
    %add3A_752 = arith.addi %iota3A, %add3A_751 : vector<16xi32>
    %mul3A_753 = arith.constant 50 : i32
    %mul3A_754 = vector.broadcast %mul3A_753 : i32 to vector<16xi32>
    %mul3A_755 = arith.muli %add3A_752, %mul3A_754 : vector<16xi32>
    %add3A_756 = arith.constant 48 : i32
    %add3A_757 = vector.broadcast %add3A_756 : i32 to vector<16xi32>
    %add3A_758 = arith.addi %mul3A_755, %add3A_757 : vector<16xi32>
    %gather3A_759 = tpu.vector_load_idx %arg11[%add3A_758] : memref<6400xf32, #tpu.memory_space<vmem>>[vector<16xi32>], vector<16xf32>,
    %convert_element_type3A_760 = arith.fptosi %gather3A_759 : vector<16xf32> to vector<16xi32>
    %swap3A_761 = arith.constant 16 : index
    %swap3A_762 = tpu.vector_load %arg5[%swap3A_761] {strides = array<i32>} : memref<128xi32, #tpu.memory_space<vmem>>, vector<16xi32>,
    tpu.vector_store %arg5[%swap3A_761], %convert_element_type3A_760 {strides = array<i32>} : memref<128xi32, #tpu.memory_space<vmem>>, vector<16xi32>,
    %add3A_763 = arith.constant 32 : i32
    %add3A_764 = vector.broadcast %add3A_763 : i32 to vector<16xi32>
    %add3A_765 = arith.addi %iota3A, %add3A_764 : vector<16xi32>
    %mul3A_766 = arith.constant 50 : i32
    %mul3A_767 = vector.broadcast %mul3A_766 : i32 to vector<16xi32>
    %mul3A_768 = arith.muli %add3A_765, %mul3A_767 : vector<16xi32>
    %add3A_769 = arith.constant 48 : i32
    %add3A_770 = vector.broadcast %add3A_769 : i32 to vector<16xi32>
    %add3A_771 = arith.addi %mul3A_768, %add3A_770 : vector<16xi32>
    %gather3A_772 = tpu.vector_load_idx %arg11[%add3A_771] : memref<6400xf32, #tpu.memory_space<vmem>>[vector<16xi32>], vector<16xf32>,
    %convert_element_type3A_773 = arith.fptosi %gather3A_772 : vector<16xf32> to vector<16xi32>
    %swap3A_774 = arith.constant 32 : index
    %swap3A_775 = tpu.vector_load %arg5[%swap3A_774] {strides = array<i32>} : memref<128xi32, #tpu.memory_space<vmem>>, vector<16xi32>,
    tpu.vector_store %arg5[%swap3A_774], %convert_element_type3A_773 {strides = array<i32>} : memref<128xi32, #tpu.memory_space<vmem>>, vector<16xi32>,
    %add3A_776 = arith.constant 48 : i32
    %add3A_777 = vector.broadcast %add3A_776 : i32 to vector<16xi32>
    %add3A_778 = arith.addi %iota3A, %add3A_777 : vector<16xi32>
    %mul3A_779 = arith.constant 50 : i32
    %mul3A_780 = vector.broadcast %mul3A_779 : i32 to vector<16xi32>
    %mul3A_781 = arith.muli %add3A_778, %mul3A_780 : vector<16xi32>
    %add3A_782 = arith.constant 48 : i32
    %add3A_783 = vector.broadcast %add3A_782 : i32 to vector<16xi32>
    %add3A_784 = arith.addi %mul3A_781, %add3A_783 : vector<16xi32>
    %gather3A_785 = tpu.vector_load_idx %arg11[%add3A_784] : memref<6400xf32, #tpu.memory_space<vmem>>[vector<16xi32>], vector<16xf32>,
    %convert_element_type3A_786 = arith.fptosi %gather3A_785 : vector<16xf32> to vector<16xi32>
    %swap3A_787 = arith.constant 48 : index
    %swap3A_788 = tpu.vector_load %arg5[%swap3A_787] {strides = array<i32>} : memref<128xi32, #tpu.memory_space<vmem>>, vector<16xi32>,
    tpu.vector_store %arg5[%swap3A_787], %convert_element_type3A_786 {strides = array<i32>} : memref<128xi32, #tpu.memory_space<vmem>>, vector<16xi32>,
    %add3A_789 = arith.constant 64 : i32
    %add3A_790 = vector.broadcast %add3A_789 : i32 to vector<16xi32>
    %add3A_791 = arith.addi %iota3A, %add3A_790 : vector<16xi32>
    %mul3A_792 = arith.constant 50 : i32
    %mul3A_793 = vector.broadcast %mul3A_792 : i32 to vector<16xi32>
    %mul3A_794 = arith.muli %add3A_791, %mul3A_793 : vector<16xi32>
    %add3A_795 = arith.constant 48 : i32
    %add3A_796 = vector.broadcast %add3A_795 : i32 to vector<16xi32>
    %add3A_797 = arith.addi %mul3A_794, %add3A_796 : vector<16xi32>
    %gather3A_798 = tpu.vector_load_idx %arg11[%add3A_797] : memref<6400xf32, #tpu.memory_space<vmem>>[vector<16xi32>], vector<16xf32>,
    %convert_element_type3A_799 = arith.fptosi %gather3A_798 : vector<16xf32> to vector<16xi32>
    %swap3A_800 = arith.constant 64 : index
    %swap3A_801 = tpu.vector_load %arg5[%swap3A_800] {strides = array<i32>} : memref<128xi32, #tpu.memory_space<vmem>>, vector<16xi32>,
    tpu.vector_store %arg5[%swap3A_800], %convert_element_type3A_799 {strides = array<i32>} : memref<128xi32, #tpu.memory_space<vmem>>, vector<16xi32>,
    %add3A_802 = arith.constant 80 : i32
    %add3A_803 = vector.broadcast %add3A_802 : i32 to vector<16xi32>
    %add3A_804 = arith.addi %iota3A, %add3A_803 : vector<16xi32>
    %mul3A_805 = arith.constant 50 : i32
    %mul3A_806 = vector.broadcast %mul3A_805 : i32 to vector<16xi32>
    %mul3A_807 = arith.muli %add3A_804, %mul3A_806 : vector<16xi32>
    %add3A_808 = arith.constant 48 : i32
    %add3A_809 = vector.broadcast %add3A_808 : i32 to vector<16xi32>
    %add3A_810 = arith.addi %mul3A_807, %add3A_809 : vector<16xi32>
    %gather3A_811 = tpu.vector_load_idx %arg11[%add3A_810] : memref<6400xf32, #tpu.memory_space<vmem>>[vector<16xi32>], vector<16xf32>,
    %convert_element_type3A_812 = arith.fptosi %gather3A_811 : vector<16xf32> to vector<16xi32>
    %swap3A_813 = arith.constant 80 : index
    %swap3A_814 = tpu.vector_load %arg5[%swap3A_813] {strides = array<i32>} : memref<128xi32, #tpu.memory_space<vmem>>, vector<16xi32>,
    tpu.vector_store %arg5[%swap3A_813], %convert_element_type3A_812 {strides = array<i32>} : memref<128xi32, #tpu.memory_space<vmem>>, vector<16xi32>,
    %add3A_815 = arith.constant 96 : i32
    %add3A_816 = vector.broadcast %add3A_815 : i32 to vector<16xi32>
    %add3A_817 = arith.addi %iota3A, %add3A_816 : vector<16xi32>
    %mul3A_818 = arith.constant 50 : i32
    %mul3A_819 = vector.broadcast %mul3A_818 : i32 to vector<16xi32>
    %mul3A_820 = arith.muli %add3A_817, %mul3A_819 : vector<16xi32>
    %add3A_821 = arith.constant 48 : i32
    %add3A_822 = vector.broadcast %add3A_821 : i32 to vector<16xi32>
    %add3A_823 = arith.addi %mul3A_820, %add3A_822 : vector<16xi32>
    %gather3A_824 = tpu.vector_load_idx %arg11[%add3A_823] : memref<6400xf32, #tpu.memory_space<vmem>>[vector<16xi32>], vector<16xf32>,
    %convert_element_type3A_825 = arith.fptosi %gather3A_824 : vector<16xf32> to vector<16xi32>
    %swap3A_826 = arith.constant 96 : index
    %swap3A_827 = tpu.vector_load %arg5[%swap3A_826] {strides = array<i32>} : memref<128xi32, #tpu.memory_space<vmem>>, vector<16xi32>,
    tpu.vector_store %arg5[%swap3A_826], %convert_element_type3A_825 {strides = array<i32>} : memref<128xi32, #tpu.memory_space<vmem>>, vector<16xi32>,
    %add3A_828 = arith.constant 112 : i32
    %add3A_829 = vector.broadcast %add3A_828 : i32 to vector<16xi32>
    %add3A_830 = arith.addi %iota3A, %add3A_829 : vector<16xi32>
    %mul3A_831 = arith.constant 50 : i32
    %mul3A_832 = vector.broadcast %mul3A_831 : i32 to vector<16xi32>
    %mul3A_833 = arith.muli %add3A_830, %mul3A_832 : vector<16xi32>
    %add3A_834 = arith.constant 48 : i32
    %add3A_835 = vector.broadcast %add3A_834 : i32 to vector<16xi32>
    %add3A_836 = arith.addi %mul3A_833, %add3A_835 : vector<16xi32>
    %gather3A_837 = tpu.vector_load_idx %arg11[%add3A_836] : memref<6400xf32, #tpu.memory_space<vmem>>[vector<16xi32>], vector<16xf32>,
    %convert_element_type3A_838 = arith.fptosi %gather3A_837 : vector<16xf32> to vector<16xi32>
    %swap3A_839 = arith.constant 112 : index
    %swap3A_840 = tpu.vector_load %arg5[%swap3A_839] {strides = array<i32>} : memref<128xi32, #tpu.memory_space<vmem>>, vector<16xi32>,
    tpu.vector_store %arg5[%swap3A_839], %convert_element_type3A_838 {strides = array<i32>} : memref<128xi32, #tpu.memory_space<vmem>>, vector<16xi32>,
    %dma_start3A_841 = arith.constant 0 : i32
    %dma_start3A_842 = arith.constant 0 : i32
    %dma_start3A_843 = tpu.memref_slice %arg3[%dma_start3A_841, %dma_start3A_842] : memref<100000x256xf32, #tpu.memory_space<hbm>> -> memref<100000x256xf32, #tpu.memory_space<hbm>>
    tpu.enqueue_indirect_dma source(%dma_start3A_843 : memref<100000x256xf32, #tpu.memory_space<hbm>>) target(%arg7 : memref<128x256xf32, #tpu.memory_space<vmem>>) offsets(%arg5 : memref<128xi32, #tpu.memory_space<vmem>>) semaphore(%arg9 : memref<!tpu.dma_semaphore, #tpu.memory_space<semaphore_mem>>)
    %dma_wait3A_844 = arith.constant 0 : i32
    %dma_wait3A_845 = arith.constant 0 : i32
    %dma_wait3A_846 = tpu.memref_slice %arg3[%dma_wait3A_844, %dma_wait3A_845] : memref<100000x256xf32, #tpu.memory_space<hbm>> -> memref<100000x256xf32, #tpu.memory_space<hbm>>
    tpu.wait_indirect_dma semaphore(%arg9 : memref<!tpu.dma_semaphore, #tpu.memory_space<semaphore_mem>>) src(%dma_wait3A_846 : memref<100000x256xf32, #tpu.memory_space<hbm>>) dst(%arg7 : memref<128x256xf32, #tpu.memory_space<vmem>>)
    %dma_start3A_847 = arith.constant 6 : i32
    %dma_start3A_848 = arith.constant 0 : i32
    %dma_start3A_849 = tpu.memref_slice %arg4[%dma_start3A_847, %mul3A_2, %dma_start3A_848] : memref<7x4096x256xf32, #tpu.memory_space<hbm>> -> memref<1x128x256xf32, #tpu.memory_space<hbm>>
    %dma_start3A_850 = tpu.memref_squeeze %dma_start3A_849 : memref<1x128x256xf32, #tpu.memory_space<hbm>> -> memref<128x256xf32, #tpu.memory_space<hbm>>
    %dma_start3A_851 = arith.constant 0 : i32
    %dma_start3A_852 = tpu.memref_slice %arg4[%dma_start3A_847, %mul3A_2, %dma_start3A_851] : memref<7x4096x256xf32, #tpu.memory_space<hbm>> -> memref<1x128x256xf32, #tpu.memory_space<hbm>>
    %dma_start3A_853 = tpu.memref_squeeze %dma_start3A_852 : memref<1x128x256xf32, #tpu.memory_space<hbm>> -> memref<128x256xf32, #tpu.memory_space<hbm>>
    tpu.enqueue_dma source(%arg7 : memref<128x256xf32, #tpu.memory_space<vmem>>) target(%dma_start3A_853 : memref<128x256xf32, #tpu.memory_space<hbm>>) target_semaphore(%arg10 : memref<!tpu.dma_semaphore, #tpu.memory_space<semaphore_mem>>)
    %dma_wait3A_854 = arith.constant 6 : i32
    %dma_wait3A_855 = arith.constant 0 : i32
    %dma_wait3A_856 = tpu.memref_slice %arg4[%dma_wait3A_854, %mul3A_2, %dma_wait3A_855] : memref<7x4096x256xf32, #tpu.memory_space<hbm>> -> memref<1x128x256xf32, #tpu.memory_space<hbm>>
    %dma_wait3A_857 = tpu.memref_squeeze %dma_wait3A_856 : memref<1x128x256xf32, #tpu.memory_space<hbm>> -> memref<128x256xf32, #tpu.memory_space<hbm>>
    %dma_wait3A_858 = arith.constant 0 : i32
    %dma_wait3A_859 = tpu.memref_slice %arg4[%dma_wait3A_854, %mul3A_2, %dma_wait3A_858] : memref<7x4096x256xf32, #tpu.memory_space<hbm>> -> memref<1x128x256xf32, #tpu.memory_space<hbm>>
    %dma_wait3A_860 = tpu.memref_squeeze %dma_wait3A_859 : memref<1x128x256xf32, #tpu.memory_space<hbm>> -> memref<128x256xf32, #tpu.memory_space<hbm>>
    tpu.wait_dma2 semaphore(%arg10 : memref<!tpu.dma_semaphore, #tpu.memory_space<semaphore_mem>>) src(%arg7 : memref<128x256xf32, #tpu.memory_space<vmem>>) dst(%dma_wait3A_860 : memref<128x256xf32, #tpu.memory_space<hbm>>)
    %dma_wait3A_861 = arith.constant 5 : i32
    %dma_wait3A_862 = arith.constant 0 : i32
    %dma_wait3A_863 = tpu.memref_slice %arg4[%dma_wait3A_861, %mul3A_2, %dma_wait3A_862] : memref<7x4096x256xf32, #tpu.memory_space<hbm>> -> memref<1x128x256xf32, #tpu.memory_space<hbm>>
    %dma_wait3A_864 = tpu.memref_squeeze %dma_wait3A_863 : memref<1x128x256xf32, #tpu.memory_space<hbm>> -> memref<128x256xf32, #tpu.memory_space<hbm>>
    %dma_wait3A_865 = arith.constant 0 : i32
    %dma_wait3A_866 = tpu.memref_slice %arg4[%dma_wait3A_861, %mul3A_2, %dma_wait3A_865] : memref<7x4096x256xf32, #tpu.memory_space<hbm>> -> memref<1x128x256xf32, #tpu.memory_space<hbm>>
    %dma_wait3A_867 = tpu.memref_squeeze %dma_wait3A_866 : memref<1x128x256xf32, #tpu.memory_space<hbm>> -> memref<128x256xf32, #tpu.memory_space<hbm>>
    tpu.wait_dma2 semaphore(%arg10 : memref<!tpu.dma_semaphore, #tpu.memory_space<semaphore_mem>>) src(%arg8 : memref<128x256xf32, #tpu.memory_space<vmem>>) dst(%dma_wait3A_867 : memref<128x256xf32, #tpu.memory_space<hbm>>)
    return
  }
}

module attributes {stable_mosaic.version = 14 : i64} {
  func.func @_enc_body(%arg0: i32, %arg1: memref<16x50xf32, #tpu.memory_space<vmem>>, %arg2: memref<3x256xf32, #tpu.memory_space<vmem>>, %arg3: memref<7x16x256xf32, #tpu.memory_space<vmem>>, %arg4: memref<16x50x256xf32, #tpu.memory_space<vmem>>) attributes {dimension_semantics = [#tpu.dimension_semantics<arbitrary>], iteration_bounds = array<i64: 256>, scalar_prefetch = 0 : i64, scratch_operands = 0 : i64, tpu.core_type = #tpu.core_type<tc>, window_params = [{transform_indices = @transform_0, window_bounds = array<i64: 16, 50>}, {pipeline_mode = #tpu.pipeline_mode<synchronous>, transform_indices = @transform_1, window_bounds = array<i64: 3, 256>}, {transform_indices = @transform_2, window_bounds = array<i64: 7, 16, 256>}, {transform_indices = @transform_3, window_bounds = array<i64: 16, 50, 256>}]} {
    %get3A = arith.constant 0 : index
    %get3A_0 = arith.constant 0 : index
    %get3A_1 = vector.load %arg1[%get3A, %get3A_0] : memref<16x50xf32, #tpu.memory_space<vmem>>, vector<16x50xf32>
    %reshape3A = vector.shape_cast %get3A_1 : vector<16x50xf32> to vector<16x50x1xf32>
    %get3A_2 = arith.constant 0 : index
    %get3A_3 = arith.constant 0 : index
    %get3A_4 = vector.load %arg2[%get3A_2, %get3A_3] : memref<3x256xf32, #tpu.memory_space<vmem>>, vector<1x256xf32>
    %reshape3A_5 = vector.shape_cast %get3A_4 : vector<1x256xf32> to vector<1x1x256xf32>
    %get3A_6 = arith.constant 1 : index
    %get3A_7 = arith.constant 0 : index
    %get3A_8 = vector.load %arg2[%get3A_6, %get3A_7] : memref<3x256xf32, #tpu.memory_space<vmem>>, vector<1x256xf32>
    %reshape3A_9 = vector.shape_cast %get3A_8 : vector<1x256xf32> to vector<1x1x256xf32>
    %get3A_10 = arith.constant 2 : index
    %get3A_11 = arith.constant 0 : index
    %get3A_12 = vector.load %arg2[%get3A_10, %get3A_11] : memref<3x256xf32, #tpu.memory_space<vmem>>, vector<1x256xf32>
    %reshape3A_13 = vector.shape_cast %get3A_12 : vector<1x256xf32> to vector<1x1x256xf32>
    %slice3A = vector.extract_strided_slice %reshape3A_5 {offsets = [0, 0, 0], sizes = [1, 1, 128], strides = [1, 1, 1]} : vector<1x1x256xf32> to vector<1x1x128xf32>
    %slice3A_14 = vector.extract_strided_slice %reshape3A_9 {offsets = [0, 0, 0], sizes = [1, 1, 128], strides = [1, 1, 1]} : vector<1x1x256xf32> to vector<1x1x128xf32>
    %mul3A = vector.broadcast %reshape3A : vector<16x50x1xf32> to vector<16x50x128xf32>
    %mul3A_15 = vector.broadcast %slice3A : vector<1x1x128xf32> to vector<16x50x128xf32>
    %mul3A_16 = arith.mulf %mul3A, %mul3A_15 : vector<16x50x128xf32>
    %mul3A_17 = arith.constant 5.000000e-01 : f32
    %mul3A_18 = vector.broadcast %mul3A_17 : f32 to vector<16x50x128xf32>
    %mul3A_19 = arith.mulf %mul3A_16, %mul3A_18 : vector<16x50x128xf32>
    %floor3A = math.floor %mul3A_19 : vector<16x50x128xf32>
    %sub3A = arith.subf %mul3A_19, %floor3A : vector<16x50x128xf32>
    %add3A = vector.broadcast %slice3A_14 : vector<1x1x128xf32> to vector<16x50x128xf32>
    %add3A_20 = arith.addf %sub3A, %add3A : vector<16x50x128xf32>
    %add3A_21 = arith.addf %add3A_20, %add3A_20 : vector<16x50x128xf32>
    %add3A_22 = arith.constant 5.000000e-01 : f32
    %add3A_23 = vector.broadcast %add3A_22 : f32 to vector<16x50x128xf32>
    %add3A_24 = arith.addf %add3A_21, %add3A_23 : vector<16x50x128xf32>
    %floor3A_25 = math.floor %add3A_24 : vector<16x50x128xf32>
    %min3A = arith.constant 2.000000e+00 : f32
    %min3A_26 = vector.broadcast %min3A : f32 to vector<16x50x128xf32>
    %min3A_27 = arith.minimumf %floor3A_25, %min3A_26 : vector<16x50x128xf32>
    %mul3A_28 = arith.constant 5.000000e-01 : f32
    %mul3A_29 = vector.broadcast %mul3A_28 : f32 to vector<16x50x128xf32>
    %mul3A_30 = arith.mulf %min3A_27, %mul3A_29 : vector<16x50x128xf32>
    %sub3A_31 = arith.subf %add3A_20, %mul3A_30 : vector<16x50x128xf32>
    %mul3A_32 = arith.mulf %sub3A_31, %sub3A_31 : vector<16x50x128xf32>
    %mul3A_33 = arith.constant 42.0586929 : f32
    %mul3A_34 = vector.broadcast %mul3A_33 : f32 to vector<16x50x128xf32>
    %mul3A_35 = arith.mulf %mul3A_34, %mul3A_32 : vector<16x50x128xf32>
    %add3A_36 = arith.constant -76.7058563 : f32
    %add3A_37 = vector.broadcast %add3A_36 : f32 to vector<16x50x128xf32>
    %add3A_38 = arith.addf %mul3A_35, %add3A_37 : vector<16x50x128xf32>
    %mul3A_39 = arith.mulf %add3A_38, %mul3A_32 : vector<16x50x128xf32>
    %add3A_40 = arith.constant 81.6052475 : f32
    %add3A_41 = vector.broadcast %add3A_40 : f32 to vector<16x50x128xf32>
    %add3A_42 = arith.addf %mul3A_39, %add3A_41 : vector<16x50x128xf32>
    %mul3A_43 = arith.mulf %add3A_42, %mul3A_32 : vector<16x50x128xf32>
    %add3A_44 = arith.constant -4.134170e+01 : f32
    %add3A_45 = vector.broadcast %add3A_44 : f32 to vector<16x50x128xf32>
    %add3A_46 = arith.addf %mul3A_43, %add3A_45 : vector<16x50x128xf32>
    %mul3A_47 = arith.mulf %add3A_46, %mul3A_32 : vector<16x50x128xf32>
    %add3A_48 = arith.constant 6.28318548 : f32
    %add3A_49 = vector.broadcast %add3A_48 : f32 to vector<16x50x128xf32>
    %add3A_50 = arith.addf %mul3A_47, %add3A_49 : vector<16x50x128xf32>
    %mul3A_51 = arith.mulf %add3A_50, %sub3A_31 : vector<16x50x128xf32>
    %eq3A = arith.constant 1.000000e+00 : f32
    %eq3A_52 = vector.broadcast %eq3A : f32 to vector<16x50x128xf32>
    %eq3A_53 = arith.cmpf oeq, %min3A_27, %eq3A_52 : vector<16x50x128xf32>
    %neg3A = arith.constant 0.000000e+00 : f32
    %neg3A_54 = vector.broadcast %neg3A : f32 to vector<16x50x128xf32>
    %neg3A_55 = arith.subf %neg3A_54, %mul3A_51 : vector<16x50x128xf32>
    %select_n3A = arith.select %eq3A_53, %neg3A_55, %mul3A_51 : vector<16x50x128xi1>, vector<16x50x128xf32>
    %gt3A = arith.constant 0x4DA2F983 : f32
    %gt3A_56 = vector.broadcast %gt3A : f32 to vector<16x50x128xf32>
    %gt3A_57 = arith.cmpf ogt, %mul3A_16, %gt3A_56 : vector<16x50x128xf32>
    %jit3A = arith.constant 0x7FC00000 : f32
    %broadcast_in_dim3A = vector.broadcast %jit3A : f32 to vector<16x50x128xf32>
    %select_n3A_58 = arith.select %gt3A_57, %broadcast_in_dim3A, %select_n3A : vector<16x50x128xi1>, vector<16x50x128xf32>
    %swap3A = arith.constant 0 : index
    %swap3A_59 = arith.constant 0 : index
    %swap3A_60 = arith.constant 0 : index
    %swap3A_61 = vector.load %arg4[%swap3A, %swap3A_59, %swap3A_60] : memref<16x50x256xf32, #tpu.memory_space<vmem>>, vector<16x50x128xf32>
    tpu.vector_store %arg4[%swap3A, %swap3A_59, %swap3A_60], %select_n3A_58 {strides = array<i32>} : memref<16x50x256xf32, #tpu.memory_space<vmem>>, vector<16x50x128xf32>,
    %reduce_min3A = vector.shape_cast %get3A_1 : vector<16x50xf32> to vector<1x16x50xf32>
    %reduce_min3A_62 = arith.constant dense<0x7F800000> : vector<1xf32>
    %reduce_min3A_63 = vector.multi_reduction <minimumf>, %reduce_min3A, %reduce_min3A_62 [1, 2] : vector<1x16x50xf32> to vector<1xf32>
    %reduce_min3A_64 = vector.shape_cast %reduce_min3A_63 : vector<1xf32> to vector<1x1x1xf32>
    %reduce_min3A_65 = vector.extract %reduce_min3A_64[0, 0, 0] : f32 from vector<1x1x1xf32>
    %mul3A_66 = arith.constant 1.84467441E+19 : f32
    %mul3A_67 = arith.mulf %reduce_min3A_65, %mul3A_66 : f32
    %gt3A_68 = arith.constant 0x4DA2F983 : f32
    %gt3A_69 = arith.cmpf ogt, %mul3A_67, %gt3A_68 : f32
    %convert_element_type3A = arith.extui %gt3A_69 : i1 to i32
    %cond3A = arith.constant 0 : i32
    %cond3A_70 = arith.cmpi ne, %convert_element_type3A, %cond3A : i32
    scf.if %cond3A_70 {
      %broadcast_in_dim3A_1195 = arith.constant 0x7FC00000 : f32
      %broadcast_in_dim3A_1196 = vector.broadcast %broadcast_in_dim3A_1195 : f32 to vector<16x50x128xf32>
      %swap3A_1197 = arith.constant 0 : index
      %swap3A_1198 = arith.constant 0 : index
      %swap3A_1199 = arith.constant 128 : index
      %swap3A_1200 = vector.load %arg4[%swap3A_1197, %swap3A_1198, %swap3A_1199] : memref<16x50x256xf32, #tpu.memory_space<vmem>>, vector<16x50x128xf32>
      tpu.vector_store %arg4[%swap3A_1197, %swap3A_1198, %swap3A_1199], %broadcast_in_dim3A_1196 {strides = array<i32>} : memref<16x50x256xf32, #tpu.memory_space<vmem>>, vector<16x50x128xf32>,
    } else {
    }
    %not3A = arith.constant true
    %not3A_71 = arith.xori %gt3A_69, %not3A : i1
    %convert_element_type3A_72 = arith.extui %not3A_71 : i1 to i32
    %cond3A_73 = arith.constant 0 : i32
    %cond3A_74 = arith.cmpi ne, %convert_element_type3A_72, %cond3A_73 : i32
    scf.if %cond3A_74 {
      %slice3A_1195 = vector.extract_strided_slice %reshape3A_5 {offsets = [0, 0, 128], sizes = [1, 1, 128], strides = [1, 1, 1]} : vector<1x1x256xf32> to vector<1x1x128xf32>
      %slice3A_1196 = vector.extract_strided_slice %reshape3A_9 {offsets = [0, 0, 128], sizes = [1, 1, 128], strides = [1, 1, 1]} : vector<1x1x256xf32> to vector<1x1x128xf32>
      %slice3A_1197 = vector.extract_strided_slice %reshape3A_13 {offsets = [0, 0, 128], sizes = [1, 1, 128], strides = [1, 1, 1]} : vector<1x1x256xf32> to vector<1x1x128xf32>
      %mul3A_1198 = vector.broadcast %reshape3A : vector<16x50x1xf32> to vector<16x50x128xf32>
      %mul3A_1199 = vector.broadcast %slice3A_1195 : vector<1x1x128xf32> to vector<16x50x128xf32>
      %mul3A_1200 = arith.mulf %mul3A_1198, %mul3A_1199 : vector<16x50x128xf32>
      %mul3A_1201 = arith.constant 5.000000e-01 : f32
      %mul3A_1202 = vector.broadcast %mul3A_1201 : f32 to vector<16x50x128xf32>
      %mul3A_1203 = arith.mulf %mul3A_1200, %mul3A_1202 : vector<16x50x128xf32>
      %floor3A_1204 = math.floor %mul3A_1203 : vector<16x50x128xf32>
      %sub3A_1205 = arith.subf %mul3A_1203, %floor3A_1204 : vector<16x50x128xf32>
      %add3A_1206 = vector.broadcast %slice3A_1196 : vector<1x1x128xf32> to vector<16x50x128xf32>
      %add3A_1207 = arith.addf %sub3A_1205, %add3A_1206 : vector<16x50x128xf32>
      %add3A_1208 = arith.addf %add3A_1207, %add3A_1207 : vector<16x50x128xf32>
      %add3A_1209 = arith.constant 5.000000e-01 : f32
      %add3A_1210 = vector.broadcast %add3A_1209 : f32 to vector<16x50x128xf32>
      %add3A_1211 = arith.addf %add3A_1208, %add3A_1210 : vector<16x50x128xf32>
      %floor3A_1212 = math.floor %add3A_1211 : vector<16x50x128xf32>
      %min3A_1213 = arith.constant 2.000000e+00 : f32
      %min3A_1214 = vector.broadcast %min3A_1213 : f32 to vector<16x50x128xf32>
      %min3A_1215 = arith.minimumf %floor3A_1212, %min3A_1214 : vector<16x50x128xf32>
      %mul3A_1216 = arith.constant 5.000000e-01 : f32
      %mul3A_1217 = vector.broadcast %mul3A_1216 : f32 to vector<16x50x128xf32>
      %mul3A_1218 = arith.mulf %min3A_1215, %mul3A_1217 : vector<16x50x128xf32>
      %sub3A_1219 = arith.subf %add3A_1207, %mul3A_1218 : vector<16x50x128xf32>
      %mul3A_1220 = arith.mulf %sub3A_1219, %sub3A_1219 : vector<16x50x128xf32>
      %mul3A_1221 = arith.constant 42.0586929 : f32
      %mul3A_1222 = vector.broadcast %mul3A_1221 : f32 to vector<16x50x128xf32>
      %mul3A_1223 = arith.mulf %mul3A_1222, %mul3A_1220 : vector<16x50x128xf32>
      %add3A_1224 = arith.constant -76.7058563 : f32
      %add3A_1225 = vector.broadcast %add3A_1224 : f32 to vector<16x50x128xf32>
      %add3A_1226 = arith.addf %mul3A_1223, %add3A_1225 : vector<16x50x128xf32>
      %mul3A_1227 = arith.mulf %add3A_1226, %mul3A_1220 : vector<16x50x128xf32>
      %add3A_1228 = arith.constant 81.6052475 : f32
      %add3A_1229 = vector.broadcast %add3A_1228 : f32 to vector<16x50x128xf32>
      %add3A_1230 = arith.addf %mul3A_1227, %add3A_1229 : vector<16x50x128xf32>
      %mul3A_1231 = arith.mulf %add3A_1230, %mul3A_1220 : vector<16x50x128xf32>
      %add3A_1232 = arith.constant -4.134170e+01 : f32
      %add3A_1233 = vector.broadcast %add3A_1232 : f32 to vector<16x50x128xf32>
      %add3A_1234 = arith.addf %mul3A_1231, %add3A_1233 : vector<16x50x128xf32>
      %mul3A_1235 = arith.mulf %add3A_1234, %mul3A_1220 : vector<16x50x128xf32>
      %add3A_1236 = arith.constant 6.28318548 : f32
      %add3A_1237 = vector.broadcast %add3A_1236 : f32 to vector<16x50x128xf32>
      %add3A_1238 = arith.addf %mul3A_1235, %add3A_1237 : vector<16x50x128xf32>
      %mul3A_1239 = arith.mulf %add3A_1238, %sub3A_1219 : vector<16x50x128xf32>
      %eq3A_1240 = arith.constant 1.000000e+00 : f32
      %eq3A_1241 = vector.broadcast %eq3A_1240 : f32 to vector<16x50x128xf32>
      %eq3A_1242 = arith.cmpf oeq, %min3A_1215, %eq3A_1241 : vector<16x50x128xf32>
      %neg3A_1243 = arith.constant 0.000000e+00 : f32
      %neg3A_1244 = vector.broadcast %neg3A_1243 : f32 to vector<16x50x128xf32>
      %neg3A_1245 = arith.subf %neg3A_1244, %mul3A_1239 : vector<16x50x128xf32>
      %select_n3A_1246 = arith.select %eq3A_1242, %neg3A_1245, %mul3A_1239 : vector<16x50x128xi1>, vector<16x50x128xf32>
      %gt3A_1247 = vector.broadcast %slice3A_1197 : vector<1x1x128xf32> to vector<16x50x128xf32>
      %gt3A_1248 = arith.cmpf ogt, %mul3A_1200, %gt3A_1247 : vector<16x50x128xf32>
      %jit3A_1249 = arith.constant 0x7FC00000 : f32
      %broadcast_in_dim3A_1250 = vector.broadcast %jit3A_1249 : f32 to vector<16x50x128xf32>
      %select_n3A_1251 = arith.select %gt3A_1248, %broadcast_in_dim3A_1250, %select_n3A_1246 : vector<16x50x128xi1>, vector<16x50x128xf32>
      %swap3A_1252 = arith.constant 0 : index
      %swap3A_1253 = arith.constant 0 : index
      %swap3A_1254 = arith.constant 128 : index
      %swap3A_1255 = vector.load %arg4[%swap3A_1252, %swap3A_1253, %swap3A_1254] : memref<16x50x256xf32, #tpu.memory_space<vmem>>, vector<16x50x128xf32>
      tpu.vector_store %arg4[%swap3A_1252, %swap3A_1253, %swap3A_1254], %select_n3A_1251 {strides = array<i32>} : memref<16x50x256xf32, #tpu.memory_space<vmem>>, vector<16x50x128xf32>,
    } else {
    }
    %get3A_75 = arith.constant 0 : index
    %get3A_76 = arith.constant 0 : index
    %get3A_77 = arith.constant 0 : index
    %get3A_78 = vector.load %arg3[%get3A_75, %get3A_76, %get3A_77] : memref<7x16x256xf32, #tpu.memory_space<vmem>>, vector<1x1x256xf32>
    %get3A_79 = vector.shape_cast %get3A_78 : vector<1x1x256xf32> to vector<1x256xf32>
    %reshape3A_80 = vector.shape_cast %get3A_79 : vector<1x256xf32> to vector<1x1x256xf32>
    %swap3A_81 = arith.constant 0 : index
    %swap3A_82 = arith.constant 0 : index
    %swap3A_83 = arith.constant 0 : index
    %swap3A_84 = vector.load %arg4[%swap3A_81, %swap3A_82, %swap3A_83] : memref<16x50x256xf32, #tpu.memory_space<vmem>>, vector<1x1x256xf32>
    tpu.vector_store %arg4[%swap3A_81, %swap3A_82, %swap3A_83], %reshape3A_80 {strides = array<i32>} : memref<16x50x256xf32, #tpu.memory_space<vmem>>, vector<1x1x256xf32>,
    %get3A_85 = arith.constant 1 : index
    %get3A_86 = arith.constant 0 : index
    %get3A_87 = arith.constant 0 : index
    %get3A_88 = vector.load %arg3[%get3A_85, %get3A_86, %get3A_87] : memref<7x16x256xf32, #tpu.memory_space<vmem>>, vector<1x1x256xf32>
    %get3A_89 = vector.shape_cast %get3A_88 : vector<1x1x256xf32> to vector<1x256xf32>
    %reshape3A_90 = vector.shape_cast %get3A_89 : vector<1x256xf32> to vector<1x1x256xf32>
    %swap3A_91 = arith.constant 0 : index
    %swap3A_92 = arith.constant 8 : index
    %swap3A_93 = arith.constant 0 : index
    %swap3A_94 = vector.load %arg4[%swap3A_91, %swap3A_92, %swap3A_93] : memref<16x50x256xf32, #tpu.memory_space<vmem>>, vector<1x1x256xf32>
    tpu.vector_store %arg4[%swap3A_91, %swap3A_92, %swap3A_93], %reshape3A_90 {strides = array<i32>} : memref<16x50x256xf32, #tpu.memory_space<vmem>>, vector<1x1x256xf32>,
    %get3A_95 = arith.constant 2 : index
    %get3A_96 = arith.constant 0 : index
    %get3A_97 = arith.constant 0 : index
    %get3A_98 = vector.load %arg3[%get3A_95, %get3A_96, %get3A_97] : memref<7x16x256xf32, #tpu.memory_space<vmem>>, vector<1x1x256xf32>
    %get3A_99 = vector.shape_cast %get3A_98 : vector<1x1x256xf32> to vector<1x256xf32>
    %reshape3A_100 = vector.shape_cast %get3A_99 : vector<1x256xf32> to vector<1x1x256xf32>
    %swap3A_101 = arith.constant 0 : index
    %swap3A_102 = arith.constant 16 : index
    %swap3A_103 = arith.constant 0 : index
    %swap3A_104 = vector.load %arg4[%swap3A_101, %swap3A_102, %swap3A_103] : memref<16x50x256xf32, #tpu.memory_space<vmem>>, vector<1x1x256xf32>
    tpu.vector_store %arg4[%swap3A_101, %swap3A_102, %swap3A_103], %reshape3A_100 {strides = array<i32>} : memref<16x50x256xf32, #tpu.memory_space<vmem>>, vector<1x1x256xf32>,
    %get3A_105 = arith.constant 3 : index
    %get3A_106 = arith.constant 0 : index
    %get3A_107 = arith.constant 0 : index
    %get3A_108 = vector.load %arg3[%get3A_105, %get3A_106, %get3A_107] : memref<7x16x256xf32, #tpu.memory_space<vmem>>, vector<1x1x256xf32>
    %get3A_109 = vector.shape_cast %get3A_108 : vector<1x1x256xf32> to vector<1x256xf32>
    %reshape3A_110 = vector.shape_cast %get3A_109 : vector<1x256xf32> to vector<1x1x256xf32>
    %swap3A_111 = arith.constant 0 : index
    %swap3A_112 = arith.constant 24 : index
    %swap3A_113 = arith.constant 0 : index
    %swap3A_114 = vector.load %arg4[%swap3A_111, %swap3A_112, %swap3A_113] : memref<16x50x256xf32, #tpu.memory_space<vmem>>, vector<1x1x256xf32>
    tpu.vector_store %arg4[%swap3A_111, %swap3A_112, %swap3A_113], %reshape3A_110 {strides = array<i32>} : memref<16x50x256xf32, #tpu.memory_space<vmem>>, vector<1x1x256xf32>,
    %get3A_115 = arith.constant 4 : index
    %get3A_116 = arith.constant 0 : index
    %get3A_117 = arith.constant 0 : index
    %get3A_118 = vector.load %arg3[%get3A_115, %get3A_116, %get3A_117] : memref<7x16x256xf32, #tpu.memory_space<vmem>>, vector<1x1x256xf32>
    %get3A_119 = vector.shape_cast %get3A_118 : vector<1x1x256xf32> to vector<1x256xf32>
    %reshape3A_120 = vector.shape_cast %get3A_119 : vector<1x256xf32> to vector<1x1x256xf32>
    %swap3A_121 = arith.constant 0 : index
    %swap3A_122 = arith.constant 32 : index
    %swap3A_123 = arith.constant 0 : index
    %swap3A_124 = vector.load %arg4[%swap3A_121, %swap3A_122, %swap3A_123] : memref<16x50x256xf32, #tpu.memory_space<vmem>>, vector<1x1x256xf32>
    tpu.vector_store %arg4[%swap3A_121, %swap3A_122, %swap3A_123], %reshape3A_120 {strides = array<i32>} : memref<16x50x256xf32, #tpu.memory_space<vmem>>, vector<1x1x256xf32>,
    %get3A_125 = arith.constant 5 : index
    %get3A_126 = arith.constant 0 : index
    %get3A_127 = arith.constant 0 : index
    %get3A_128 = vector.load %arg3[%get3A_125, %get3A_126, %get3A_127] : memref<7x16x256xf32, #tpu.memory_space<vmem>>, vector<1x1x256xf32>
    %get3A_129 = vector.shape_cast %get3A_128 : vector<1x1x256xf32> to vector<1x256xf32>
    %reshape3A_130 = vector.shape_cast %get3A_129 : vector<1x256xf32> to vector<1x1x256xf32>
    %swap3A_131 = arith.constant 0 : index
    %swap3A_132 = arith.constant 40 : index
    %swap3A_133 = arith.constant 0 : index
    %swap3A_134 = vector.load %arg4[%swap3A_131, %swap3A_132, %swap3A_133] : memref<16x50x256xf32, #tpu.memory_space<vmem>>, vector<1x1x256xf32>
    tpu.vector_store %arg4[%swap3A_131, %swap3A_132, %swap3A_133], %reshape3A_130 {strides = array<i32>} : memref<16x50x256xf32, #tpu.memory_space<vmem>>, vector<1x1x256xf32>,
    %get3A_135 = arith.constant 6 : index
    %get3A_136 = arith.constant 0 : index
    %get3A_137 = arith.constant 0 : index
    %get3A_138 = vector.load %arg3[%get3A_135, %get3A_136, %get3A_137] : memref<7x16x256xf32, #tpu.memory_space<vmem>>, vector<1x1x256xf32>
    %get3A_139 = vector.shape_cast %get3A_138 : vector<1x1x256xf32> to vector<1x256xf32>
    %reshape3A_140 = vector.shape_cast %get3A_139 : vector<1x256xf32> to vector<1x1x256xf32>
    %swap3A_141 = arith.constant 0 : index
    %swap3A_142 = arith.constant 48 : index
    %swap3A_143 = arith.constant 0 : index
    %swap3A_144 = vector.load %arg4[%swap3A_141, %swap3A_142, %swap3A_143] : memref<16x50x256xf32, #tpu.memory_space<vmem>>, vector<1x1x256xf32>
    tpu.vector_store %arg4[%swap3A_141, %swap3A_142, %swap3A_143], %reshape3A_140 {strides = array<i32>} : memref<16x50x256xf32, #tpu.memory_space<vmem>>, vector<1x1x256xf32>,
    %get3A_145 = arith.constant 0 : index
    %get3A_146 = arith.constant 1 : index
    %get3A_147 = arith.constant 0 : index
    %get3A_148 = vector.load %arg3[%get3A_145, %get3A_146, %get3A_147] : memref<7x16x256xf32, #tpu.memory_space<vmem>>, vector<1x1x256xf32>
    %get3A_149 = vector.shape_cast %get3A_148 : vector<1x1x256xf32> to vector<1x256xf32>
    %reshape3A_150 = vector.shape_cast %get3A_149 : vector<1x256xf32> to vector<1x1x256xf32>
    %swap3A_151 = arith.constant 1 : index
    %swap3A_152 = arith.constant 0 : index
    %swap3A_153 = arith.constant 0 : index
    %swap3A_154 = vector.load %arg4[%swap3A_151, %swap3A_152, %swap3A_153] : memref<16x50x256xf32, #tpu.memory_space<vmem>>, vector<1x1x256xf32>
    tpu.vector_store %arg4[%swap3A_151, %swap3A_152, %swap3A_153], %reshape3A_150 {strides = array<i32>} : memref<16x50x256xf32, #tpu.memory_space<vmem>>, vector<1x1x256xf32>,
    %get3A_155 = arith.constant 1 : index
    %get3A_156 = arith.constant 1 : index
    %get3A_157 = arith.constant 0 : index
    %get3A_158 = vector.load %arg3[%get3A_155, %get3A_156, %get3A_157] : memref<7x16x256xf32, #tpu.memory_space<vmem>>, vector<1x1x256xf32>
    %get3A_159 = vector.shape_cast %get3A_158 : vector<1x1x256xf32> to vector<1x256xf32>
    %reshape3A_160 = vector.shape_cast %get3A_159 : vector<1x256xf32> to vector<1x1x256xf32>
    %swap3A_161 = arith.constant 1 : index
    %swap3A_162 = arith.constant 8 : index
    %swap3A_163 = arith.constant 0 : index
    %swap3A_164 = vector.load %arg4[%swap3A_161, %swap3A_162, %swap3A_163] : memref<16x50x256xf32, #tpu.memory_space<vmem>>, vector<1x1x256xf32>
    tpu.vector_store %arg4[%swap3A_161, %swap3A_162, %swap3A_163], %reshape3A_160 {strides = array<i32>} : memref<16x50x256xf32, #tpu.memory_space<vmem>>, vector<1x1x256xf32>,
    %get3A_165 = arith.constant 2 : index
    %get3A_166 = arith.constant 1 : index
    %get3A_167 = arith.constant 0 : index
    %get3A_168 = vector.load %arg3[%get3A_165, %get3A_166, %get3A_167] : memref<7x16x256xf32, #tpu.memory_space<vmem>>, vector<1x1x256xf32>
    %get3A_169 = vector.shape_cast %get3A_168 : vector<1x1x256xf32> to vector<1x256xf32>
    %reshape3A_170 = vector.shape_cast %get3A_169 : vector<1x256xf32> to vector<1x1x256xf32>
    %swap3A_171 = arith.constant 1 : index
    %swap3A_172 = arith.constant 16 : index
    %swap3A_173 = arith.constant 0 : index
    %swap3A_174 = vector.load %arg4[%swap3A_171, %swap3A_172, %swap3A_173] : memref<16x50x256xf32, #tpu.memory_space<vmem>>, vector<1x1x256xf32>
    tpu.vector_store %arg4[%swap3A_171, %swap3A_172, %swap3A_173], %reshape3A_170 {strides = array<i32>} : memref<16x50x256xf32, #tpu.memory_space<vmem>>, vector<1x1x256xf32>,
    %get3A_175 = arith.constant 3 : index
    %get3A_176 = arith.constant 1 : index
    %get3A_177 = arith.constant 0 : index
    %get3A_178 = vector.load %arg3[%get3A_175, %get3A_176, %get3A_177] : memref<7x16x256xf32, #tpu.memory_space<vmem>>, vector<1x1x256xf32>
    %get3A_179 = vector.shape_cast %get3A_178 : vector<1x1x256xf32> to vector<1x256xf32>
    %reshape3A_180 = vector.shape_cast %get3A_179 : vector<1x256xf32> to vector<1x1x256xf32>
    %swap3A_181 = arith.constant 1 : index
    %swap3A_182 = arith.constant 24 : index
    %swap3A_183 = arith.constant 0 : index
    %swap3A_184 = vector.load %arg4[%swap3A_181, %swap3A_182, %swap3A_183] : memref<16x50x256xf32, #tpu.memory_space<vmem>>, vector<1x1x256xf32>
    tpu.vector_store %arg4[%swap3A_181, %swap3A_182, %swap3A_183], %reshape3A_180 {strides = array<i32>} : memref<16x50x256xf32, #tpu.memory_space<vmem>>, vector<1x1x256xf32>,
    %get3A_185 = arith.constant 4 : index
    %get3A_186 = arith.constant 1 : index
    %get3A_187 = arith.constant 0 : index
    %get3A_188 = vector.load %arg3[%get3A_185, %get3A_186, %get3A_187] : memref<7x16x256xf32, #tpu.memory_space<vmem>>, vector<1x1x256xf32>
    %get3A_189 = vector.shape_cast %get3A_188 : vector<1x1x256xf32> to vector<1x256xf32>
    %reshape3A_190 = vector.shape_cast %get3A_189 : vector<1x256xf32> to vector<1x1x256xf32>
    %swap3A_191 = arith.constant 1 : index
    %swap3A_192 = arith.constant 32 : index
    %swap3A_193 = arith.constant 0 : index
    %swap3A_194 = vector.load %arg4[%swap3A_191, %swap3A_192, %swap3A_193] : memref<16x50x256xf32, #tpu.memory_space<vmem>>, vector<1x1x256xf32>
    tpu.vector_store %arg4[%swap3A_191, %swap3A_192, %swap3A_193], %reshape3A_190 {strides = array<i32>} : memref<16x50x256xf32, #tpu.memory_space<vmem>>, vector<1x1x256xf32>,
    %get3A_195 = arith.constant 5 : index
    %get3A_196 = arith.constant 1 : index
    %get3A_197 = arith.constant 0 : index
    %get3A_198 = vector.load %arg3[%get3A_195, %get3A_196, %get3A_197] : memref<7x16x256xf32, #tpu.memory_space<vmem>>, vector<1x1x256xf32>
    %get3A_199 = vector.shape_cast %get3A_198 : vector<1x1x256xf32> to vector<1x256xf32>
    %reshape3A_200 = vector.shape_cast %get3A_199 : vector<1x256xf32> to vector<1x1x256xf32>
    %swap3A_201 = arith.constant 1 : index
    %swap3A_202 = arith.constant 40 : index
    %swap3A_203 = arith.constant 0 : index
    %swap3A_204 = vector.load %arg4[%swap3A_201, %swap3A_202, %swap3A_203] : memref<16x50x256xf32, #tpu.memory_space<vmem>>, vector<1x1x256xf32>
    tpu.vector_store %arg4[%swap3A_201, %swap3A_202, %swap3A_203], %reshape3A_200 {strides = array<i32>} : memref<16x50x256xf32, #tpu.memory_space<vmem>>, vector<1x1x256xf32>,
    %get3A_205 = arith.constant 6 : index
    %get3A_206 = arith.constant 1 : index
    %get3A_207 = arith.constant 0 : index
    %get3A_208 = vector.load %arg3[%get3A_205, %get3A_206, %get3A_207] : memref<7x16x256xf32, #tpu.memory_space<vmem>>, vector<1x1x256xf32>
    %get3A_209 = vector.shape_cast %get3A_208 : vector<1x1x256xf32> to vector<1x256xf32>
    %reshape3A_210 = vector.shape_cast %get3A_209 : vector<1x256xf32> to vector<1x1x256xf32>
    %swap3A_211 = arith.constant 1 : index
    %swap3A_212 = arith.constant 48 : index
    %swap3A_213 = arith.constant 0 : index
    %swap3A_214 = vector.load %arg4[%swap3A_211, %swap3A_212, %swap3A_213] : memref<16x50x256xf32, #tpu.memory_space<vmem>>, vector<1x1x256xf32>
    tpu.vector_store %arg4[%swap3A_211, %swap3A_212, %swap3A_213], %reshape3A_210 {strides = array<i32>} : memref<16x50x256xf32, #tpu.memory_space<vmem>>, vector<1x1x256xf32>,
    %get3A_215 = arith.constant 0 : index
    %get3A_216 = arith.constant 2 : index
    %get3A_217 = arith.constant 0 : index
    %get3A_218 = vector.load %arg3[%get3A_215, %get3A_216, %get3A_217] : memref<7x16x256xf32, #tpu.memory_space<vmem>>, vector<1x1x256xf32>
    %get3A_219 = vector.shape_cast %get3A_218 : vector<1x1x256xf32> to vector<1x256xf32>
    %reshape3A_220 = vector.shape_cast %get3A_219 : vector<1x256xf32> to vector<1x1x256xf32>
    %swap3A_221 = arith.constant 2 : index
    %swap3A_222 = arith.constant 0 : index
    %swap3A_223 = arith.constant 0 : index
    %swap3A_224 = vector.load %arg4[%swap3A_221, %swap3A_222, %swap3A_223] : memref<16x50x256xf32, #tpu.memory_space<vmem>>, vector<1x1x256xf32>
    tpu.vector_store %arg4[%swap3A_221, %swap3A_222, %swap3A_223], %reshape3A_220 {strides = array<i32>} : memref<16x50x256xf32, #tpu.memory_space<vmem>>, vector<1x1x256xf32>,
    %get3A_225 = arith.constant 1 : index
    %get3A_226 = arith.constant 2 : index
    %get3A_227 = arith.constant 0 : index
    %get3A_228 = vector.load %arg3[%get3A_225, %get3A_226, %get3A_227] : memref<7x16x256xf32, #tpu.memory_space<vmem>>, vector<1x1x256xf32>
    %get3A_229 = vector.shape_cast %get3A_228 : vector<1x1x256xf32> to vector<1x256xf32>
    %reshape3A_230 = vector.shape_cast %get3A_229 : vector<1x256xf32> to vector<1x1x256xf32>
    %swap3A_231 = arith.constant 2 : index
    %swap3A_232 = arith.constant 8 : index
    %swap3A_233 = arith.constant 0 : index
    %swap3A_234 = vector.load %arg4[%swap3A_231, %swap3A_232, %swap3A_233] : memref<16x50x256xf32, #tpu.memory_space<vmem>>, vector<1x1x256xf32>
    tpu.vector_store %arg4[%swap3A_231, %swap3A_232, %swap3A_233], %reshape3A_230 {strides = array<i32>} : memref<16x50x256xf32, #tpu.memory_space<vmem>>, vector<1x1x256xf32>,
    %get3A_235 = arith.constant 2 : index
    %get3A_236 = arith.constant 2 : index
    %get3A_237 = arith.constant 0 : index
    %get3A_238 = vector.load %arg3[%get3A_235, %get3A_236, %get3A_237] : memref<7x16x256xf32, #tpu.memory_space<vmem>>, vector<1x1x256xf32>
    %get3A_239 = vector.shape_cast %get3A_238 : vector<1x1x256xf32> to vector<1x256xf32>
    %reshape3A_240 = vector.shape_cast %get3A_239 : vector<1x256xf32> to vector<1x1x256xf32>
    %swap3A_241 = arith.constant 2 : index
    %swap3A_242 = arith.constant 16 : index
    %swap3A_243 = arith.constant 0 : index
    %swap3A_244 = vector.load %arg4[%swap3A_241, %swap3A_242, %swap3A_243] : memref<16x50x256xf32, #tpu.memory_space<vmem>>, vector<1x1x256xf32>
    tpu.vector_store %arg4[%swap3A_241, %swap3A_242, %swap3A_243], %reshape3A_240 {strides = array<i32>} : memref<16x50x256xf32, #tpu.memory_space<vmem>>, vector<1x1x256xf32>,
    %get3A_245 = arith.constant 3 : index
    %get3A_246 = arith.constant 2 : index
    %get3A_247 = arith.constant 0 : index
    %get3A_248 = vector.load %arg3[%get3A_245, %get3A_246, %get3A_247] : memref<7x16x256xf32, #tpu.memory_space<vmem>>, vector<1x1x256xf32>
    %get3A_249 = vector.shape_cast %get3A_248 : vector<1x1x256xf32> to vector<1x256xf32>
    %reshape3A_250 = vector.shape_cast %get3A_249 : vector<1x256xf32> to vector<1x1x256xf32>
    %swap3A_251 = arith.constant 2 : index
    %swap3A_252 = arith.constant 24 : index
    %swap3A_253 = arith.constant 0 : index
    %swap3A_254 = vector.load %arg4[%swap3A_251, %swap3A_252, %swap3A_253] : memref<16x50x256xf32, #tpu.memory_space<vmem>>, vector<1x1x256xf32>
    tpu.vector_store %arg4[%swap3A_251, %swap3A_252, %swap3A_253], %reshape3A_250 {strides = array<i32>} : memref<16x50x256xf32, #tpu.memory_space<vmem>>, vector<1x1x256xf32>,
    %get3A_255 = arith.constant 4 : index
    %get3A_256 = arith.constant 2 : index
    %get3A_257 = arith.constant 0 : index
    %get3A_258 = vector.load %arg3[%get3A_255, %get3A_256, %get3A_257] : memref<7x16x256xf32, #tpu.memory_space<vmem>>, vector<1x1x256xf32>
    %get3A_259 = vector.shape_cast %get3A_258 : vector<1x1x256xf32> to vector<1x256xf32>
    %reshape3A_260 = vector.shape_cast %get3A_259 : vector<1x256xf32> to vector<1x1x256xf32>
    %swap3A_261 = arith.constant 2 : index
    %swap3A_262 = arith.constant 32 : index
    %swap3A_263 = arith.constant 0 : index
    %swap3A_264 = vector.load %arg4[%swap3A_261, %swap3A_262, %swap3A_263] : memref<16x50x256xf32, #tpu.memory_space<vmem>>, vector<1x1x256xf32>
    tpu.vector_store %arg4[%swap3A_261, %swap3A_262, %swap3A_263], %reshape3A_260 {strides = array<i32>} : memref<16x50x256xf32, #tpu.memory_space<vmem>>, vector<1x1x256xf32>,
    %get3A_265 = arith.constant 5 : index
    %get3A_266 = arith.constant 2 : index
    %get3A_267 = arith.constant 0 : index
    %get3A_268 = vector.load %arg3[%get3A_265, %get3A_266, %get3A_267] : memref<7x16x256xf32, #tpu.memory_space<vmem>>, vector<1x1x256xf32>
    %get3A_269 = vector.shape_cast %get3A_268 : vector<1x1x256xf32> to vector<1x256xf32>
    %reshape3A_270 = vector.shape_cast %get3A_269 : vector<1x256xf32> to vector<1x1x256xf32>
    %swap3A_271 = arith.constant 2 : index
    %swap3A_272 = arith.constant 40 : index
    %swap3A_273 = arith.constant 0 : index
    %swap3A_274 = vector.load %arg4[%swap3A_271, %swap3A_272, %swap3A_273] : memref<16x50x256xf32, #tpu.memory_space<vmem>>, vector<1x1x256xf32>
    tpu.vector_store %arg4[%swap3A_271, %swap3A_272, %swap3A_273], %reshape3A_270 {strides = array<i32>} : memref<16x50x256xf32, #tpu.memory_space<vmem>>, vector<1x1x256xf32>,
    %get3A_275 = arith.constant 6 : index
    %get3A_276 = arith.constant 2 : index
    %get3A_277 = arith.constant 0 : index
    %get3A_278 = vector.load %arg3[%get3A_275, %get3A_276, %get3A_277] : memref<7x16x256xf32, #tpu.memory_space<vmem>>, vector<1x1x256xf32>
    %get3A_279 = vector.shape_cast %get3A_278 : vector<1x1x256xf32> to vector<1x256xf32>
    %reshape3A_280 = vector.shape_cast %get3A_279 : vector<1x256xf32> to vector<1x1x256xf32>
    %swap3A_281 = arith.constant 2 : index
    %swap3A_282 = arith.constant 48 : index
    %swap3A_283 = arith.constant 0 : index
    %swap3A_284 = vector.load %arg4[%swap3A_281, %swap3A_282, %swap3A_283] : memref<16x50x256xf32, #tpu.memory_space<vmem>>, vector<1x1x256xf32>
    tpu.vector_store %arg4[%swap3A_281, %swap3A_282, %swap3A_283], %reshape3A_280 {strides = array<i32>} : memref<16x50x256xf32, #tpu.memory_space<vmem>>, vector<1x1x256xf32>,
    %get3A_285 = arith.constant 0 : index
    %get3A_286 = arith.constant 3 : index
    %get3A_287 = arith.constant 0 : index
    %get3A_288 = vector.load %arg3[%get3A_285, %get3A_286, %get3A_287] : memref<7x16x256xf32, #tpu.memory_space<vmem>>, vector<1x1x256xf32>
    %get3A_289 = vector.shape_cast %get3A_288 : vector<1x1x256xf32> to vector<1x256xf32>
    %reshape3A_290 = vector.shape_cast %get3A_289 : vector<1x256xf32> to vector<1x1x256xf32>
    %swap3A_291 = arith.constant 3 : index
    %swap3A_292 = arith.constant 0 : index
    %swap3A_293 = arith.constant 0 : index
    %swap3A_294 = vector.load %arg4[%swap3A_291, %swap3A_292, %swap3A_293] : memref<16x50x256xf32, #tpu.memory_space<vmem>>, vector<1x1x256xf32>
    tpu.vector_store %arg4[%swap3A_291, %swap3A_292, %swap3A_293], %reshape3A_290 {strides = array<i32>} : memref<16x50x256xf32, #tpu.memory_space<vmem>>, vector<1x1x256xf32>,
    %get3A_295 = arith.constant 1 : index
    %get3A_296 = arith.constant 3 : index
    %get3A_297 = arith.constant 0 : index
    %get3A_298 = vector.load %arg3[%get3A_295, %get3A_296, %get3A_297] : memref<7x16x256xf32, #tpu.memory_space<vmem>>, vector<1x1x256xf32>
    %get3A_299 = vector.shape_cast %get3A_298 : vector<1x1x256xf32> to vector<1x256xf32>
    %reshape3A_300 = vector.shape_cast %get3A_299 : vector<1x256xf32> to vector<1x1x256xf32>
    %swap3A_301 = arith.constant 3 : index
    %swap3A_302 = arith.constant 8 : index
    %swap3A_303 = arith.constant 0 : index
    %swap3A_304 = vector.load %arg4[%swap3A_301, %swap3A_302, %swap3A_303] : memref<16x50x256xf32, #tpu.memory_space<vmem>>, vector<1x1x256xf32>
    tpu.vector_store %arg4[%swap3A_301, %swap3A_302, %swap3A_303], %reshape3A_300 {strides = array<i32>} : memref<16x50x256xf32, #tpu.memory_space<vmem>>, vector<1x1x256xf32>,
    %get3A_305 = arith.constant 2 : index
    %get3A_306 = arith.constant 3 : index
    %get3A_307 = arith.constant 0 : index
    %get3A_308 = vector.load %arg3[%get3A_305, %get3A_306, %get3A_307] : memref<7x16x256xf32, #tpu.memory_space<vmem>>, vector<1x1x256xf32>
    %get3A_309 = vector.shape_cast %get3A_308 : vector<1x1x256xf32> to vector<1x256xf32>
    %reshape3A_310 = vector.shape_cast %get3A_309 : vector<1x256xf32> to vector<1x1x256xf32>
    %swap3A_311 = arith.constant 3 : index
    %swap3A_312 = arith.constant 16 : index
    %swap3A_313 = arith.constant 0 : index
    %swap3A_314 = vector.load %arg4[%swap3A_311, %swap3A_312, %swap3A_313] : memref<16x50x256xf32, #tpu.memory_space<vmem>>, vector<1x1x256xf32>
    tpu.vector_store %arg4[%swap3A_311, %swap3A_312, %swap3A_313], %reshape3A_310 {strides = array<i32>} : memref<16x50x256xf32, #tpu.memory_space<vmem>>, vector<1x1x256xf32>,
    %get3A_315 = arith.constant 3 : index
    %get3A_316 = arith.constant 3 : index
    %get3A_317 = arith.constant 0 : index
    %get3A_318 = vector.load %arg3[%get3A_315, %get3A_316, %get3A_317] : memref<7x16x256xf32, #tpu.memory_space<vmem>>, vector<1x1x256xf32>
    %get3A_319 = vector.shape_cast %get3A_318 : vector<1x1x256xf32> to vector<1x256xf32>
    %reshape3A_320 = vector.shape_cast %get3A_319 : vector<1x256xf32> to vector<1x1x256xf32>
    %swap3A_321 = arith.constant 3 : index
    %swap3A_322 = arith.constant 24 : index
    %swap3A_323 = arith.constant 0 : index
    %swap3A_324 = vector.load %arg4[%swap3A_321, %swap3A_322, %swap3A_323] : memref<16x50x256xf32, #tpu.memory_space<vmem>>, vector<1x1x256xf32>
    tpu.vector_store %arg4[%swap3A_321, %swap3A_322, %swap3A_323], %reshape3A_320 {strides = array<i32>} : memref<16x50x256xf32, #tpu.memory_space<vmem>>, vector<1x1x256xf32>,
    %get3A_325 = arith.constant 4 : index
    %get3A_326 = arith.constant 3 : index
    %get3A_327 = arith.constant 0 : index
    %get3A_328 = vector.load %arg3[%get3A_325, %get3A_326, %get3A_327] : memref<7x16x256xf32, #tpu.memory_space<vmem>>, vector<1x1x256xf32>
    %get3A_329 = vector.shape_cast %get3A_328 : vector<1x1x256xf32> to vector<1x256xf32>
    %reshape3A_330 = vector.shape_cast %get3A_329 : vector<1x256xf32> to vector<1x1x256xf32>
    %swap3A_331 = arith.constant 3 : index
    %swap3A_332 = arith.constant 32 : index
    %swap3A_333 = arith.constant 0 : index
    %swap3A_334 = vector.load %arg4[%swap3A_331, %swap3A_332, %swap3A_333] : memref<16x50x256xf32, #tpu.memory_space<vmem>>, vector<1x1x256xf32>
    tpu.vector_store %arg4[%swap3A_331, %swap3A_332, %swap3A_333], %reshape3A_330 {strides = array<i32>} : memref<16x50x256xf32, #tpu.memory_space<vmem>>, vector<1x1x256xf32>,
    %get3A_335 = arith.constant 5 : index
    %get3A_336 = arith.constant 3 : index
    %get3A_337 = arith.constant 0 : index
    %get3A_338 = vector.load %arg3[%get3A_335, %get3A_336, %get3A_337] : memref<7x16x256xf32, #tpu.memory_space<vmem>>, vector<1x1x256xf32>
    %get3A_339 = vector.shape_cast %get3A_338 : vector<1x1x256xf32> to vector<1x256xf32>
    %reshape3A_340 = vector.shape_cast %get3A_339 : vector<1x256xf32> to vector<1x1x256xf32>
    %swap3A_341 = arith.constant 3 : index
    %swap3A_342 = arith.constant 40 : index
    %swap3A_343 = arith.constant 0 : index
    %swap3A_344 = vector.load %arg4[%swap3A_341, %swap3A_342, %swap3A_343] : memref<16x50x256xf32, #tpu.memory_space<vmem>>, vector<1x1x256xf32>
    tpu.vector_store %arg4[%swap3A_341, %swap3A_342, %swap3A_343], %reshape3A_340 {strides = array<i32>} : memref<16x50x256xf32, #tpu.memory_space<vmem>>, vector<1x1x256xf32>,
    %get3A_345 = arith.constant 6 : index
    %get3A_346 = arith.constant 3 : index
    %get3A_347 = arith.constant 0 : index
    %get3A_348 = vector.load %arg3[%get3A_345, %get3A_346, %get3A_347] : memref<7x16x256xf32, #tpu.memory_space<vmem>>, vector<1x1x256xf32>
    %get3A_349 = vector.shape_cast %get3A_348 : vector<1x1x256xf32> to vector<1x256xf32>
    %reshape3A_350 = vector.shape_cast %get3A_349 : vector<1x256xf32> to vector<1x1x256xf32>
    %swap3A_351 = arith.constant 3 : index
    %swap3A_352 = arith.constant 48 : index
    %swap3A_353 = arith.constant 0 : index
    %swap3A_354 = vector.load %arg4[%swap3A_351, %swap3A_352, %swap3A_353] : memref<16x50x256xf32, #tpu.memory_space<vmem>>, vector<1x1x256xf32>
    tpu.vector_store %arg4[%swap3A_351, %swap3A_352, %swap3A_353], %reshape3A_350 {strides = array<i32>} : memref<16x50x256xf32, #tpu.memory_space<vmem>>, vector<1x1x256xf32>,
    %get3A_355 = arith.constant 0 : index
    %get3A_356 = arith.constant 4 : index
    %get3A_357 = arith.constant 0 : index
    %get3A_358 = vector.load %arg3[%get3A_355, %get3A_356, %get3A_357] : memref<7x16x256xf32, #tpu.memory_space<vmem>>, vector<1x1x256xf32>
    %get3A_359 = vector.shape_cast %get3A_358 : vector<1x1x256xf32> to vector<1x256xf32>
    %reshape3A_360 = vector.shape_cast %get3A_359 : vector<1x256xf32> to vector<1x1x256xf32>
    %swap3A_361 = arith.constant 4 : index
    %swap3A_362 = arith.constant 0 : index
    %swap3A_363 = arith.constant 0 : index
    %swap3A_364 = vector.load %arg4[%swap3A_361, %swap3A_362, %swap3A_363] : memref<16x50x256xf32, #tpu.memory_space<vmem>>, vector<1x1x256xf32>
    tpu.vector_store %arg4[%swap3A_361, %swap3A_362, %swap3A_363], %reshape3A_360 {strides = array<i32>} : memref<16x50x256xf32, #tpu.memory_space<vmem>>, vector<1x1x256xf32>,
    %get3A_365 = arith.constant 1 : index
    %get3A_366 = arith.constant 4 : index
    %get3A_367 = arith.constant 0 : index
    %get3A_368 = vector.load %arg3[%get3A_365, %get3A_366, %get3A_367] : memref<7x16x256xf32, #tpu.memory_space<vmem>>, vector<1x1x256xf32>
    %get3A_369 = vector.shape_cast %get3A_368 : vector<1x1x256xf32> to vector<1x256xf32>
    %reshape3A_370 = vector.shape_cast %get3A_369 : vector<1x256xf32> to vector<1x1x256xf32>
    %swap3A_371 = arith.constant 4 : index
    %swap3A_372 = arith.constant 8 : index
    %swap3A_373 = arith.constant 0 : index
    %swap3A_374 = vector.load %arg4[%swap3A_371, %swap3A_372, %swap3A_373] : memref<16x50x256xf32, #tpu.memory_space<vmem>>, vector<1x1x256xf32>
    tpu.vector_store %arg4[%swap3A_371, %swap3A_372, %swap3A_373], %reshape3A_370 {strides = array<i32>} : memref<16x50x256xf32, #tpu.memory_space<vmem>>, vector<1x1x256xf32>,
    %get3A_375 = arith.constant 2 : index
    %get3A_376 = arith.constant 4 : index
    %get3A_377 = arith.constant 0 : index
    %get3A_378 = vector.load %arg3[%get3A_375, %get3A_376, %get3A_377] : memref<7x16x256xf32, #tpu.memory_space<vmem>>, vector<1x1x256xf32>
    %get3A_379 = vector.shape_cast %get3A_378 : vector<1x1x256xf32> to vector<1x256xf32>
    %reshape3A_380 = vector.shape_cast %get3A_379 : vector<1x256xf32> to vector<1x1x256xf32>
    %swap3A_381 = arith.constant 4 : index
    %swap3A_382 = arith.constant 16 : index
    %swap3A_383 = arith.constant 0 : index
    %swap3A_384 = vector.load %arg4[%swap3A_381, %swap3A_382, %swap3A_383] : memref<16x50x256xf32, #tpu.memory_space<vmem>>, vector<1x1x256xf32>
    tpu.vector_store %arg4[%swap3A_381, %swap3A_382, %swap3A_383], %reshape3A_380 {strides = array<i32>} : memref<16x50x256xf32, #tpu.memory_space<vmem>>, vector<1x1x256xf32>,
    %get3A_385 = arith.constant 3 : index
    %get3A_386 = arith.constant 4 : index
    %get3A_387 = arith.constant 0 : index
    %get3A_388 = vector.load %arg3[%get3A_385, %get3A_386, %get3A_387] : memref<7x16x256xf32, #tpu.memory_space<vmem>>, vector<1x1x256xf32>
    %get3A_389 = vector.shape_cast %get3A_388 : vector<1x1x256xf32> to vector<1x256xf32>
    %reshape3A_390 = vector.shape_cast %get3A_389 : vector<1x256xf32> to vector<1x1x256xf32>
    %swap3A_391 = arith.constant 4 : index
    %swap3A_392 = arith.constant 24 : index
    %swap3A_393 = arith.constant 0 : index
    %swap3A_394 = vector.load %arg4[%swap3A_391, %swap3A_392, %swap3A_393] : memref<16x50x256xf32, #tpu.memory_space<vmem>>, vector<1x1x256xf32>
    tpu.vector_store %arg4[%swap3A_391, %swap3A_392, %swap3A_393], %reshape3A_390 {strides = array<i32>} : memref<16x50x256xf32, #tpu.memory_space<vmem>>, vector<1x1x256xf32>,
    %get3A_395 = arith.constant 4 : index
    %get3A_396 = arith.constant 4 : index
    %get3A_397 = arith.constant 0 : index
    %get3A_398 = vector.load %arg3[%get3A_395, %get3A_396, %get3A_397] : memref<7x16x256xf32, #tpu.memory_space<vmem>>, vector<1x1x256xf32>
    %get3A_399 = vector.shape_cast %get3A_398 : vector<1x1x256xf32> to vector<1x256xf32>
    %reshape3A_400 = vector.shape_cast %get3A_399 : vector<1x256xf32> to vector<1x1x256xf32>
    %swap3A_401 = arith.constant 4 : index
    %swap3A_402 = arith.constant 32 : index
    %swap3A_403 = arith.constant 0 : index
    %swap3A_404 = vector.load %arg4[%swap3A_401, %swap3A_402, %swap3A_403] : memref<16x50x256xf32, #tpu.memory_space<vmem>>, vector<1x1x256xf32>
    tpu.vector_store %arg4[%swap3A_401, %swap3A_402, %swap3A_403], %reshape3A_400 {strides = array<i32>} : memref<16x50x256xf32, #tpu.memory_space<vmem>>, vector<1x1x256xf32>,
    %get3A_405 = arith.constant 5 : index
    %get3A_406 = arith.constant 4 : index
    %get3A_407 = arith.constant 0 : index
    %get3A_408 = vector.load %arg3[%get3A_405, %get3A_406, %get3A_407] : memref<7x16x256xf32, #tpu.memory_space<vmem>>, vector<1x1x256xf32>
    %get3A_409 = vector.shape_cast %get3A_408 : vector<1x1x256xf32> to vector<1x256xf32>
    %reshape3A_410 = vector.shape_cast %get3A_409 : vector<1x256xf32> to vector<1x1x256xf32>
    %swap3A_411 = arith.constant 4 : index
    %swap3A_412 = arith.constant 40 : index
    %swap3A_413 = arith.constant 0 : index
    %swap3A_414 = vector.load %arg4[%swap3A_411, %swap3A_412, %swap3A_413] : memref<16x50x256xf32, #tpu.memory_space<vmem>>, vector<1x1x256xf32>
    tpu.vector_store %arg4[%swap3A_411, %swap3A_412, %swap3A_413], %reshape3A_410 {strides = array<i32>} : memref<16x50x256xf32, #tpu.memory_space<vmem>>, vector<1x1x256xf32>,
    %get3A_415 = arith.constant 6 : index
    %get3A_416 = arith.constant 4 : index
    %get3A_417 = arith.constant 0 : index
    %get3A_418 = vector.load %arg3[%get3A_415, %get3A_416, %get3A_417] : memref<7x16x256xf32, #tpu.memory_space<vmem>>, vector<1x1x256xf32>
    %get3A_419 = vector.shape_cast %get3A_418 : vector<1x1x256xf32> to vector<1x256xf32>
    %reshape3A_420 = vector.shape_cast %get3A_419 : vector<1x256xf32> to vector<1x1x256xf32>
    %swap3A_421 = arith.constant 4 : index
    %swap3A_422 = arith.constant 48 : index
    %swap3A_423 = arith.constant 0 : index
    %swap3A_424 = vector.load %arg4[%swap3A_421, %swap3A_422, %swap3A_423] : memref<16x50x256xf32, #tpu.memory_space<vmem>>, vector<1x1x256xf32>
    tpu.vector_store %arg4[%swap3A_421, %swap3A_422, %swap3A_423], %reshape3A_420 {strides = array<i32>} : memref<16x50x256xf32, #tpu.memory_space<vmem>>, vector<1x1x256xf32>,
    %get3A_425 = arith.constant 0 : index
    %get3A_426 = arith.constant 5 : index
    %get3A_427 = arith.constant 0 : index
    %get3A_428 = vector.load %arg3[%get3A_425, %get3A_426, %get3A_427] : memref<7x16x256xf32, #tpu.memory_space<vmem>>, vector<1x1x256xf32>
    %get3A_429 = vector.shape_cast %get3A_428 : vector<1x1x256xf32> to vector<1x256xf32>
    %reshape3A_430 = vector.shape_cast %get3A_429 : vector<1x256xf32> to vector<1x1x256xf32>
    %swap3A_431 = arith.constant 5 : index
    %swap3A_432 = arith.constant 0 : index
    %swap3A_433 = arith.constant 0 : index
    %swap3A_434 = vector.load %arg4[%swap3A_431, %swap3A_432, %swap3A_433] : memref<16x50x256xf32, #tpu.memory_space<vmem>>, vector<1x1x256xf32>
    tpu.vector_store %arg4[%swap3A_431, %swap3A_432, %swap3A_433], %reshape3A_430 {strides = array<i32>} : memref<16x50x256xf32, #tpu.memory_space<vmem>>, vector<1x1x256xf32>,
    %get3A_435 = arith.constant 1 : index
    %get3A_436 = arith.constant 5 : index
    %get3A_437 = arith.constant 0 : index
    %get3A_438 = vector.load %arg3[%get3A_435, %get3A_436, %get3A_437] : memref<7x16x256xf32, #tpu.memory_space<vmem>>, vector<1x1x256xf32>
    %get3A_439 = vector.shape_cast %get3A_438 : vector<1x1x256xf32> to vector<1x256xf32>
    %reshape3A_440 = vector.shape_cast %get3A_439 : vector<1x256xf32> to vector<1x1x256xf32>
    %swap3A_441 = arith.constant 5 : index
    %swap3A_442 = arith.constant 8 : index
    %swap3A_443 = arith.constant 0 : index
    %swap3A_444 = vector.load %arg4[%swap3A_441, %swap3A_442, %swap3A_443] : memref<16x50x256xf32, #tpu.memory_space<vmem>>, vector<1x1x256xf32>
    tpu.vector_store %arg4[%swap3A_441, %swap3A_442, %swap3A_443], %reshape3A_440 {strides = array<i32>} : memref<16x50x256xf32, #tpu.memory_space<vmem>>, vector<1x1x256xf32>,
    %get3A_445 = arith.constant 2 : index
    %get3A_446 = arith.constant 5 : index
    %get3A_447 = arith.constant 0 : index
    %get3A_448 = vector.load %arg3[%get3A_445, %get3A_446, %get3A_447] : memref<7x16x256xf32, #tpu.memory_space<vmem>>, vector<1x1x256xf32>
    %get3A_449 = vector.shape_cast %get3A_448 : vector<1x1x256xf32> to vector<1x256xf32>
    %reshape3A_450 = vector.shape_cast %get3A_449 : vector<1x256xf32> to vector<1x1x256xf32>
    %swap3A_451 = arith.constant 5 : index
    %swap3A_452 = arith.constant 16 : index
    %swap3A_453 = arith.constant 0 : index
    %swap3A_454 = vector.load %arg4[%swap3A_451, %swap3A_452, %swap3A_453] : memref<16x50x256xf32, #tpu.memory_space<vmem>>, vector<1x1x256xf32>
    tpu.vector_store %arg4[%swap3A_451, %swap3A_452, %swap3A_453], %reshape3A_450 {strides = array<i32>} : memref<16x50x256xf32, #tpu.memory_space<vmem>>, vector<1x1x256xf32>,
    %get3A_455 = arith.constant 3 : index
    %get3A_456 = arith.constant 5 : index
    %get3A_457 = arith.constant 0 : index
    %get3A_458 = vector.load %arg3[%get3A_455, %get3A_456, %get3A_457] : memref<7x16x256xf32, #tpu.memory_space<vmem>>, vector<1x1x256xf32>
    %get3A_459 = vector.shape_cast %get3A_458 : vector<1x1x256xf32> to vector<1x256xf32>
    %reshape3A_460 = vector.shape_cast %get3A_459 : vector<1x256xf32> to vector<1x1x256xf32>
    %swap3A_461 = arith.constant 5 : index
    %swap3A_462 = arith.constant 24 : index
    %swap3A_463 = arith.constant 0 : index
    %swap3A_464 = vector.load %arg4[%swap3A_461, %swap3A_462, %swap3A_463] : memref<16x50x256xf32, #tpu.memory_space<vmem>>, vector<1x1x256xf32>
    tpu.vector_store %arg4[%swap3A_461, %swap3A_462, %swap3A_463], %reshape3A_460 {strides = array<i32>} : memref<16x50x256xf32, #tpu.memory_space<vmem>>, vector<1x1x256xf32>,
    %get3A_465 = arith.constant 4 : index
    %get3A_466 = arith.constant 5 : index
    %get3A_467 = arith.constant 0 : index
    %get3A_468 = vector.load %arg3[%get3A_465, %get3A_466, %get3A_467] : memref<7x16x256xf32, #tpu.memory_space<vmem>>, vector<1x1x256xf32>
    %get3A_469 = vector.shape_cast %get3A_468 : vector<1x1x256xf32> to vector<1x256xf32>
    %reshape3A_470 = vector.shape_cast %get3A_469 : vector<1x256xf32> to vector<1x1x256xf32>
    %swap3A_471 = arith.constant 5 : index
    %swap3A_472 = arith.constant 32 : index
    %swap3A_473 = arith.constant 0 : index
    %swap3A_474 = vector.load %arg4[%swap3A_471, %swap3A_472, %swap3A_473] : memref<16x50x256xf32, #tpu.memory_space<vmem>>, vector<1x1x256xf32>
    tpu.vector_store %arg4[%swap3A_471, %swap3A_472, %swap3A_473], %reshape3A_470 {strides = array<i32>} : memref<16x50x256xf32, #tpu.memory_space<vmem>>, vector<1x1x256xf32>,
    %get3A_475 = arith.constant 5 : index
    %get3A_476 = arith.constant 5 : index
    %get3A_477 = arith.constant 0 : index
    %get3A_478 = vector.load %arg3[%get3A_475, %get3A_476, %get3A_477] : memref<7x16x256xf32, #tpu.memory_space<vmem>>, vector<1x1x256xf32>
    %get3A_479 = vector.shape_cast %get3A_478 : vector<1x1x256xf32> to vector<1x256xf32>
    %reshape3A_480 = vector.shape_cast %get3A_479 : vector<1x256xf32> to vector<1x1x256xf32>
    %swap3A_481 = arith.constant 5 : index
    %swap3A_482 = arith.constant 40 : index
    %swap3A_483 = arith.constant 0 : index
    %swap3A_484 = vector.load %arg4[%swap3A_481, %swap3A_482, %swap3A_483] : memref<16x50x256xf32, #tpu.memory_space<vmem>>, vector<1x1x256xf32>
    tpu.vector_store %arg4[%swap3A_481, %swap3A_482, %swap3A_483], %reshape3A_480 {strides = array<i32>} : memref<16x50x256xf32, #tpu.memory_space<vmem>>, vector<1x1x256xf32>,
    %get3A_485 = arith.constant 6 : index
    %get3A_486 = arith.constant 5 : index
    %get3A_487 = arith.constant 0 : index
    %get3A_488 = vector.load %arg3[%get3A_485, %get3A_486, %get3A_487] : memref<7x16x256xf32, #tpu.memory_space<vmem>>, vector<1x1x256xf32>
    %get3A_489 = vector.shape_cast %get3A_488 : vector<1x1x256xf32> to vector<1x256xf32>
    %reshape3A_490 = vector.shape_cast %get3A_489 : vector<1x256xf32> to vector<1x1x256xf32>
    %swap3A_491 = arith.constant 5 : index
    %swap3A_492 = arith.constant 48 : index
    %swap3A_493 = arith.constant 0 : index
    %swap3A_494 = vector.load %arg4[%swap3A_491, %swap3A_492, %swap3A_493] : memref<16x50x256xf32, #tpu.memory_space<vmem>>, vector<1x1x256xf32>
    tpu.vector_store %arg4[%swap3A_491, %swap3A_492, %swap3A_493], %reshape3A_490 {strides = array<i32>} : memref<16x50x256xf32, #tpu.memory_space<vmem>>, vector<1x1x256xf32>,
    %get3A_495 = arith.constant 0 : index
    %get3A_496 = arith.constant 6 : index
    %get3A_497 = arith.constant 0 : index
    %get3A_498 = vector.load %arg3[%get3A_495, %get3A_496, %get3A_497] : memref<7x16x256xf32, #tpu.memory_space<vmem>>, vector<1x1x256xf32>
    %get3A_499 = vector.shape_cast %get3A_498 : vector<1x1x256xf32> to vector<1x256xf32>
    %reshape3A_500 = vector.shape_cast %get3A_499 : vector<1x256xf32> to vector<1x1x256xf32>
    %swap3A_501 = arith.constant 6 : index
    %swap3A_502 = arith.constant 0 : index
    %swap3A_503 = arith.constant 0 : index
    %swap3A_504 = vector.load %arg4[%swap3A_501, %swap3A_502, %swap3A_503] : memref<16x50x256xf32, #tpu.memory_space<vmem>>, vector<1x1x256xf32>
    tpu.vector_store %arg4[%swap3A_501, %swap3A_502, %swap3A_503], %reshape3A_500 {strides = array<i32>} : memref<16x50x256xf32, #tpu.memory_space<vmem>>, vector<1x1x256xf32>,
    %get3A_505 = arith.constant 1 : index
    %get3A_506 = arith.constant 6 : index
    %get3A_507 = arith.constant 0 : index
    %get3A_508 = vector.load %arg3[%get3A_505, %get3A_506, %get3A_507] : memref<7x16x256xf32, #tpu.memory_space<vmem>>, vector<1x1x256xf32>
    %get3A_509 = vector.shape_cast %get3A_508 : vector<1x1x256xf32> to vector<1x256xf32>
    %reshape3A_510 = vector.shape_cast %get3A_509 : vector<1x256xf32> to vector<1x1x256xf32>
    %swap3A_511 = arith.constant 6 : index
    %swap3A_512 = arith.constant 8 : index
    %swap3A_513 = arith.constant 0 : index
    %swap3A_514 = vector.load %arg4[%swap3A_511, %swap3A_512, %swap3A_513] : memref<16x50x256xf32, #tpu.memory_space<vmem>>, vector<1x1x256xf32>
    tpu.vector_store %arg4[%swap3A_511, %swap3A_512, %swap3A_513], %reshape3A_510 {strides = array<i32>} : memref<16x50x256xf32, #tpu.memory_space<vmem>>, vector<1x1x256xf32>,
    %get3A_515 = arith.constant 2 : index
    %get3A_516 = arith.constant 6 : index
    %get3A_517 = arith.constant 0 : index
    %get3A_518 = vector.load %arg3[%get3A_515, %get3A_516, %get3A_517] : memref<7x16x256xf32, #tpu.memory_space<vmem>>, vector<1x1x256xf32>
    %get3A_519 = vector.shape_cast %get3A_518 : vector<1x1x256xf32> to vector<1x256xf32>
    %reshape3A_520 = vector.shape_cast %get3A_519 : vector<1x256xf32> to vector<1x1x256xf32>
    %swap3A_521 = arith.constant 6 : index
    %swap3A_522 = arith.constant 16 : index
    %swap3A_523 = arith.constant 0 : index
    %swap3A_524 = vector.load %arg4[%swap3A_521, %swap3A_522, %swap3A_523] : memref<16x50x256xf32, #tpu.memory_space<vmem>>, vector<1x1x256xf32>
    tpu.vector_store %arg4[%swap3A_521, %swap3A_522, %swap3A_523], %reshape3A_520 {strides = array<i32>} : memref<16x50x256xf32, #tpu.memory_space<vmem>>, vector<1x1x256xf32>,
    %get3A_525 = arith.constant 3 : index
    %get3A_526 = arith.constant 6 : index
    %get3A_527 = arith.constant 0 : index
    %get3A_528 = vector.load %arg3[%get3A_525, %get3A_526, %get3A_527] : memref<7x16x256xf32, #tpu.memory_space<vmem>>, vector<1x1x256xf32>
    %get3A_529 = vector.shape_cast %get3A_528 : vector<1x1x256xf32> to vector<1x256xf32>
    %reshape3A_530 = vector.shape_cast %get3A_529 : vector<1x256xf32> to vector<1x1x256xf32>
    %swap3A_531 = arith.constant 6 : index
    %swap3A_532 = arith.constant 24 : index
    %swap3A_533 = arith.constant 0 : index
    %swap3A_534 = vector.load %arg4[%swap3A_531, %swap3A_532, %swap3A_533] : memref<16x50x256xf32, #tpu.memory_space<vmem>>, vector<1x1x256xf32>
    tpu.vector_store %arg4[%swap3A_531, %swap3A_532, %swap3A_533], %reshape3A_530 {strides = array<i32>} : memref<16x50x256xf32, #tpu.memory_space<vmem>>, vector<1x1x256xf32>,
    %get3A_535 = arith.constant 4 : index
    %get3A_536 = arith.constant 6 : index
    %get3A_537 = arith.constant 0 : index
    %get3A_538 = vector.load %arg3[%get3A_535, %get3A_536, %get3A_537] : memref<7x16x256xf32, #tpu.memory_space<vmem>>, vector<1x1x256xf32>
    %get3A_539 = vector.shape_cast %get3A_538 : vector<1x1x256xf32> to vector<1x256xf32>
    %reshape3A_540 = vector.shape_cast %get3A_539 : vector<1x256xf32> to vector<1x1x256xf32>
    %swap3A_541 = arith.constant 6 : index
    %swap3A_542 = arith.constant 32 : index
    %swap3A_543 = arith.constant 0 : index
    %swap3A_544 = vector.load %arg4[%swap3A_541, %swap3A_542, %swap3A_543] : memref<16x50x256xf32, #tpu.memory_space<vmem>>, vector<1x1x256xf32>
    tpu.vector_store %arg4[%swap3A_541, %swap3A_542, %swap3A_543], %reshape3A_540 {strides = array<i32>} : memref<16x50x256xf32, #tpu.memory_space<vmem>>, vector<1x1x256xf32>,
    %get3A_545 = arith.constant 5 : index
    %get3A_546 = arith.constant 6 : index
    %get3A_547 = arith.constant 0 : index
    %get3A_548 = vector.load %arg3[%get3A_545, %get3A_546, %get3A_547] : memref<7x16x256xf32, #tpu.memory_space<vmem>>, vector<1x1x256xf32>
    %get3A_549 = vector.shape_cast %get3A_548 : vector<1x1x256xf32> to vector<1x256xf32>
    %reshape3A_550 = vector.shape_cast %get3A_549 : vector<1x256xf32> to vector<1x1x256xf32>
    %swap3A_551 = arith.constant 6 : index
    %swap3A_552 = arith.constant 40 : index
    %swap3A_553 = arith.constant 0 : index
    %swap3A_554 = vector.load %arg4[%swap3A_551, %swap3A_552, %swap3A_553] : memref<16x50x256xf32, #tpu.memory_space<vmem>>, vector<1x1x256xf32>
    tpu.vector_store %arg4[%swap3A_551, %swap3A_552, %swap3A_553], %reshape3A_550 {strides = array<i32>} : memref<16x50x256xf32, #tpu.memory_space<vmem>>, vector<1x1x256xf32>,
    %get3A_555 = arith.constant 6 : index
    %get3A_556 = arith.constant 6 : index
    %get3A_557 = arith.constant 0 : index
    %get3A_558 = vector.load %arg3[%get3A_555, %get3A_556, %get3A_557] : memref<7x16x256xf32, #tpu.memory_space<vmem>>, vector<1x1x256xf32>
    %get3A_559 = vector.shape_cast %get3A_558 : vector<1x1x256xf32> to vector<1x256xf32>
    %reshape3A_560 = vector.shape_cast %get3A_559 : vector<1x256xf32> to vector<1x1x256xf32>
    %swap3A_561 = arith.constant 6 : index
    %swap3A_562 = arith.constant 48 : index
    %swap3A_563 = arith.constant 0 : index
    %swap3A_564 = vector.load %arg4[%swap3A_561, %swap3A_562, %swap3A_563] : memref<16x50x256xf32, #tpu.memory_space<vmem>>, vector<1x1x256xf32>
    tpu.vector_store %arg4[%swap3A_561, %swap3A_562, %swap3A_563], %reshape3A_560 {strides = array<i32>} : memref<16x50x256xf32, #tpu.memory_space<vmem>>, vector<1x1x256xf32>,
    %get3A_565 = arith.constant 0 : index
    %get3A_566 = arith.constant 7 : index
    %get3A_567 = arith.constant 0 : index
    %get3A_568 = vector.load %arg3[%get3A_565, %get3A_566, %get3A_567] : memref<7x16x256xf32, #tpu.memory_space<vmem>>, vector<1x1x256xf32>
    %get3A_569 = vector.shape_cast %get3A_568 : vector<1x1x256xf32> to vector<1x256xf32>
    %reshape3A_570 = vector.shape_cast %get3A_569 : vector<1x256xf32> to vector<1x1x256xf32>
    %swap3A_571 = arith.constant 7 : index
    %swap3A_572 = arith.constant 0 : index
    %swap3A_573 = arith.constant 0 : index
    %swap3A_574 = vector.load %arg4[%swap3A_571, %swap3A_572, %swap3A_573] : memref<16x50x256xf32, #tpu.memory_space<vmem>>, vector<1x1x256xf32>
    tpu.vector_store %arg4[%swap3A_571, %swap3A_572, %swap3A_573], %reshape3A_570 {strides = array<i32>} : memref<16x50x256xf32, #tpu.memory_space<vmem>>, vector<1x1x256xf32>,
    %get3A_575 = arith.constant 1 : index
    %get3A_576 = arith.constant 7 : index
    %get3A_577 = arith.constant 0 : index
    %get3A_578 = vector.load %arg3[%get3A_575, %get3A_576, %get3A_577] : memref<7x16x256xf32, #tpu.memory_space<vmem>>, vector<1x1x256xf32>
    %get3A_579 = vector.shape_cast %get3A_578 : vector<1x1x256xf32> to vector<1x256xf32>
    %reshape3A_580 = vector.shape_cast %get3A_579 : vector<1x256xf32> to vector<1x1x256xf32>
    %swap3A_581 = arith.constant 7 : index
    %swap3A_582 = arith.constant 8 : index
    %swap3A_583 = arith.constant 0 : index
    %swap3A_584 = vector.load %arg4[%swap3A_581, %swap3A_582, %swap3A_583] : memref<16x50x256xf32, #tpu.memory_space<vmem>>, vector<1x1x256xf32>
    tpu.vector_store %arg4[%swap3A_581, %swap3A_582, %swap3A_583], %reshape3A_580 {strides = array<i32>} : memref<16x50x256xf32, #tpu.memory_space<vmem>>, vector<1x1x256xf32>,
    %get3A_585 = arith.constant 2 : index
    %get3A_586 = arith.constant 7 : index
    %get3A_587 = arith.constant 0 : index
    %get3A_588 = vector.load %arg3[%get3A_585, %get3A_586, %get3A_587] : memref<7x16x256xf32, #tpu.memory_space<vmem>>, vector<1x1x256xf32>
    %get3A_589 = vector.shape_cast %get3A_588 : vector<1x1x256xf32> to vector<1x256xf32>
    %reshape3A_590 = vector.shape_cast %get3A_589 : vector<1x256xf32> to vector<1x1x256xf32>
    %swap3A_591 = arith.constant 7 : index
    %swap3A_592 = arith.constant 16 : index
    %swap3A_593 = arith.constant 0 : index
    %swap3A_594 = vector.load %arg4[%swap3A_591, %swap3A_592, %swap3A_593] : memref<16x50x256xf32, #tpu.memory_space<vmem>>, vector<1x1x256xf32>
    tpu.vector_store %arg4[%swap3A_591, %swap3A_592, %swap3A_593], %reshape3A_590 {strides = array<i32>} : memref<16x50x256xf32, #tpu.memory_space<vmem>>, vector<1x1x256xf32>,
    %get3A_595 = arith.constant 3 : index
    %get3A_596 = arith.constant 7 : index
    %get3A_597 = arith.constant 0 : index
    %get3A_598 = vector.load %arg3[%get3A_595, %get3A_596, %get3A_597] : memref<7x16x256xf32, #tpu.memory_space<vmem>>, vector<1x1x256xf32>
    %get3A_599 = vector.shape_cast %get3A_598 : vector<1x1x256xf32> to vector<1x256xf32>
    %reshape3A_600 = vector.shape_cast %get3A_599 : vector<1x256xf32> to vector<1x1x256xf32>
    %swap3A_601 = arith.constant 7 : index
    %swap3A_602 = arith.constant 24 : index
    %swap3A_603 = arith.constant 0 : index
    %swap3A_604 = vector.load %arg4[%swap3A_601, %swap3A_602, %swap3A_603] : memref<16x50x256xf32, #tpu.memory_space<vmem>>, vector<1x1x256xf32>
    tpu.vector_store %arg4[%swap3A_601, %swap3A_602, %swap3A_603], %reshape3A_600 {strides = array<i32>} : memref<16x50x256xf32, #tpu.memory_space<vmem>>, vector<1x1x256xf32>,
    %get3A_605 = arith.constant 4 : index
    %get3A_606 = arith.constant 7 : index
    %get3A_607 = arith.constant 0 : index
    %get3A_608 = vector.load %arg3[%get3A_605, %get3A_606, %get3A_607] : memref<7x16x256xf32, #tpu.memory_space<vmem>>, vector<1x1x256xf32>
    %get3A_609 = vector.shape_cast %get3A_608 : vector<1x1x256xf32> to vector<1x256xf32>
    %reshape3A_610 = vector.shape_cast %get3A_609 : vector<1x256xf32> to vector<1x1x256xf32>
    %swap3A_611 = arith.constant 7 : index
    %swap3A_612 = arith.constant 32 : index
    %swap3A_613 = arith.constant 0 : index
    %swap3A_614 = vector.load %arg4[%swap3A_611, %swap3A_612, %swap3A_613] : memref<16x50x256xf32, #tpu.memory_space<vmem>>, vector<1x1x256xf32>
    tpu.vector_store %arg4[%swap3A_611, %swap3A_612, %swap3A_613], %reshape3A_610 {strides = array<i32>} : memref<16x50x256xf32, #tpu.memory_space<vmem>>, vector<1x1x256xf32>,
    %get3A_615 = arith.constant 5 : index
    %get3A_616 = arith.constant 7 : index
    %get3A_617 = arith.constant 0 : index
    %get3A_618 = vector.load %arg3[%get3A_615, %get3A_616, %get3A_617] : memref<7x16x256xf32, #tpu.memory_space<vmem>>, vector<1x1x256xf32>
    %get3A_619 = vector.shape_cast %get3A_618 : vector<1x1x256xf32> to vector<1x256xf32>
    %reshape3A_620 = vector.shape_cast %get3A_619 : vector<1x256xf32> to vector<1x1x256xf32>
    %swap3A_621 = arith.constant 7 : index
    %swap3A_622 = arith.constant 40 : index
    %swap3A_623 = arith.constant 0 : index
    %swap3A_624 = vector.load %arg4[%swap3A_621, %swap3A_622, %swap3A_623] : memref<16x50x256xf32, #tpu.memory_space<vmem>>, vector<1x1x256xf32>
    tpu.vector_store %arg4[%swap3A_621, %swap3A_622, %swap3A_623], %reshape3A_620 {strides = array<i32>} : memref<16x50x256xf32, #tpu.memory_space<vmem>>, vector<1x1x256xf32>,
    %get3A_625 = arith.constant 6 : index
    %get3A_626 = arith.constant 7 : index
    %get3A_627 = arith.constant 0 : index
    %get3A_628 = vector.load %arg3[%get3A_625, %get3A_626, %get3A_627] : memref<7x16x256xf32, #tpu.memory_space<vmem>>, vector<1x1x256xf32>
    %get3A_629 = vector.shape_cast %get3A_628 : vector<1x1x256xf32> to vector<1x256xf32>
    %reshape3A_630 = vector.shape_cast %get3A_629 : vector<1x256xf32> to vector<1x1x256xf32>
    %swap3A_631 = arith.constant 7 : index
    %swap3A_632 = arith.constant 48 : index
    %swap3A_633 = arith.constant 0 : index
    %swap3A_634 = vector.load %arg4[%swap3A_631, %swap3A_632, %swap3A_633] : memref<16x50x256xf32, #tpu.memory_space<vmem>>, vector<1x1x256xf32>
    tpu.vector_store %arg4[%swap3A_631, %swap3A_632, %swap3A_633], %reshape3A_630 {strides = array<i32>} : memref<16x50x256xf32, #tpu.memory_space<vmem>>, vector<1x1x256xf32>,
    %get3A_635 = arith.constant 0 : index
    %get3A_636 = arith.constant 8 : index
    %get3A_637 = arith.constant 0 : index
    %get3A_638 = vector.load %arg3[%get3A_635, %get3A_636, %get3A_637] : memref<7x16x256xf32, #tpu.memory_space<vmem>>, vector<1x1x256xf32>
    %get3A_639 = vector.shape_cast %get3A_638 : vector<1x1x256xf32> to vector<1x256xf32>
    %reshape3A_640 = vector.shape_cast %get3A_639 : vector<1x256xf32> to vector<1x1x256xf32>
    %swap3A_641 = arith.constant 8 : index
    %swap3A_642 = arith.constant 0 : index
    %swap3A_643 = arith.constant 0 : index
    %swap3A_644 = vector.load %arg4[%swap3A_641, %swap3A_642, %swap3A_643] : memref<16x50x256xf32, #tpu.memory_space<vmem>>, vector<1x1x256xf32>
    tpu.vector_store %arg4[%swap3A_641, %swap3A_642, %swap3A_643], %reshape3A_640 {strides = array<i32>} : memref<16x50x256xf32, #tpu.memory_space<vmem>>, vector<1x1x256xf32>,
    %get3A_645 = arith.constant 1 : index
    %get3A_646 = arith.constant 8 : index
    %get3A_647 = arith.constant 0 : index
    %get3A_648 = vector.load %arg3[%get3A_645, %get3A_646, %get3A_647] : memref<7x16x256xf32, #tpu.memory_space<vmem>>, vector<1x1x256xf32>
    %get3A_649 = vector.shape_cast %get3A_648 : vector<1x1x256xf32> to vector<1x256xf32>
    %reshape3A_650 = vector.shape_cast %get3A_649 : vector<1x256xf32> to vector<1x1x256xf32>
    %swap3A_651 = arith.constant 8 : index
    %swap3A_652 = arith.constant 8 : index
    %swap3A_653 = arith.constant 0 : index
    %swap3A_654 = vector.load %arg4[%swap3A_651, %swap3A_652, %swap3A_653] : memref<16x50x256xf32, #tpu.memory_space<vmem>>, vector<1x1x256xf32>
    tpu.vector_store %arg4[%swap3A_651, %swap3A_652, %swap3A_653], %reshape3A_650 {strides = array<i32>} : memref<16x50x256xf32, #tpu.memory_space<vmem>>, vector<1x1x256xf32>,
    %get3A_655 = arith.constant 2 : index
    %get3A_656 = arith.constant 8 : index
    %get3A_657 = arith.constant 0 : index
    %get3A_658 = vector.load %arg3[%get3A_655, %get3A_656, %get3A_657] : memref<7x16x256xf32, #tpu.memory_space<vmem>>, vector<1x1x256xf32>
    %get3A_659 = vector.shape_cast %get3A_658 : vector<1x1x256xf32> to vector<1x256xf32>
    %reshape3A_660 = vector.shape_cast %get3A_659 : vector<1x256xf32> to vector<1x1x256xf32>
    %swap3A_661 = arith.constant 8 : index
    %swap3A_662 = arith.constant 16 : index
    %swap3A_663 = arith.constant 0 : index
    %swap3A_664 = vector.load %arg4[%swap3A_661, %swap3A_662, %swap3A_663] : memref<16x50x256xf32, #tpu.memory_space<vmem>>, vector<1x1x256xf32>
    tpu.vector_store %arg4[%swap3A_661, %swap3A_662, %swap3A_663], %reshape3A_660 {strides = array<i32>} : memref<16x50x256xf32, #tpu.memory_space<vmem>>, vector<1x1x256xf32>,
    %get3A_665 = arith.constant 3 : index
    %get3A_666 = arith.constant 8 : index
    %get3A_667 = arith.constant 0 : index
    %get3A_668 = vector.load %arg3[%get3A_665, %get3A_666, %get3A_667] : memref<7x16x256xf32, #tpu.memory_space<vmem>>, vector<1x1x256xf32>
    %get3A_669 = vector.shape_cast %get3A_668 : vector<1x1x256xf32> to vector<1x256xf32>
    %reshape3A_670 = vector.shape_cast %get3A_669 : vector<1x256xf32> to vector<1x1x256xf32>
    %swap3A_671 = arith.constant 8 : index
    %swap3A_672 = arith.constant 24 : index
    %swap3A_673 = arith.constant 0 : index
    %swap3A_674 = vector.load %arg4[%swap3A_671, %swap3A_672, %swap3A_673] : memref<16x50x256xf32, #tpu.memory_space<vmem>>, vector<1x1x256xf32>
    tpu.vector_store %arg4[%swap3A_671, %swap3A_672, %swap3A_673], %reshape3A_670 {strides = array<i32>} : memref<16x50x256xf32, #tpu.memory_space<vmem>>, vector<1x1x256xf32>,
    %get3A_675 = arith.constant 4 : index
    %get3A_676 = arith.constant 8 : index
    %get3A_677 = arith.constant 0 : index
    %get3A_678 = vector.load %arg3[%get3A_675, %get3A_676, %get3A_677] : memref<7x16x256xf32, #tpu.memory_space<vmem>>, vector<1x1x256xf32>
    %get3A_679 = vector.shape_cast %get3A_678 : vector<1x1x256xf32> to vector<1x256xf32>
    %reshape3A_680 = vector.shape_cast %get3A_679 : vector<1x256xf32> to vector<1x1x256xf32>
    %swap3A_681 = arith.constant 8 : index
    %swap3A_682 = arith.constant 32 : index
    %swap3A_683 = arith.constant 0 : index
    %swap3A_684 = vector.load %arg4[%swap3A_681, %swap3A_682, %swap3A_683] : memref<16x50x256xf32, #tpu.memory_space<vmem>>, vector<1x1x256xf32>
    tpu.vector_store %arg4[%swap3A_681, %swap3A_682, %swap3A_683], %reshape3A_680 {strides = array<i32>} : memref<16x50x256xf32, #tpu.memory_space<vmem>>, vector<1x1x256xf32>,
    %get3A_685 = arith.constant 5 : index
    %get3A_686 = arith.constant 8 : index
    %get3A_687 = arith.constant 0 : index
    %get3A_688 = vector.load %arg3[%get3A_685, %get3A_686, %get3A_687] : memref<7x16x256xf32, #tpu.memory_space<vmem>>, vector<1x1x256xf32>
    %get3A_689 = vector.shape_cast %get3A_688 : vector<1x1x256xf32> to vector<1x256xf32>
    %reshape3A_690 = vector.shape_cast %get3A_689 : vector<1x256xf32> to vector<1x1x256xf32>
    %swap3A_691 = arith.constant 8 : index
    %swap3A_692 = arith.constant 40 : index
    %swap3A_693 = arith.constant 0 : index
    %swap3A_694 = vector.load %arg4[%swap3A_691, %swap3A_692, %swap3A_693] : memref<16x50x256xf32, #tpu.memory_space<vmem>>, vector<1x1x256xf32>
    tpu.vector_store %arg4[%swap3A_691, %swap3A_692, %swap3A_693], %reshape3A_690 {strides = array<i32>} : memref<16x50x256xf32, #tpu.memory_space<vmem>>, vector<1x1x256xf32>,
    %get3A_695 = arith.constant 6 : index
    %get3A_696 = arith.constant 8 : index
    %get3A_697 = arith.constant 0 : index
    %get3A_698 = vector.load %arg3[%get3A_695, %get3A_696, %get3A_697] : memref<7x16x256xf32, #tpu.memory_space<vmem>>, vector<1x1x256xf32>
    %get3A_699 = vector.shape_cast %get3A_698 : vector<1x1x256xf32> to vector<1x256xf32>
    %reshape3A_700 = vector.shape_cast %get3A_699 : vector<1x256xf32> to vector<1x1x256xf32>
    %swap3A_701 = arith.constant 8 : index
    %swap3A_702 = arith.constant 48 : index
    %swap3A_703 = arith.constant 0 : index
    %swap3A_704 = vector.load %arg4[%swap3A_701, %swap3A_702, %swap3A_703] : memref<16x50x256xf32, #tpu.memory_space<vmem>>, vector<1x1x256xf32>
    tpu.vector_store %arg4[%swap3A_701, %swap3A_702, %swap3A_703], %reshape3A_700 {strides = array<i32>} : memref<16x50x256xf32, #tpu.memory_space<vmem>>, vector<1x1x256xf32>,
    %get3A_705 = arith.constant 0 : index
    %get3A_706 = arith.constant 9 : index
    %get3A_707 = arith.constant 0 : index
    %get3A_708 = vector.load %arg3[%get3A_705, %get3A_706, %get3A_707] : memref<7x16x256xf32, #tpu.memory_space<vmem>>, vector<1x1x256xf32>
    %get3A_709 = vector.shape_cast %get3A_708 : vector<1x1x256xf32> to vector<1x256xf32>
    %reshape3A_710 = vector.shape_cast %get3A_709 : vector<1x256xf32> to vector<1x1x256xf32>
    %swap3A_711 = arith.constant 9 : index
    %swap3A_712 = arith.constant 0 : index
    %swap3A_713 = arith.constant 0 : index
    %swap3A_714 = vector.load %arg4[%swap3A_711, %swap3A_712, %swap3A_713] : memref<16x50x256xf32, #tpu.memory_space<vmem>>, vector<1x1x256xf32>
    tpu.vector_store %arg4[%swap3A_711, %swap3A_712, %swap3A_713], %reshape3A_710 {strides = array<i32>} : memref<16x50x256xf32, #tpu.memory_space<vmem>>, vector<1x1x256xf32>,
    %get3A_715 = arith.constant 1 : index
    %get3A_716 = arith.constant 9 : index
    %get3A_717 = arith.constant 0 : index
    %get3A_718 = vector.load %arg3[%get3A_715, %get3A_716, %get3A_717] : memref<7x16x256xf32, #tpu.memory_space<vmem>>, vector<1x1x256xf32>
    %get3A_719 = vector.shape_cast %get3A_718 : vector<1x1x256xf32> to vector<1x256xf32>
    %reshape3A_720 = vector.shape_cast %get3A_719 : vector<1x256xf32> to vector<1x1x256xf32>
    %swap3A_721 = arith.constant 9 : index
    %swap3A_722 = arith.constant 8 : index
    %swap3A_723 = arith.constant 0 : index
    %swap3A_724 = vector.load %arg4[%swap3A_721, %swap3A_722, %swap3A_723] : memref<16x50x256xf32, #tpu.memory_space<vmem>>, vector<1x1x256xf32>
    tpu.vector_store %arg4[%swap3A_721, %swap3A_722, %swap3A_723], %reshape3A_720 {strides = array<i32>} : memref<16x50x256xf32, #tpu.memory_space<vmem>>, vector<1x1x256xf32>,
    %get3A_725 = arith.constant 2 : index
    %get3A_726 = arith.constant 9 : index
    %get3A_727 = arith.constant 0 : index
    %get3A_728 = vector.load %arg3[%get3A_725, %get3A_726, %get3A_727] : memref<7x16x256xf32, #tpu.memory_space<vmem>>, vector<1x1x256xf32>
    %get3A_729 = vector.shape_cast %get3A_728 : vector<1x1x256xf32> to vector<1x256xf32>
    %reshape3A_730 = vector.shape_cast %get3A_729 : vector<1x256xf32> to vector<1x1x256xf32>
    %swap3A_731 = arith.constant 9 : index
    %swap3A_732 = arith.constant 16 : index
    %swap3A_733 = arith.constant 0 : index
    %swap3A_734 = vector.load %arg4[%swap3A_731, %swap3A_732, %swap3A_733] : memref<16x50x256xf32, #tpu.memory_space<vmem>>, vector<1x1x256xf32>
    tpu.vector_store %arg4[%swap3A_731, %swap3A_732, %swap3A_733], %reshape3A_730 {strides = array<i32>} : memref<16x50x256xf32, #tpu.memory_space<vmem>>, vector<1x1x256xf32>,
    %get3A_735 = arith.constant 3 : index
    %get3A_736 = arith.constant 9 : index
    %get3A_737 = arith.constant 0 : index
    %get3A_738 = vector.load %arg3[%get3A_735, %get3A_736, %get3A_737] : memref<7x16x256xf32, #tpu.memory_space<vmem>>, vector<1x1x256xf32>
    %get3A_739 = vector.shape_cast %get3A_738 : vector<1x1x256xf32> to vector<1x256xf32>
    %reshape3A_740 = vector.shape_cast %get3A_739 : vector<1x256xf32> to vector<1x1x256xf32>
    %swap3A_741 = arith.constant 9 : index
    %swap3A_742 = arith.constant 24 : index
    %swap3A_743 = arith.constant 0 : index
    %swap3A_744 = vector.load %arg4[%swap3A_741, %swap3A_742, %swap3A_743] : memref<16x50x256xf32, #tpu.memory_space<vmem>>, vector<1x1x256xf32>
    tpu.vector_store %arg4[%swap3A_741, %swap3A_742, %swap3A_743], %reshape3A_740 {strides = array<i32>} : memref<16x50x256xf32, #tpu.memory_space<vmem>>, vector<1x1x256xf32>,
    %get3A_745 = arith.constant 4 : index
    %get3A_746 = arith.constant 9 : index
    %get3A_747 = arith.constant 0 : index
    %get3A_748 = vector.load %arg3[%get3A_745, %get3A_746, %get3A_747] : memref<7x16x256xf32, #tpu.memory_space<vmem>>, vector<1x1x256xf32>
    %get3A_749 = vector.shape_cast %get3A_748 : vector<1x1x256xf32> to vector<1x256xf32>
    %reshape3A_750 = vector.shape_cast %get3A_749 : vector<1x256xf32> to vector<1x1x256xf32>
    %swap3A_751 = arith.constant 9 : index
    %swap3A_752 = arith.constant 32 : index
    %swap3A_753 = arith.constant 0 : index
    %swap3A_754 = vector.load %arg4[%swap3A_751, %swap3A_752, %swap3A_753] : memref<16x50x256xf32, #tpu.memory_space<vmem>>, vector<1x1x256xf32>
    tpu.vector_store %arg4[%swap3A_751, %swap3A_752, %swap3A_753], %reshape3A_750 {strides = array<i32>} : memref<16x50x256xf32, #tpu.memory_space<vmem>>, vector<1x1x256xf32>,
    %get3A_755 = arith.constant 5 : index
    %get3A_756 = arith.constant 9 : index
    %get3A_757 = arith.constant 0 : index
    %get3A_758 = vector.load %arg3[%get3A_755, %get3A_756, %get3A_757] : memref<7x16x256xf32, #tpu.memory_space<vmem>>, vector<1x1x256xf32>
    %get3A_759 = vector.shape_cast %get3A_758 : vector<1x1x256xf32> to vector<1x256xf32>
    %reshape3A_760 = vector.shape_cast %get3A_759 : vector<1x256xf32> to vector<1x1x256xf32>
    %swap3A_761 = arith.constant 9 : index
    %swap3A_762 = arith.constant 40 : index
    %swap3A_763 = arith.constant 0 : index
    %swap3A_764 = vector.load %arg4[%swap3A_761, %swap3A_762, %swap3A_763] : memref<16x50x256xf32, #tpu.memory_space<vmem>>, vector<1x1x256xf32>
    tpu.vector_store %arg4[%swap3A_761, %swap3A_762, %swap3A_763], %reshape3A_760 {strides = array<i32>} : memref<16x50x256xf32, #tpu.memory_space<vmem>>, vector<1x1x256xf32>,
    %get3A_765 = arith.constant 6 : index
    %get3A_766 = arith.constant 9 : index
    %get3A_767 = arith.constant 0 : index
    %get3A_768 = vector.load %arg3[%get3A_765, %get3A_766, %get3A_767] : memref<7x16x256xf32, #tpu.memory_space<vmem>>, vector<1x1x256xf32>
    %get3A_769 = vector.shape_cast %get3A_768 : vector<1x1x256xf32> to vector<1x256xf32>
    %reshape3A_770 = vector.shape_cast %get3A_769 : vector<1x256xf32> to vector<1x1x256xf32>
    %swap3A_771 = arith.constant 9 : index
    %swap3A_772 = arith.constant 48 : index
    %swap3A_773 = arith.constant 0 : index
    %swap3A_774 = vector.load %arg4[%swap3A_771, %swap3A_772, %swap3A_773] : memref<16x50x256xf32, #tpu.memory_space<vmem>>, vector<1x1x256xf32>
    tpu.vector_store %arg4[%swap3A_771, %swap3A_772, %swap3A_773], %reshape3A_770 {strides = array<i32>} : memref<16x50x256xf32, #tpu.memory_space<vmem>>, vector<1x1x256xf32>,
    %get3A_775 = arith.constant 0 : index
    %get3A_776 = arith.constant 10 : index
    %get3A_777 = arith.constant 0 : index
    %get3A_778 = vector.load %arg3[%get3A_775, %get3A_776, %get3A_777] : memref<7x16x256xf32, #tpu.memory_space<vmem>>, vector<1x1x256xf32>
    %get3A_779 = vector.shape_cast %get3A_778 : vector<1x1x256xf32> to vector<1x256xf32>
    %reshape3A_780 = vector.shape_cast %get3A_779 : vector<1x256xf32> to vector<1x1x256xf32>
    %swap3A_781 = arith.constant 10 : index
    %swap3A_782 = arith.constant 0 : index
    %swap3A_783 = arith.constant 0 : index
    %swap3A_784 = vector.load %arg4[%swap3A_781, %swap3A_782, %swap3A_783] : memref<16x50x256xf32, #tpu.memory_space<vmem>>, vector<1x1x256xf32>
    tpu.vector_store %arg4[%swap3A_781, %swap3A_782, %swap3A_783], %reshape3A_780 {strides = array<i32>} : memref<16x50x256xf32, #tpu.memory_space<vmem>>, vector<1x1x256xf32>,
    %get3A_785 = arith.constant 1 : index
    %get3A_786 = arith.constant 10 : index
    %get3A_787 = arith.constant 0 : index
    %get3A_788 = vector.load %arg3[%get3A_785, %get3A_786, %get3A_787] : memref<7x16x256xf32, #tpu.memory_space<vmem>>, vector<1x1x256xf32>
    %get3A_789 = vector.shape_cast %get3A_788 : vector<1x1x256xf32> to vector<1x256xf32>
    %reshape3A_790 = vector.shape_cast %get3A_789 : vector<1x256xf32> to vector<1x1x256xf32>
    %swap3A_791 = arith.constant 10 : index
    %swap3A_792 = arith.constant 8 : index
    %swap3A_793 = arith.constant 0 : index
    %swap3A_794 = vector.load %arg4[%swap3A_791, %swap3A_792, %swap3A_793] : memref<16x50x256xf32, #tpu.memory_space<vmem>>, vector<1x1x256xf32>
    tpu.vector_store %arg4[%swap3A_791, %swap3A_792, %swap3A_793], %reshape3A_790 {strides = array<i32>} : memref<16x50x256xf32, #tpu.memory_space<vmem>>, vector<1x1x256xf32>,
    %get3A_795 = arith.constant 2 : index
    %get3A_796 = arith.constant 10 : index
    %get3A_797 = arith.constant 0 : index
    %get3A_798 = vector.load %arg3[%get3A_795, %get3A_796, %get3A_797] : memref<7x16x256xf32, #tpu.memory_space<vmem>>, vector<1x1x256xf32>
    %get3A_799 = vector.shape_cast %get3A_798 : vector<1x1x256xf32> to vector<1x256xf32>
    %reshape3A_800 = vector.shape_cast %get3A_799 : vector<1x256xf32> to vector<1x1x256xf32>
    %swap3A_801 = arith.constant 10 : index
    %swap3A_802 = arith.constant 16 : index
    %swap3A_803 = arith.constant 0 : index
    %swap3A_804 = vector.load %arg4[%swap3A_801, %swap3A_802, %swap3A_803] : memref<16x50x256xf32, #tpu.memory_space<vmem>>, vector<1x1x256xf32>
    tpu.vector_store %arg4[%swap3A_801, %swap3A_802, %swap3A_803], %reshape3A_800 {strides = array<i32>} : memref<16x50x256xf32, #tpu.memory_space<vmem>>, vector<1x1x256xf32>,
    %get3A_805 = arith.constant 3 : index
    %get3A_806 = arith.constant 10 : index
    %get3A_807 = arith.constant 0 : index
    %get3A_808 = vector.load %arg3[%get3A_805, %get3A_806, %get3A_807] : memref<7x16x256xf32, #tpu.memory_space<vmem>>, vector<1x1x256xf32>
    %get3A_809 = vector.shape_cast %get3A_808 : vector<1x1x256xf32> to vector<1x256xf32>
    %reshape3A_810 = vector.shape_cast %get3A_809 : vector<1x256xf32> to vector<1x1x256xf32>
    %swap3A_811 = arith.constant 10 : index
    %swap3A_812 = arith.constant 24 : index
    %swap3A_813 = arith.constant 0 : index
    %swap3A_814 = vector.load %arg4[%swap3A_811, %swap3A_812, %swap3A_813] : memref<16x50x256xf32, #tpu.memory_space<vmem>>, vector<1x1x256xf32>
    tpu.vector_store %arg4[%swap3A_811, %swap3A_812, %swap3A_813], %reshape3A_810 {strides = array<i32>} : memref<16x50x256xf32, #tpu.memory_space<vmem>>, vector<1x1x256xf32>,
    %get3A_815 = arith.constant 4 : index
    %get3A_816 = arith.constant 10 : index
    %get3A_817 = arith.constant 0 : index
    %get3A_818 = vector.load %arg3[%get3A_815, %get3A_816, %get3A_817] : memref<7x16x256xf32, #tpu.memory_space<vmem>>, vector<1x1x256xf32>
    %get3A_819 = vector.shape_cast %get3A_818 : vector<1x1x256xf32> to vector<1x256xf32>
    %reshape3A_820 = vector.shape_cast %get3A_819 : vector<1x256xf32> to vector<1x1x256xf32>
    %swap3A_821 = arith.constant 10 : index
    %swap3A_822 = arith.constant 32 : index
    %swap3A_823 = arith.constant 0 : index
    %swap3A_824 = vector.load %arg4[%swap3A_821, %swap3A_822, %swap3A_823] : memref<16x50x256xf32, #tpu.memory_space<vmem>>, vector<1x1x256xf32>
    tpu.vector_store %arg4[%swap3A_821, %swap3A_822, %swap3A_823], %reshape3A_820 {strides = array<i32>} : memref<16x50x256xf32, #tpu.memory_space<vmem>>, vector<1x1x256xf32>,
    %get3A_825 = arith.constant 5 : index
    %get3A_826 = arith.constant 10 : index
    %get3A_827 = arith.constant 0 : index
    %get3A_828 = vector.load %arg3[%get3A_825, %get3A_826, %get3A_827] : memref<7x16x256xf32, #tpu.memory_space<vmem>>, vector<1x1x256xf32>
    %get3A_829 = vector.shape_cast %get3A_828 : vector<1x1x256xf32> to vector<1x256xf32>
    %reshape3A_830 = vector.shape_cast %get3A_829 : vector<1x256xf32> to vector<1x1x256xf32>
    %swap3A_831 = arith.constant 10 : index
    %swap3A_832 = arith.constant 40 : index
    %swap3A_833 = arith.constant 0 : index
    %swap3A_834 = vector.load %arg4[%swap3A_831, %swap3A_832, %swap3A_833] : memref<16x50x256xf32, #tpu.memory_space<vmem>>, vector<1x1x256xf32>
    tpu.vector_store %arg4[%swap3A_831, %swap3A_832, %swap3A_833], %reshape3A_830 {strides = array<i32>} : memref<16x50x256xf32, #tpu.memory_space<vmem>>, vector<1x1x256xf32>,
    %get3A_835 = arith.constant 6 : index
    %get3A_836 = arith.constant 10 : index
    %get3A_837 = arith.constant 0 : index
    %get3A_838 = vector.load %arg3[%get3A_835, %get3A_836, %get3A_837] : memref<7x16x256xf32, #tpu.memory_space<vmem>>, vector<1x1x256xf32>
    %get3A_839 = vector.shape_cast %get3A_838 : vector<1x1x256xf32> to vector<1x256xf32>
    %reshape3A_840 = vector.shape_cast %get3A_839 : vector<1x256xf32> to vector<1x1x256xf32>
    %swap3A_841 = arith.constant 10 : index
    %swap3A_842 = arith.constant 48 : index
    %swap3A_843 = arith.constant 0 : index
    %swap3A_844 = vector.load %arg4[%swap3A_841, %swap3A_842, %swap3A_843] : memref<16x50x256xf32, #tpu.memory_space<vmem>>, vector<1x1x256xf32>
    tpu.vector_store %arg4[%swap3A_841, %swap3A_842, %swap3A_843], %reshape3A_840 {strides = array<i32>} : memref<16x50x256xf32, #tpu.memory_space<vmem>>, vector<1x1x256xf32>,
    %get3A_845 = arith.constant 0 : index
    %get3A_846 = arith.constant 11 : index
    %get3A_847 = arith.constant 0 : index
    %get3A_848 = vector.load %arg3[%get3A_845, %get3A_846, %get3A_847] : memref<7x16x256xf32, #tpu.memory_space<vmem>>, vector<1x1x256xf32>
    %get3A_849 = vector.shape_cast %get3A_848 : vector<1x1x256xf32> to vector<1x256xf32>
    %reshape3A_850 = vector.shape_cast %get3A_849 : vector<1x256xf32> to vector<1x1x256xf32>
    %swap3A_851 = arith.constant 11 : index
    %swap3A_852 = arith.constant 0 : index
    %swap3A_853 = arith.constant 0 : index
    %swap3A_854 = vector.load %arg4[%swap3A_851, %swap3A_852, %swap3A_853] : memref<16x50x256xf32, #tpu.memory_space<vmem>>, vector<1x1x256xf32>
    tpu.vector_store %arg4[%swap3A_851, %swap3A_852, %swap3A_853], %reshape3A_850 {strides = array<i32>} : memref<16x50x256xf32, #tpu.memory_space<vmem>>, vector<1x1x256xf32>,
    %get3A_855 = arith.constant 1 : index
    %get3A_856 = arith.constant 11 : index
    %get3A_857 = arith.constant 0 : index
    %get3A_858 = vector.load %arg3[%get3A_855, %get3A_856, %get3A_857] : memref<7x16x256xf32, #tpu.memory_space<vmem>>, vector<1x1x256xf32>
    %get3A_859 = vector.shape_cast %get3A_858 : vector<1x1x256xf32> to vector<1x256xf32>
    %reshape3A_860 = vector.shape_cast %get3A_859 : vector<1x256xf32> to vector<1x1x256xf32>
    %swap3A_861 = arith.constant 11 : index
    %swap3A_862 = arith.constant 8 : index
    %swap3A_863 = arith.constant 0 : index
    %swap3A_864 = vector.load %arg4[%swap3A_861, %swap3A_862, %swap3A_863] : memref<16x50x256xf32, #tpu.memory_space<vmem>>, vector<1x1x256xf32>
    tpu.vector_store %arg4[%swap3A_861, %swap3A_862, %swap3A_863], %reshape3A_860 {strides = array<i32>} : memref<16x50x256xf32, #tpu.memory_space<vmem>>, vector<1x1x256xf32>,
    %get3A_865 = arith.constant 2 : index
    %get3A_866 = arith.constant 11 : index
    %get3A_867 = arith.constant 0 : index
    %get3A_868 = vector.load %arg3[%get3A_865, %get3A_866, %get3A_867] : memref<7x16x256xf32, #tpu.memory_space<vmem>>, vector<1x1x256xf32>
    %get3A_869 = vector.shape_cast %get3A_868 : vector<1x1x256xf32> to vector<1x256xf32>
    %reshape3A_870 = vector.shape_cast %get3A_869 : vector<1x256xf32> to vector<1x1x256xf32>
    %swap3A_871 = arith.constant 11 : index
    %swap3A_872 = arith.constant 16 : index
    %swap3A_873 = arith.constant 0 : index
    %swap3A_874 = vector.load %arg4[%swap3A_871, %swap3A_872, %swap3A_873] : memref<16x50x256xf32, #tpu.memory_space<vmem>>, vector<1x1x256xf32>
    tpu.vector_store %arg4[%swap3A_871, %swap3A_872, %swap3A_873], %reshape3A_870 {strides = array<i32>} : memref<16x50x256xf32, #tpu.memory_space<vmem>>, vector<1x1x256xf32>,
    %get3A_875 = arith.constant 3 : index
    %get3A_876 = arith.constant 11 : index
    %get3A_877 = arith.constant 0 : index
    %get3A_878 = vector.load %arg3[%get3A_875, %get3A_876, %get3A_877] : memref<7x16x256xf32, #tpu.memory_space<vmem>>, vector<1x1x256xf32>
    %get3A_879 = vector.shape_cast %get3A_878 : vector<1x1x256xf32> to vector<1x256xf32>
    %reshape3A_880 = vector.shape_cast %get3A_879 : vector<1x256xf32> to vector<1x1x256xf32>
    %swap3A_881 = arith.constant 11 : index
    %swap3A_882 = arith.constant 24 : index
    %swap3A_883 = arith.constant 0 : index
    %swap3A_884 = vector.load %arg4[%swap3A_881, %swap3A_882, %swap3A_883] : memref<16x50x256xf32, #tpu.memory_space<vmem>>, vector<1x1x256xf32>
    tpu.vector_store %arg4[%swap3A_881, %swap3A_882, %swap3A_883], %reshape3A_880 {strides = array<i32>} : memref<16x50x256xf32, #tpu.memory_space<vmem>>, vector<1x1x256xf32>,
    %get3A_885 = arith.constant 4 : index
    %get3A_886 = arith.constant 11 : index
    %get3A_887 = arith.constant 0 : index
    %get3A_888 = vector.load %arg3[%get3A_885, %get3A_886, %get3A_887] : memref<7x16x256xf32, #tpu.memory_space<vmem>>, vector<1x1x256xf32>
    %get3A_889 = vector.shape_cast %get3A_888 : vector<1x1x256xf32> to vector<1x256xf32>
    %reshape3A_890 = vector.shape_cast %get3A_889 : vector<1x256xf32> to vector<1x1x256xf32>
    %swap3A_891 = arith.constant 11 : index
    %swap3A_892 = arith.constant 32 : index
    %swap3A_893 = arith.constant 0 : index
    %swap3A_894 = vector.load %arg4[%swap3A_891, %swap3A_892, %swap3A_893] : memref<16x50x256xf32, #tpu.memory_space<vmem>>, vector<1x1x256xf32>
    tpu.vector_store %arg4[%swap3A_891, %swap3A_892, %swap3A_893], %reshape3A_890 {strides = array<i32>} : memref<16x50x256xf32, #tpu.memory_space<vmem>>, vector<1x1x256xf32>,
    %get3A_895 = arith.constant 5 : index
    %get3A_896 = arith.constant 11 : index
    %get3A_897 = arith.constant 0 : index
    %get3A_898 = vector.load %arg3[%get3A_895, %get3A_896, %get3A_897] : memref<7x16x256xf32, #tpu.memory_space<vmem>>, vector<1x1x256xf32>
    %get3A_899 = vector.shape_cast %get3A_898 : vector<1x1x256xf32> to vector<1x256xf32>
    %reshape3A_900 = vector.shape_cast %get3A_899 : vector<1x256xf32> to vector<1x1x256xf32>
    %swap3A_901 = arith.constant 11 : index
    %swap3A_902 = arith.constant 40 : index
    %swap3A_903 = arith.constant 0 : index
    %swap3A_904 = vector.load %arg4[%swap3A_901, %swap3A_902, %swap3A_903] : memref<16x50x256xf32, #tpu.memory_space<vmem>>, vector<1x1x256xf32>
    tpu.vector_store %arg4[%swap3A_901, %swap3A_902, %swap3A_903], %reshape3A_900 {strides = array<i32>} : memref<16x50x256xf32, #tpu.memory_space<vmem>>, vector<1x1x256xf32>,
    %get3A_905 = arith.constant 6 : index
    %get3A_906 = arith.constant 11 : index
    %get3A_907 = arith.constant 0 : index
    %get3A_908 = vector.load %arg3[%get3A_905, %get3A_906, %get3A_907] : memref<7x16x256xf32, #tpu.memory_space<vmem>>, vector<1x1x256xf32>
    %get3A_909 = vector.shape_cast %get3A_908 : vector<1x1x256xf32> to vector<1x256xf32>
    %reshape3A_910 = vector.shape_cast %get3A_909 : vector<1x256xf32> to vector<1x1x256xf32>
    %swap3A_911 = arith.constant 11 : index
    %swap3A_912 = arith.constant 48 : index
    %swap3A_913 = arith.constant 0 : index
    %swap3A_914 = vector.load %arg4[%swap3A_911, %swap3A_912, %swap3A_913] : memref<16x50x256xf32, #tpu.memory_space<vmem>>, vector<1x1x256xf32>
    tpu.vector_store %arg4[%swap3A_911, %swap3A_912, %swap3A_913], %reshape3A_910 {strides = array<i32>} : memref<16x50x256xf32, #tpu.memory_space<vmem>>, vector<1x1x256xf32>,
    %get3A_915 = arith.constant 0 : index
    %get3A_916 = arith.constant 12 : index
    %get3A_917 = arith.constant 0 : index
    %get3A_918 = vector.load %arg3[%get3A_915, %get3A_916, %get3A_917] : memref<7x16x256xf32, #tpu.memory_space<vmem>>, vector<1x1x256xf32>
    %get3A_919 = vector.shape_cast %get3A_918 : vector<1x1x256xf32> to vector<1x256xf32>
    %reshape3A_920 = vector.shape_cast %get3A_919 : vector<1x256xf32> to vector<1x1x256xf32>
    %swap3A_921 = arith.constant 12 : index
    %swap3A_922 = arith.constant 0 : index
    %swap3A_923 = arith.constant 0 : index
    %swap3A_924 = vector.load %arg4[%swap3A_921, %swap3A_922, %swap3A_923] : memref<16x50x256xf32, #tpu.memory_space<vmem>>, vector<1x1x256xf32>
    tpu.vector_store %arg4[%swap3A_921, %swap3A_922, %swap3A_923], %reshape3A_920 {strides = array<i32>} : memref<16x50x256xf32, #tpu.memory_space<vmem>>, vector<1x1x256xf32>,
    %get3A_925 = arith.constant 1 : index
    %get3A_926 = arith.constant 12 : index
    %get3A_927 = arith.constant 0 : index
    %get3A_928 = vector.load %arg3[%get3A_925, %get3A_926, %get3A_927] : memref<7x16x256xf32, #tpu.memory_space<vmem>>, vector<1x1x256xf32>
    %get3A_929 = vector.shape_cast %get3A_928 : vector<1x1x256xf32> to vector<1x256xf32>
    %reshape3A_930 = vector.shape_cast %get3A_929 : vector<1x256xf32> to vector<1x1x256xf32>
    %swap3A_931 = arith.constant 12 : index
    %swap3A_932 = arith.constant 8 : index
    %swap3A_933 = arith.constant 0 : index
    %swap3A_934 = vector.load %arg4[%swap3A_931, %swap3A_932, %swap3A_933] : memref<16x50x256xf32, #tpu.memory_space<vmem>>, vector<1x1x256xf32>
    tpu.vector_store %arg4[%swap3A_931, %swap3A_932, %swap3A_933], %reshape3A_930 {strides = array<i32>} : memref<16x50x256xf32, #tpu.memory_space<vmem>>, vector<1x1x256xf32>,
    %get3A_935 = arith.constant 2 : index
    %get3A_936 = arith.constant 12 : index
    %get3A_937 = arith.constant 0 : index
    %get3A_938 = vector.load %arg3[%get3A_935, %get3A_936, %get3A_937] : memref<7x16x256xf32, #tpu.memory_space<vmem>>, vector<1x1x256xf32>
    %get3A_939 = vector.shape_cast %get3A_938 : vector<1x1x256xf32> to vector<1x256xf32>
    %reshape3A_940 = vector.shape_cast %get3A_939 : vector<1x256xf32> to vector<1x1x256xf32>
    %swap3A_941 = arith.constant 12 : index
    %swap3A_942 = arith.constant 16 : index
    %swap3A_943 = arith.constant 0 : index
    %swap3A_944 = vector.load %arg4[%swap3A_941, %swap3A_942, %swap3A_943] : memref<16x50x256xf32, #tpu.memory_space<vmem>>, vector<1x1x256xf32>
    tpu.vector_store %arg4[%swap3A_941, %swap3A_942, %swap3A_943], %reshape3A_940 {strides = array<i32>} : memref<16x50x256xf32, #tpu.memory_space<vmem>>, vector<1x1x256xf32>,
    %get3A_945 = arith.constant 3 : index
    %get3A_946 = arith.constant 12 : index
    %get3A_947 = arith.constant 0 : index
    %get3A_948 = vector.load %arg3[%get3A_945, %get3A_946, %get3A_947] : memref<7x16x256xf32, #tpu.memory_space<vmem>>, vector<1x1x256xf32>
    %get3A_949 = vector.shape_cast %get3A_948 : vector<1x1x256xf32> to vector<1x256xf32>
    %reshape3A_950 = vector.shape_cast %get3A_949 : vector<1x256xf32> to vector<1x1x256xf32>
    %swap3A_951 = arith.constant 12 : index
    %swap3A_952 = arith.constant 24 : index
    %swap3A_953 = arith.constant 0 : index
    %swap3A_954 = vector.load %arg4[%swap3A_951, %swap3A_952, %swap3A_953] : memref<16x50x256xf32, #tpu.memory_space<vmem>>, vector<1x1x256xf32>
    tpu.vector_store %arg4[%swap3A_951, %swap3A_952, %swap3A_953], %reshape3A_950 {strides = array<i32>} : memref<16x50x256xf32, #tpu.memory_space<vmem>>, vector<1x1x256xf32>,
    %get3A_955 = arith.constant 4 : index
    %get3A_956 = arith.constant 12 : index
    %get3A_957 = arith.constant 0 : index
    %get3A_958 = vector.load %arg3[%get3A_955, %get3A_956, %get3A_957] : memref<7x16x256xf32, #tpu.memory_space<vmem>>, vector<1x1x256xf32>
    %get3A_959 = vector.shape_cast %get3A_958 : vector<1x1x256xf32> to vector<1x256xf32>
    %reshape3A_960 = vector.shape_cast %get3A_959 : vector<1x256xf32> to vector<1x1x256xf32>
    %swap3A_961 = arith.constant 12 : index
    %swap3A_962 = arith.constant 32 : index
    %swap3A_963 = arith.constant 0 : index
    %swap3A_964 = vector.load %arg4[%swap3A_961, %swap3A_962, %swap3A_963] : memref<16x50x256xf32, #tpu.memory_space<vmem>>, vector<1x1x256xf32>
    tpu.vector_store %arg4[%swap3A_961, %swap3A_962, %swap3A_963], %reshape3A_960 {strides = array<i32>} : memref<16x50x256xf32, #tpu.memory_space<vmem>>, vector<1x1x256xf32>,
    %get3A_965 = arith.constant 5 : index
    %get3A_966 = arith.constant 12 : index
    %get3A_967 = arith.constant 0 : index
    %get3A_968 = vector.load %arg3[%get3A_965, %get3A_966, %get3A_967] : memref<7x16x256xf32, #tpu.memory_space<vmem>>, vector<1x1x256xf32>
    %get3A_969 = vector.shape_cast %get3A_968 : vector<1x1x256xf32> to vector<1x256xf32>
    %reshape3A_970 = vector.shape_cast %get3A_969 : vector<1x256xf32> to vector<1x1x256xf32>
    %swap3A_971 = arith.constant 12 : index
    %swap3A_972 = arith.constant 40 : index
    %swap3A_973 = arith.constant 0 : index
    %swap3A_974 = vector.load %arg4[%swap3A_971, %swap3A_972, %swap3A_973] : memref<16x50x256xf32, #tpu.memory_space<vmem>>, vector<1x1x256xf32>
    tpu.vector_store %arg4[%swap3A_971, %swap3A_972, %swap3A_973], %reshape3A_970 {strides = array<i32>} : memref<16x50x256xf32, #tpu.memory_space<vmem>>, vector<1x1x256xf32>,
    %get3A_975 = arith.constant 6 : index
    %get3A_976 = arith.constant 12 : index
    %get3A_977 = arith.constant 0 : index
    %get3A_978 = vector.load %arg3[%get3A_975, %get3A_976, %get3A_977] : memref<7x16x256xf32, #tpu.memory_space<vmem>>, vector<1x1x256xf32>
    %get3A_979 = vector.shape_cast %get3A_978 : vector<1x1x256xf32> to vector<1x256xf32>
    %reshape3A_980 = vector.shape_cast %get3A_979 : vector<1x256xf32> to vector<1x1x256xf32>
    %swap3A_981 = arith.constant 12 : index
    %swap3A_982 = arith.constant 48 : index
    %swap3A_983 = arith.constant 0 : index
    %swap3A_984 = vector.load %arg4[%swap3A_981, %swap3A_982, %swap3A_983] : memref<16x50x256xf32, #tpu.memory_space<vmem>>, vector<1x1x256xf32>
    tpu.vector_store %arg4[%swap3A_981, %swap3A_982, %swap3A_983], %reshape3A_980 {strides = array<i32>} : memref<16x50x256xf32, #tpu.memory_space<vmem>>, vector<1x1x256xf32>,
    %get3A_985 = arith.constant 0 : index
    %get3A_986 = arith.constant 13 : index
    %get3A_987 = arith.constant 0 : index
    %get3A_988 = vector.load %arg3[%get3A_985, %get3A_986, %get3A_987] : memref<7x16x256xf32, #tpu.memory_space<vmem>>, vector<1x1x256xf32>
    %get3A_989 = vector.shape_cast %get3A_988 : vector<1x1x256xf32> to vector<1x256xf32>
    %reshape3A_990 = vector.shape_cast %get3A_989 : vector<1x256xf32> to vector<1x1x256xf32>
    %swap3A_991 = arith.constant 13 : index
    %swap3A_992 = arith.constant 0 : index
    %swap3A_993 = arith.constant 0 : index
    %swap3A_994 = vector.load %arg4[%swap3A_991, %swap3A_992, %swap3A_993] : memref<16x50x256xf32, #tpu.memory_space<vmem>>, vector<1x1x256xf32>
    tpu.vector_store %arg4[%swap3A_991, %swap3A_992, %swap3A_993], %reshape3A_990 {strides = array<i32>} : memref<16x50x256xf32, #tpu.memory_space<vmem>>, vector<1x1x256xf32>,
    %get3A_995 = arith.constant 1 : index
    %get3A_996 = arith.constant 13 : index
    %get3A_997 = arith.constant 0 : index
    %get3A_998 = vector.load %arg3[%get3A_995, %get3A_996, %get3A_997] : memref<7x16x256xf32, #tpu.memory_space<vmem>>, vector<1x1x256xf32>
    %get3A_999 = vector.shape_cast %get3A_998 : vector<1x1x256xf32> to vector<1x256xf32>
    %reshape3A_1000 = vector.shape_cast %get3A_999 : vector<1x256xf32> to vector<1x1x256xf32>
    %swap3A_1001 = arith.constant 13 : index
    %swap3A_1002 = arith.constant 8 : index
    %swap3A_1003 = arith.constant 0 : index
    %swap3A_1004 = vector.load %arg4[%swap3A_1001, %swap3A_1002, %swap3A_1003] : memref<16x50x256xf32, #tpu.memory_space<vmem>>, vector<1x1x256xf32>
    tpu.vector_store %arg4[%swap3A_1001, %swap3A_1002, %swap3A_1003], %reshape3A_1000 {strides = array<i32>} : memref<16x50x256xf32, #tpu.memory_space<vmem>>, vector<1x1x256xf32>,
    %get3A_1005 = arith.constant 2 : index
    %get3A_1006 = arith.constant 13 : index
    %get3A_1007 = arith.constant 0 : index
    %get3A_1008 = vector.load %arg3[%get3A_1005, %get3A_1006, %get3A_1007] : memref<7x16x256xf32, #tpu.memory_space<vmem>>, vector<1x1x256xf32>
    %get3A_1009 = vector.shape_cast %get3A_1008 : vector<1x1x256xf32> to vector<1x256xf32>
    %reshape3A_1010 = vector.shape_cast %get3A_1009 : vector<1x256xf32> to vector<1x1x256xf32>
    %swap3A_1011 = arith.constant 13 : index
    %swap3A_1012 = arith.constant 16 : index
    %swap3A_1013 = arith.constant 0 : index
    %swap3A_1014 = vector.load %arg4[%swap3A_1011, %swap3A_1012, %swap3A_1013] : memref<16x50x256xf32, #tpu.memory_space<vmem>>, vector<1x1x256xf32>
    tpu.vector_store %arg4[%swap3A_1011, %swap3A_1012, %swap3A_1013], %reshape3A_1010 {strides = array<i32>} : memref<16x50x256xf32, #tpu.memory_space<vmem>>, vector<1x1x256xf32>,
    %get3A_1015 = arith.constant 3 : index
    %get3A_1016 = arith.constant 13 : index
    %get3A_1017 = arith.constant 0 : index
    %get3A_1018 = vector.load %arg3[%get3A_1015, %get3A_1016, %get3A_1017] : memref<7x16x256xf32, #tpu.memory_space<vmem>>, vector<1x1x256xf32>
    %get3A_1019 = vector.shape_cast %get3A_1018 : vector<1x1x256xf32> to vector<1x256xf32>
    %reshape3A_1020 = vector.shape_cast %get3A_1019 : vector<1x256xf32> to vector<1x1x256xf32>
    %swap3A_1021 = arith.constant 13 : index
    %swap3A_1022 = arith.constant 24 : index
    %swap3A_1023 = arith.constant 0 : index
    %swap3A_1024 = vector.load %arg4[%swap3A_1021, %swap3A_1022, %swap3A_1023] : memref<16x50x256xf32, #tpu.memory_space<vmem>>, vector<1x1x256xf32>
    tpu.vector_store %arg4[%swap3A_1021, %swap3A_1022, %swap3A_1023], %reshape3A_1020 {strides = array<i32>} : memref<16x50x256xf32, #tpu.memory_space<vmem>>, vector<1x1x256xf32>,
    %get3A_1025 = arith.constant 4 : index
    %get3A_1026 = arith.constant 13 : index
    %get3A_1027 = arith.constant 0 : index
    %get3A_1028 = vector.load %arg3[%get3A_1025, %get3A_1026, %get3A_1027] : memref<7x16x256xf32, #tpu.memory_space<vmem>>, vector<1x1x256xf32>
    %get3A_1029 = vector.shape_cast %get3A_1028 : vector<1x1x256xf32> to vector<1x256xf32>
    %reshape3A_1030 = vector.shape_cast %get3A_1029 : vector<1x256xf32> to vector<1x1x256xf32>
    %swap3A_1031 = arith.constant 13 : index
    %swap3A_1032 = arith.constant 32 : index
    %swap3A_1033 = arith.constant 0 : index
    %swap3A_1034 = vector.load %arg4[%swap3A_1031, %swap3A_1032, %swap3A_1033] : memref<16x50x256xf32, #tpu.memory_space<vmem>>, vector<1x1x256xf32>
    tpu.vector_store %arg4[%swap3A_1031, %swap3A_1032, %swap3A_1033], %reshape3A_1030 {strides = array<i32>} : memref<16x50x256xf32, #tpu.memory_space<vmem>>, vector<1x1x256xf32>,
    %get3A_1035 = arith.constant 5 : index
    %get3A_1036 = arith.constant 13 : index
    %get3A_1037 = arith.constant 0 : index
    %get3A_1038 = vector.load %arg3[%get3A_1035, %get3A_1036, %get3A_1037] : memref<7x16x256xf32, #tpu.memory_space<vmem>>, vector<1x1x256xf32>
    %get3A_1039 = vector.shape_cast %get3A_1038 : vector<1x1x256xf32> to vector<1x256xf32>
    %reshape3A_1040 = vector.shape_cast %get3A_1039 : vector<1x256xf32> to vector<1x1x256xf32>
    %swap3A_1041 = arith.constant 13 : index
    %swap3A_1042 = arith.constant 40 : index
    %swap3A_1043 = arith.constant 0 : index
    %swap3A_1044 = vector.load %arg4[%swap3A_1041, %swap3A_1042, %swap3A_1043] : memref<16x50x256xf32, #tpu.memory_space<vmem>>, vector<1x1x256xf32>
    tpu.vector_store %arg4[%swap3A_1041, %swap3A_1042, %swap3A_1043], %reshape3A_1040 {strides = array<i32>} : memref<16x50x256xf32, #tpu.memory_space<vmem>>, vector<1x1x256xf32>,
    %get3A_1045 = arith.constant 6 : index
    %get3A_1046 = arith.constant 13 : index
    %get3A_1047 = arith.constant 0 : index
    %get3A_1048 = vector.load %arg3[%get3A_1045, %get3A_1046, %get3A_1047] : memref<7x16x256xf32, #tpu.memory_space<vmem>>, vector<1x1x256xf32>
    %get3A_1049 = vector.shape_cast %get3A_1048 : vector<1x1x256xf32> to vector<1x256xf32>
    %reshape3A_1050 = vector.shape_cast %get3A_1049 : vector<1x256xf32> to vector<1x1x256xf32>
    %swap3A_1051 = arith.constant 13 : index
    %swap3A_1052 = arith.constant 48 : index
    %swap3A_1053 = arith.constant 0 : index
    %swap3A_1054 = vector.load %arg4[%swap3A_1051, %swap3A_1052, %swap3A_1053] : memref<16x50x256xf32, #tpu.memory_space<vmem>>, vector<1x1x256xf32>
    tpu.vector_store %arg4[%swap3A_1051, %swap3A_1052, %swap3A_1053], %reshape3A_1050 {strides = array<i32>} : memref<16x50x256xf32, #tpu.memory_space<vmem>>, vector<1x1x256xf32>,
    %get3A_1055 = arith.constant 0 : index
    %get3A_1056 = arith.constant 14 : index
    %get3A_1057 = arith.constant 0 : index
    %get3A_1058 = vector.load %arg3[%get3A_1055, %get3A_1056, %get3A_1057] : memref<7x16x256xf32, #tpu.memory_space<vmem>>, vector<1x1x256xf32>
    %get3A_1059 = vector.shape_cast %get3A_1058 : vector<1x1x256xf32> to vector<1x256xf32>
    %reshape3A_1060 = vector.shape_cast %get3A_1059 : vector<1x256xf32> to vector<1x1x256xf32>
    %swap3A_1061 = arith.constant 14 : index
    %swap3A_1062 = arith.constant 0 : index
    %swap3A_1063 = arith.constant 0 : index
    %swap3A_1064 = vector.load %arg4[%swap3A_1061, %swap3A_1062, %swap3A_1063] : memref<16x50x256xf32, #tpu.memory_space<vmem>>, vector<1x1x256xf32>
    tpu.vector_store %arg4[%swap3A_1061, %swap3A_1062, %swap3A_1063], %reshape3A_1060 {strides = array<i32>} : memref<16x50x256xf32, #tpu.memory_space<vmem>>, vector<1x1x256xf32>,
    %get3A_1065 = arith.constant 1 : index
    %get3A_1066 = arith.constant 14 : index
    %get3A_1067 = arith.constant 0 : index
    %get3A_1068 = vector.load %arg3[%get3A_1065, %get3A_1066, %get3A_1067] : memref<7x16x256xf32, #tpu.memory_space<vmem>>, vector<1x1x256xf32>
    %get3A_1069 = vector.shape_cast %get3A_1068 : vector<1x1x256xf32> to vector<1x256xf32>
    %reshape3A_1070 = vector.shape_cast %get3A_1069 : vector<1x256xf32> to vector<1x1x256xf32>
    %swap3A_1071 = arith.constant 14 : index
    %swap3A_1072 = arith.constant 8 : index
    %swap3A_1073 = arith.constant 0 : index
    %swap3A_1074 = vector.load %arg4[%swap3A_1071, %swap3A_1072, %swap3A_1073] : memref<16x50x256xf32, #tpu.memory_space<vmem>>, vector<1x1x256xf32>
    tpu.vector_store %arg4[%swap3A_1071, %swap3A_1072, %swap3A_1073], %reshape3A_1070 {strides = array<i32>} : memref<16x50x256xf32, #tpu.memory_space<vmem>>, vector<1x1x256xf32>,
    %get3A_1075 = arith.constant 2 : index
    %get3A_1076 = arith.constant 14 : index
    %get3A_1077 = arith.constant 0 : index
    %get3A_1078 = vector.load %arg3[%get3A_1075, %get3A_1076, %get3A_1077] : memref<7x16x256xf32, #tpu.memory_space<vmem>>, vector<1x1x256xf32>
    %get3A_1079 = vector.shape_cast %get3A_1078 : vector<1x1x256xf32> to vector<1x256xf32>
    %reshape3A_1080 = vector.shape_cast %get3A_1079 : vector<1x256xf32> to vector<1x1x256xf32>
    %swap3A_1081 = arith.constant 14 : index
    %swap3A_1082 = arith.constant 16 : index
    %swap3A_1083 = arith.constant 0 : index
    %swap3A_1084 = vector.load %arg4[%swap3A_1081, %swap3A_1082, %swap3A_1083] : memref<16x50x256xf32, #tpu.memory_space<vmem>>, vector<1x1x256xf32>
    tpu.vector_store %arg4[%swap3A_1081, %swap3A_1082, %swap3A_1083], %reshape3A_1080 {strides = array<i32>} : memref<16x50x256xf32, #tpu.memory_space<vmem>>, vector<1x1x256xf32>,
    %get3A_1085 = arith.constant 3 : index
    %get3A_1086 = arith.constant 14 : index
    %get3A_1087 = arith.constant 0 : index
    %get3A_1088 = vector.load %arg3[%get3A_1085, %get3A_1086, %get3A_1087] : memref<7x16x256xf32, #tpu.memory_space<vmem>>, vector<1x1x256xf32>
    %get3A_1089 = vector.shape_cast %get3A_1088 : vector<1x1x256xf32> to vector<1x256xf32>
    %reshape3A_1090 = vector.shape_cast %get3A_1089 : vector<1x256xf32> to vector<1x1x256xf32>
    %swap3A_1091 = arith.constant 14 : index
    %swap3A_1092 = arith.constant 24 : index
    %swap3A_1093 = arith.constant 0 : index
    %swap3A_1094 = vector.load %arg4[%swap3A_1091, %swap3A_1092, %swap3A_1093] : memref<16x50x256xf32, #tpu.memory_space<vmem>>, vector<1x1x256xf32>
    tpu.vector_store %arg4[%swap3A_1091, %swap3A_1092, %swap3A_1093], %reshape3A_1090 {strides = array<i32>} : memref<16x50x256xf32, #tpu.memory_space<vmem>>, vector<1x1x256xf32>,
    %get3A_1095 = arith.constant 4 : index
    %get3A_1096 = arith.constant 14 : index
    %get3A_1097 = arith.constant 0 : index
    %get3A_1098 = vector.load %arg3[%get3A_1095, %get3A_1096, %get3A_1097] : memref<7x16x256xf32, #tpu.memory_space<vmem>>, vector<1x1x256xf32>
    %get3A_1099 = vector.shape_cast %get3A_1098 : vector<1x1x256xf32> to vector<1x256xf32>
    %reshape3A_1100 = vector.shape_cast %get3A_1099 : vector<1x256xf32> to vector<1x1x256xf32>
    %swap3A_1101 = arith.constant 14 : index
    %swap3A_1102 = arith.constant 32 : index
    %swap3A_1103 = arith.constant 0 : index
    %swap3A_1104 = vector.load %arg4[%swap3A_1101, %swap3A_1102, %swap3A_1103] : memref<16x50x256xf32, #tpu.memory_space<vmem>>, vector<1x1x256xf32>
    tpu.vector_store %arg4[%swap3A_1101, %swap3A_1102, %swap3A_1103], %reshape3A_1100 {strides = array<i32>} : memref<16x50x256xf32, #tpu.memory_space<vmem>>, vector<1x1x256xf32>,
    %get3A_1105 = arith.constant 5 : index
    %get3A_1106 = arith.constant 14 : index
    %get3A_1107 = arith.constant 0 : index
    %get3A_1108 = vector.load %arg3[%get3A_1105, %get3A_1106, %get3A_1107] : memref<7x16x256xf32, #tpu.memory_space<vmem>>, vector<1x1x256xf32>
    %get3A_1109 = vector.shape_cast %get3A_1108 : vector<1x1x256xf32> to vector<1x256xf32>
    %reshape3A_1110 = vector.shape_cast %get3A_1109 : vector<1x256xf32> to vector<1x1x256xf32>
    %swap3A_1111 = arith.constant 14 : index
    %swap3A_1112 = arith.constant 40 : index
    %swap3A_1113 = arith.constant 0 : index
    %swap3A_1114 = vector.load %arg4[%swap3A_1111, %swap3A_1112, %swap3A_1113] : memref<16x50x256xf32, #tpu.memory_space<vmem>>, vector<1x1x256xf32>
    tpu.vector_store %arg4[%swap3A_1111, %swap3A_1112, %swap3A_1113], %reshape3A_1110 {strides = array<i32>} : memref<16x50x256xf32, #tpu.memory_space<vmem>>, vector<1x1x256xf32>,
    %get3A_1115 = arith.constant 6 : index
    %get3A_1116 = arith.constant 14 : index
    %get3A_1117 = arith.constant 0 : index
    %get3A_1118 = vector.load %arg3[%get3A_1115, %get3A_1116, %get3A_1117] : memref<7x16x256xf32, #tpu.memory_space<vmem>>, vector<1x1x256xf32>
    %get3A_1119 = vector.shape_cast %get3A_1118 : vector<1x1x256xf32> to vector<1x256xf32>
    %reshape3A_1120 = vector.shape_cast %get3A_1119 : vector<1x256xf32> to vector<1x1x256xf32>
    %swap3A_1121 = arith.constant 14 : index
    %swap3A_1122 = arith.constant 48 : index
    %swap3A_1123 = arith.constant 0 : index
    %swap3A_1124 = vector.load %arg4[%swap3A_1121, %swap3A_1122, %swap3A_1123] : memref<16x50x256xf32, #tpu.memory_space<vmem>>, vector<1x1x256xf32>
    tpu.vector_store %arg4[%swap3A_1121, %swap3A_1122, %swap3A_1123], %reshape3A_1120 {strides = array<i32>} : memref<16x50x256xf32, #tpu.memory_space<vmem>>, vector<1x1x256xf32>,
    %get3A_1125 = arith.constant 0 : index
    %get3A_1126 = arith.constant 15 : index
    %get3A_1127 = arith.constant 0 : index
    %get3A_1128 = vector.load %arg3[%get3A_1125, %get3A_1126, %get3A_1127] : memref<7x16x256xf32, #tpu.memory_space<vmem>>, vector<1x1x256xf32>
    %get3A_1129 = vector.shape_cast %get3A_1128 : vector<1x1x256xf32> to vector<1x256xf32>
    %reshape3A_1130 = vector.shape_cast %get3A_1129 : vector<1x256xf32> to vector<1x1x256xf32>
    %swap3A_1131 = arith.constant 15 : index
    %swap3A_1132 = arith.constant 0 : index
    %swap3A_1133 = arith.constant 0 : index
    %swap3A_1134 = vector.load %arg4[%swap3A_1131, %swap3A_1132, %swap3A_1133] : memref<16x50x256xf32, #tpu.memory_space<vmem>>, vector<1x1x256xf32>
    tpu.vector_store %arg4[%swap3A_1131, %swap3A_1132, %swap3A_1133], %reshape3A_1130 {strides = array<i32>} : memref<16x50x256xf32, #tpu.memory_space<vmem>>, vector<1x1x256xf32>,
    %get3A_1135 = arith.constant 1 : index
    %get3A_1136 = arith.constant 15 : index
    %get3A_1137 = arith.constant 0 : index
    %get3A_1138 = vector.load %arg3[%get3A_1135, %get3A_1136, %get3A_1137] : memref<7x16x256xf32, #tpu.memory_space<vmem>>, vector<1x1x256xf32>
    %get3A_1139 = vector.shape_cast %get3A_1138 : vector<1x1x256xf32> to vector<1x256xf32>
    %reshape3A_1140 = vector.shape_cast %get3A_1139 : vector<1x256xf32> to vector<1x1x256xf32>
    %swap3A_1141 = arith.constant 15 : index
    %swap3A_1142 = arith.constant 8 : index
    %swap3A_1143 = arith.constant 0 : index
    %swap3A_1144 = vector.load %arg4[%swap3A_1141, %swap3A_1142, %swap3A_1143] : memref<16x50x256xf32, #tpu.memory_space<vmem>>, vector<1x1x256xf32>
    tpu.vector_store %arg4[%swap3A_1141, %swap3A_1142, %swap3A_1143], %reshape3A_1140 {strides = array<i32>} : memref<16x50x256xf32, #tpu.memory_space<vmem>>, vector<1x1x256xf32>,
    %get3A_1145 = arith.constant 2 : index
    %get3A_1146 = arith.constant 15 : index
    %get3A_1147 = arith.constant 0 : index
    %get3A_1148 = vector.load %arg3[%get3A_1145, %get3A_1146, %get3A_1147] : memref<7x16x256xf32, #tpu.memory_space<vmem>>, vector<1x1x256xf32>
    %get3A_1149 = vector.shape_cast %get3A_1148 : vector<1x1x256xf32> to vector<1x256xf32>
    %reshape3A_1150 = vector.shape_cast %get3A_1149 : vector<1x256xf32> to vector<1x1x256xf32>
    %swap3A_1151 = arith.constant 15 : index
    %swap3A_1152 = arith.constant 16 : index
    %swap3A_1153 = arith.constant 0 : index
    %swap3A_1154 = vector.load %arg4[%swap3A_1151, %swap3A_1152, %swap3A_1153] : memref<16x50x256xf32, #tpu.memory_space<vmem>>, vector<1x1x256xf32>
    tpu.vector_store %arg4[%swap3A_1151, %swap3A_1152, %swap3A_1153], %reshape3A_1150 {strides = array<i32>} : memref<16x50x256xf32, #tpu.memory_space<vmem>>, vector<1x1x256xf32>,
    %get3A_1155 = arith.constant 3 : index
    %get3A_1156 = arith.constant 15 : index
    %get3A_1157 = arith.constant 0 : index
    %get3A_1158 = vector.load %arg3[%get3A_1155, %get3A_1156, %get3A_1157] : memref<7x16x256xf32, #tpu.memory_space<vmem>>, vector<1x1x256xf32>
    %get3A_1159 = vector.shape_cast %get3A_1158 : vector<1x1x256xf32> to vector<1x256xf32>
    %reshape3A_1160 = vector.shape_cast %get3A_1159 : vector<1x256xf32> to vector<1x1x256xf32>
    %swap3A_1161 = arith.constant 15 : index
    %swap3A_1162 = arith.constant 24 : index
    %swap3A_1163 = arith.constant 0 : index
    %swap3A_1164 = vector.load %arg4[%swap3A_1161, %swap3A_1162, %swap3A_1163] : memref<16x50x256xf32, #tpu.memory_space<vmem>>, vector<1x1x256xf32>
    tpu.vector_store %arg4[%swap3A_1161, %swap3A_1162, %swap3A_1163], %reshape3A_1160 {strides = array<i32>} : memref<16x50x256xf32, #tpu.memory_space<vmem>>, vector<1x1x256xf32>,
    %get3A_1165 = arith.constant 4 : index
    %get3A_1166 = arith.constant 15 : index
    %get3A_1167 = arith.constant 0 : index
    %get3A_1168 = vector.load %arg3[%get3A_1165, %get3A_1166, %get3A_1167] : memref<7x16x256xf32, #tpu.memory_space<vmem>>, vector<1x1x256xf32>
    %get3A_1169 = vector.shape_cast %get3A_1168 : vector<1x1x256xf32> to vector<1x256xf32>
    %reshape3A_1170 = vector.shape_cast %get3A_1169 : vector<1x256xf32> to vector<1x1x256xf32>
    %swap3A_1171 = arith.constant 15 : index
    %swap3A_1172 = arith.constant 32 : index
    %swap3A_1173 = arith.constant 0 : index
    %swap3A_1174 = vector.load %arg4[%swap3A_1171, %swap3A_1172, %swap3A_1173] : memref<16x50x256xf32, #tpu.memory_space<vmem>>, vector<1x1x256xf32>
    tpu.vector_store %arg4[%swap3A_1171, %swap3A_1172, %swap3A_1173], %reshape3A_1170 {strides = array<i32>} : memref<16x50x256xf32, #tpu.memory_space<vmem>>, vector<1x1x256xf32>,
    %get3A_1175 = arith.constant 5 : index
    %get3A_1176 = arith.constant 15 : index
    %get3A_1177 = arith.constant 0 : index
    %get3A_1178 = vector.load %arg3[%get3A_1175, %get3A_1176, %get3A_1177] : memref<7x16x256xf32, #tpu.memory_space<vmem>>, vector<1x1x256xf32>
    %get3A_1179 = vector.shape_cast %get3A_1178 : vector<1x1x256xf32> to vector<1x256xf32>
    %reshape3A_1180 = vector.shape_cast %get3A_1179 : vector<1x256xf32> to vector<1x1x256xf32>
    %swap3A_1181 = arith.constant 15 : index
    %swap3A_1182 = arith.constant 40 : index
    %swap3A_1183 = arith.constant 0 : index
    %swap3A_1184 = vector.load %arg4[%swap3A_1181, %swap3A_1182, %swap3A_1183] : memref<16x50x256xf32, #tpu.memory_space<vmem>>, vector<1x1x256xf32>
    tpu.vector_store %arg4[%swap3A_1181, %swap3A_1182, %swap3A_1183], %reshape3A_1180 {strides = array<i32>} : memref<16x50x256xf32, #tpu.memory_space<vmem>>, vector<1x1x256xf32>,
    %get3A_1185 = arith.constant 6 : index
    %get3A_1186 = arith.constant 15 : index
    %get3A_1187 = arith.constant 0 : index
    %get3A_1188 = vector.load %arg3[%get3A_1185, %get3A_1186, %get3A_1187] : memref<7x16x256xf32, #tpu.memory_space<vmem>>, vector<1x1x256xf32>
    %get3A_1189 = vector.shape_cast %get3A_1188 : vector<1x1x256xf32> to vector<1x256xf32>
    %reshape3A_1190 = vector.shape_cast %get3A_1189 : vector<1x256xf32> to vector<1x1x256xf32>
    %swap3A_1191 = arith.constant 15 : index
    %swap3A_1192 = arith.constant 48 : index
    %swap3A_1193 = arith.constant 0 : index
    %swap3A_1194 = vector.load %arg4[%swap3A_1191, %swap3A_1192, %swap3A_1193] : memref<16x50x256xf32, #tpu.memory_space<vmem>>, vector<1x1x256xf32>
    tpu.vector_store %arg4[%swap3A_1191, %swap3A_1192, %swap3A_1193], %reshape3A_1190 {strides = array<i32>} : memref<16x50x256xf32, #tpu.memory_space<vmem>>, vector<1x1x256xf32>,
    return
  }
  func.func @transform_0(%arg0: i32) -> (i32, i32) {
    %c0_i32 = arith.constant 0 : i32
    %c0_i32_0 = arith.constant 0 : i32
    return %arg0, %c0_i32 : i32, i32
  }
  func.func @transform_1(%arg0: i32) -> (i32, i32) {
    %c0_i32 = arith.constant 0 : i32
    %c0_i32_0 = arith.constant 0 : i32
    %c0_i32_1 = arith.constant 0 : i32
    return %c0_i32, %c0_i32_0 : i32, i32
  }
  func.func @transform_2(%arg0: i32) -> (i32, i32, i32) {
    %c0_i32 = arith.constant 0 : i32
    %c0_i32_0 = arith.constant 0 : i32
    %c0_i32_1 = arith.constant 0 : i32
    return %c0_i32, %arg0, %c0_i32_0 : i32, i32, i32
  }
  func.func @transform_3(%arg0: i32) -> (i32, i32, i32) {
    %c0_i32 = arith.constant 0 : i32
    %c0_i32_0 = arith.constant 0 : i32
    %c0_i32_1 = arith.constant 0 : i32
    return %arg0, %c0_i32, %c0_i32_0 : i32, i32, i32
  }
}

</mosaic_0001>

<sc_bundles>
// kernel: kernel.4.cloned.1.call-start
scs
__scs_entry_jumppad:
0x0: {  	(pc) =	sbr.rel $0x88, $3  }
0x1: {  	(tag) =	ssettag $0x0;
	lr =	simm.s32 $0x1  }
0x2: {  	[smem:$0x3F9F] =	sst lr;
	_ =	strace $0xD0000000  }
0x3: {  	_ = 	snop  }
0x4: {  	_ = 	snop  }
0x5: {  	_ = 	snop  }
0x6: {  	_ = 	snop  }
0x7: {  	_ = 	snop  }
__scs_overlays_trampoline_lowered:
0x8: {  	[smem:$0x3FAE] =	sst s0  }
0x9: {  	[smem:$0x3FAF] =	sst s1  }
0xa: {  	[smem:$0x3FB0] =	sst s2  }
0xb: {  	[smem:$0x3FB1] =	sst s3  }
0xc: {  	[smem:$0x3FB2] =	sst s4  }
0xd: {  	[smem:$0x3FB3] =	sst s5  }
0xe: {  	[smem:$0x3FB4] =	sst s6  }
0xf: {  	[smem:$0x3FB5] =	sst s7  }
0x10: {  	[smem:$0x3FB6] =	sst s8  }
0x11: {  	[smem:$0x3FB7] =	sst s9;
	s0 =	simm.s32 @!p0 $0x0  }
0x12: {  	s1 =	sld [smem:$0x3F9D];
	s0 =	simm.s32 @p0 $0x1  }
0x13: {  	[smem:$0x3FB8] =	sst s0;
	s0 =	simm.s32 @!p1 $0x0  }
0x14: {  	s2 =	sld [smem:$0x3F9C];
	s0 =	simm.s32 @p1 $0x1  }
0x15: {  	[smem:$0x3FB9] =	sst s0;
	s0 =	simm.s32 @!p2 $0x0  }
0x16: {  	s3 =	sld [smem:$0x3FDB];
	s0 =	simm.s32 @p2 $0x1  }
0x17: {  	s4 =	simm.s32 $0x1BF5;
	[smem:$0x3FBB] =	sst s0  }
0x18: {  	s0 =	sld [smem:$0x3F9E];
	_ =	swait.ge [sflag:s4], $0x0  }
0x19: {  	s7 =	sld [smem:$0x3F9F]  }
0x1a: {  	s8 =	sadd.s32 $0xFFFFE003, lr  }
0x1b: {  	s9 =	sadd.s32 $0xFFFFFEF7, lr;
	s5 =	simm.s32 $0xFFFFFFFF;
	p2 =	slt.u32 s8, $0xFFFFF086  }
0x1c: {  	p1 =	slt.u32 s9, $0xF7A;
	s5 =	simm.s32 @!p2 $0x0  }
0x1d: {  	s5 =	simm.s32 @p1 $0x1;
	p0 =	seq.s32 s7, s2  }
0x1e: {  	s7 =	smul.u32 @!p0 $0xF7A, s2;
	p2 =	seq.s32 @!p0 s5, $0x0  }
0x1f: {  	s9 =	smul.u32 $0xF7A, s1;
	s8 =	simm.s32 @!p0 $0x1BF5;
	p2 =	por !p2, p0  }
0x20: {  	[sflag:s8] =	ssyncset.s32 @!p0 $0xFFFFF086;
	s6 =	sadd.s32 @!p0 s3, s7;
	s7 =	simm.s32 @!p0 $0x108  }
0x21: {  	s3 =	sadd.s32 s3, s9;
	s6 =	sadd.s32 @!p0 $0x88, s6;
	s7 =	simm.s32 @p2 $0x1082  }
0x22: {  	[simem:s7], [sflag:s8] =	dma.local @!p0 [hbm:s6], $0xF7A  }
0x23: {  	s9 =	sor.u32 $0xD0000000, s2;
	s6 =	simm.s32 $0x108;
	_ =	swait.ge @!p0 [sflag:s8], $0x0  }
0x24: {  	s3 =	sadd.s32 $0x88, s3;
	s6 =	simm.s32 @!p1 $0x1082;
	[sflag:s4] =	ssyncset.s32 $0xFFFFF086  }
0x25: {  	[simem:s6], [sflag:s4] =	dma.local [hbm:s3], $0xF7A  }
0x26: {  	[smem:$0x3F9F] =	sst s1;
	(tag) =	ssettag s2;
	_ =	strace s9  }
0x27: {  	s1 =	sld [smem:$0x3FAF]  }
0x28: {  	s2 =	sld [smem:$0x3FB0]  }
0x29: {  	s4 =	sld [smem:$0x3FB2]  }
0x2a: {  	p0 =	seq.s32 s5, $0x0;
	s5 =	sld [smem:$0x3FB3]  }
0x2b: {  	s6 =	sld [smem:$0x3FB4]  }
0x2c: {  	s7 =	sld [smem:$0x3FB5]  }
0x2d: {  	s3 =	simm.s32 $0x108;
	s8 =	sld [smem:$0x3FB6]  }
0x2e: {  	s3 =	simm.s32 @!p0 $0x1082;
	s9 =	sld [smem:$0x3FB7]  }
0x2f: {  	lr =	sadd.s32 s0, s3;
	s0 =	sld [smem:$0x3FAE]  }
0x30: {  	s3 =	sld [smem:$0x3FB1]  }
0x31: {  	[smem:$0x3FBA] =	sst s10  }
0x32: {  	s10 =	sld [smem:$0x3FB8];
	_ =	sdelay $0x3  }
0x33: {  	p0 =	seq.s32 s10, $0x1;
	s10 =	sld [smem:$0x3FBA];
	_ =	sdelay $0x3  }
0x34: {  	[smem:$0x3FBA] =	sst s10  }
0x35: {  	s10 =	sld [smem:$0x3FB9];
	_ =	sdelay $0x3  }
0x36: {  	p1 =	seq.s32 s10, $0x1;
	s10 =	sld [smem:$0x3FBA];
	_ =	sdelay $0x3  }
0x37: {  	[smem:$0x3FBA] =	sst s10  }
0x38: {  	s10 =	sld [smem:$0x3FBB]  }
0x39: {  	_ = 	snop;
	(pc) =	sbr.ind lr, $3  }
0x3a: {  	_ = 	snop  }
0x3b: {  	_ = 	snop  }
0x3c: {  	p2 =	seq.s32 s10, $0x1;
	s10 =	sld [smem:$0x3FBA]  }
0x3d: {  	_ =	shalt  }
0x3e: {  	_ =	shalt  }
0x3f: {  	_ =	shalt  }
0x40: {  	_ =	shalt  }
0x41: {  	_ =	shalt  }
0x42: {  	_ =	shalt  }
0x43: {  	_ =	shalt  }
0x44: {  	_ =	shalt  }
0x45: {  	_ =	shalt  }
0x46: {  	_ =	shalt  }
0x47: {  	_ =	shalt  }
0x48: {  	_ =	shalt  }
0x49: {  	_ =	shalt  }
0x4a: {  	_ =	shalt  }
0x4b: {  	_ =	shalt  }
0x4c: {  	_ =	shalt  }
0x4d: {  	_ =	shalt  }
0x4e: {  	_ =	shalt  }
0x4f: {  	_ =	shalt  }
0x50: {  	_ =	shalt  }
0x51: {  	_ =	shalt  }
0x52: {  	_ =	shalt  }
0x53: {  	_ =	shalt  }
0x54: {  	_ =	shalt  }
0x55: {  	_ =	shalt  }
0x56: {  	_ =	shalt  }
0x57: {  	_ =	shalt  }
0x58: {  	_ =	shalt  }
0x59: {  	_ =	shalt  }
0x5a: {  	_ =	shalt  }
0x5b: {  	_ =	shalt  }
0x5c: {  	_ =	shalt  }
0x5d: {  	_ =	shalt  }
0x5e: {  	_ =	shalt  }
0x5f: {  	_ =	shalt  }
0x60: {  	_ =	shalt  }
0x61: {  	_ =	shalt  }
0x62: {  	_ =	shalt  }
0x63: {  	_ =	shalt  }
0x64: {  	_ =	shalt  }
0x65: {  	_ =	shalt  }
0x66: {  	_ =	shalt  }
0x67: {  	_ =	shalt  }
0x68: {  	_ =	shalt  }
0x69: {  	_ =	shalt  }
0x6a: {  	_ =	shalt  }
0x6b: {  	_ =	shalt  }
0x6c: {  	_ =	shalt  }
0x6d: {  	_ =	shalt  }
0x6e: {  	_ =	shalt  }
0x6f: {  	_ =	shalt  }
0x70: {  	_ =	shalt  }
0x71: {  	_ =	shalt  }
0x72: {  	_ =	shalt  }
0x73: {  	_ =	shalt  }
0x74: {  	_ =	shalt  }
0x75: {  	_ =	shalt  }
0x76: {  	_ =	shalt  }
0x77: {  	_ =	shalt  }
0x78: {  	_ =	shalt  }
0x79: {  	_ =	shalt  }
0x7a: {  	_ =	shalt  }
0x7b: {  	_ =	shalt  }
0x7c: {  	_ =	shalt  }
0x7d: {  	_ =	shalt  }
0x7e: {  	_ =	shalt  }
0x7f: {  	_ =	shalt  }
0x80: {  	_ =	shalt  }
0x81: {  	_ =	shalt  }
0x82: {  	_ =	shalt  }
0x83: {  	_ =	shalt  }
0x84: {  	_ =	shalt  }
0x85: {  	_ =	shalt  }
0x86: {  	_ =	shalt  }
0x87: {  	_ =	shalt  }
.Lfunc_end0:
.L_simem_size_0:
called_computation_lowered:
.L_overlay_start_0:
0x88: {  	s2 =	sld [smem:$0x3FD9]  }
0x89: {  	s3 =	sld [smem:$0x3FFE];
	_ =	sdelay $0x1  }
0x8a: {  	s1 =	srdreg.scid  }
0x8b: {  	s0 =	sand.u32 $0x1, s1  }
0x8c: {  	s17 =	sshll.u32 s0, $0xA;
	s2 =	sadd.s32 s3, s2  }
0x8d: {  	s2 =	sadd.s32 s2, s17  }
0x8e: {  	[smem:$0x3FC6] =	sst s2  }
0x8f: {  	_ = 	snop  }
0x90: {  	s2 =	sld [smem:$0x3FC8]  }
0x91: {  	s18 =	sld [smem:$0x3FD0];
	(tm) =	ssettm $0x1  }
0x92: {  	s4 =	sld [smem:$0x3FFB];
	_ =	sdelay $0x3  }
0x93: {  	_ =	strace s4  }
0x94: {  	s4 =	sld [smem:$0x3FFC];
	_ =	sdelay $0x3  }
0x95: {  	_ =	strace s4  }
0x96: {  	s4 =	sld [smem:$0x3FFD];
	_ =	sdelay $0x3  }
0x97: {  	_ =	strace s4  }
0x98: {  	_ =	strace $0x8FFFFFFF  }
0x99: {  	s19 =	sld [smem:$0x3FDB];
	_ =	sdelay $0x1  }
0x9a: {  	s5 =	simm.s32 $_scs_section_size  }
0x9b: {  	s6 =	simm.s32 $_size__tile_overlayer_lowered;
	s7 =	simm.s32 $_tile_overlayer_lowered  }
0x9c: {  	s22 =	simm.s32 $0x1BFF;
	s21 =	sshll.u32 s7, $0x1;
	s4 =	sadd.s32 s5, s19  }
0x9d: {  	s8 =	simm.s32 $0x0;
	s20 =	sshll.u32 s6, $0x1;
	s6 =	sadd.s32 s21, s4  }
0x9e: {  	[timem:s8], [sflag:s22] =	dma.local [hbm:s6], s20  }
0x9f: {  	_ =	swait.ge [sflag:s22], s20  }
0xa0: {  	s5 =	ssub.s32 $0x0, s20;
	[sflag:s22] =	ssyncset.done $0x0  }
0xa1: {  	[sflag:s22] =	ssyncadd.s32 s5;
	_ =	sdelay $0x1  }
0xa2: {  	s23 =	simm.s32 $0x1B8B  }
0xa3: {  	_ =	swait.ge [sflag:s23], $0x1  }
0xa4: {  	[sflag:s23] =	ssyncset.done $0x0  }
0xa5: {  	s25 =	simm.s32 $0x1B8E;
	s24 =	sld [smem:$0x3FFE];
	[sflag:s23] =	ssyncadd.s32 $0xFFFFFFFF  }
0xa6: {  	s26 =	simm.s32 $execute0_lowered;
	[smem:$0x3FD2] =	sst s25  }
0xa7: {  	s6 =	sshll.u32 s26, $0x1;
	_ =	strace $0x80000046;
	[dreg:$0x1] =	wrdreg $0xFFFFFFFF  }
0xa8: {  	s28 =	simm.s32 $_size_execute0_lowered;
	s4 =	sadd.s32 s4, s6;
	[dreg:$0x0] =	wrdreg $0x0  }
0xa9: {  	s6 =	sshll.u32 s28, $0x1;
	[dreg:$0x2] =	wrdreg s4  }
0xaa: {  	[dreg:$0x3] =	wrdreg s6  }
0xab: {  	[dreg:$0x4] =	wrdreg $0xC0  }
0xac: {  	_ =	task [dreg:s8], $0x5FFFF  }
0xad: {  	[dreg:$0x1] =	wrdreg $0xFFFFFFFF  }
0xae: {  	[dreg:$0x0] =	wrdreg $0x60  }
0xaf: {  	[dreg:$0x2] =	wrdreg s24  }
0xb0: {  	[dreg:$0x3] =	wrdreg s2  }
0xb1: {  	[dreg:$0x4] =	wrdreg s18  }
0xb2: {  	[dreg:$0x5] =	wrdreg $0x9  }
0xb3: {  	_ =	task.clear_ibuf [dreg:s8], $0x6FFFF;
	_ =	strace $0x90000046  }
0xb4: {  	s29 =	simm.s32 $0x9;
	_ =	strace $0x80000048  }
0xb5: {  	_ =	swait.ge [sflag:s29], $0x1  }
0xb6: {  	[sflag:s29] =	ssyncadd.s32 $0xFFFFFFFF  }
0xb7: {  	_ =	strace $0x90000048  }
0xb8: {  	_ =	sfence  }
0xb9: {  	s30 =	sld [smem:$0x0];
	_ =	sdelay $0x2  }
0xba: {  	s31 =	sshll.u32 s1, $0xD;
	s1 =	sshrl.u32 s1, $0x2  }
0xbb: {  	s3 =	sand.u32 $0x4000, s31;
	s1 =	sadd.s32 s1, s30  }
0xbc: {  	s0 =	sor.u32 s3, s0;
	s1 =	sshll.u32 s1, $0x11  }
0xbd: {  	s0 =	sor.u32 s1, s0  }
0xbe: {  	s0 =	sadd.s32 $0x8F2B, s0  }
0xbf: {  	[sflag:s0] =	ssyncadd.remote.s32 $0x1  }
0xc0: {  	_ =	sfence.sel $0xFFFF  }
0xc1: {  	[dreg:$0x0] =	wrdreg $0xFFFFFFFF;
	(pc) =	sbr.abs _section_cstart, $3  }
0xc2: {  	[dreg:$0x1] =	wrdreg $0xFFFFFFFF  }
0xc3: {  	_ =	task.clear_ibuf [dreg:s8], $0x2FFFF;
	_ =	strace $0x9FFFFFFF  }
0xc4: {  	(tm) =	ssettm $0x7FFFFFFF  }
0xc5: {  	_ =	shalt  }
tec
execute0_lowered:
.L_overlay_start_1:
0x0: {  	(tag) =	ssettag $0x1  }
0x1: {  	v10 =	vlaneseq.u32  }
0x2: {  	v0 =	vmul.u32 $0x32, v10  }
0x3: {  	vm0 =	vmmov $0xffff;
	v9 =	vshrl.u32 v10, $0x3;
	v8 =	vand.u32 $0x7, v10  }
0x4: {  	v10 =	vor.u32 $0x8, v10;
	v9 =	vmul.u32 $0x8, v9;
	v1 =	vadd.s32 $0x320, v0  }
0x5: {  	s0 =	srdreg.scid;
	s1 =	rddreg [dreg:$0x0];
	v2 =	vadd.s32 $0x640, v0;
	v3 =	vadd.s32 $0x960, v0;
	v4 =	vadd.s32 $0xC80, v0  }
0x6: {  	s2 =	stileid.u32;
	s5 =	rddreg [dreg:$0x2];
	s19 =	simm.s32 $0x100;
	v5 =	vadd.s32 $0xFA0, v0;
	v6 =	vadd.s32 $0x12C0, v0;
	v7 =	vadd.s32 $0x15E0, v0  }
0x7: {  	s18 =	simm.s32 $0x8900;
	s28 =	simm.s32 $0x9900;
	s29 =	simm.s32 $0xA100;
	v11 =	vadd.s32 $0x8, v0;
	v12 =	vadd.s32 $0x328, v0;
	v13 =	vadd.s32 $0x648, v0  }
0x8: {  	s30 =	simm.s32 $0xA900;
	s31 =	simm.s32 $0xB100;
	s14 =	simm.s32 $0xE100;
	v14 =	vadd.s32 $0x968, v0;
	v15 =	vadd.s32 $0xC88, v0;
	v16 =	vadd.s32 $0xFA8, v0  }
0x9: {  	s15 =	simm.s32 $0xE900;
	s16 =	simm.s32 $0xF100;
	s17 =	simm.s32 $0xF900;
	v17 =	vadd.s32 $0x12C8, v0;
	v18 =	vadd.s32 $0x15E8, v0;
	v19 =	vadd.s32 $0x10, v0  }
0xa: {  	s0 =	sand.u32 $0x1, s0;
	s3 =	sshll.u32 s2, $0x1;
	s2 =	rddreg [dreg:$0x1];
	v20 =	vadd.s32 $0x330, v0;
	v21 =	vadd.s32 $0x650, v0;
	v22 =	vadd.s32 $0x970, v0  }
0xb: {  	s4 =	sor.u32 s0, s3;
	s3 =	simm.s32 $0x0;
	s0 =	ssub.s32 $0x2, s0;
	v23 =	vadd.s32 $0xC90, v0;
	v24 =	vadd.s32 $0xFB0, v0;
	v25 =	vadd.s32 $0x12D0, v0  }
0xc: {  	s6 =	smul.u32 $0x320, s4;
	[smem:$0x7FF] =	sst s3;
	s4 =	sshll.u32 s4, $0xC;
	v26 =	vadd.s32 $0x15F0, v0;
	v27 =	vadd.s32 $0x18, v0;
	v28 =	vadd.s32 $0x338, v0  }
0xd: {  	s24 =	sshrl.u32 s0, $0x1;
	v29 =	vadd.s32 $0x658, v0;
	v30 =	vadd.s32 $0x978, v0;
	v31 =	vadd.s32 $0xC98, v0;
	_ =	strace $0x80000047;
	s5 =	sadd.s32 s5, s4  }
0xe: {  	v32 =	vadd.s32 $0xFB8, v0;
	v33 =	vadd.s32 $0x12D8, v0;
	v34 =	vadd.s32 $0x15F8, v0;
	s0 =	ssub.s32 s0, s24;
	s20 =	sadd.s32 $0x20000, s5;
	[dreg:$0xb] =	wrdreg s5  }
0xf: {  	v35 =	vadd.s32 $0x20, v0;
	v36 =	vadd.s32 $0x340, v0;
	v37 =	vadd.s32 $0x660, v0;
	s24 =	simm.s32 $0x1;
	s21 =	sadd.s32 $0x40000, s5;
	[dreg:$0x5] =	wrdreg s20  }
0x10: {  	v38 =	vadd.s32 $0x980, v0;
	v39 =	vadd.s32 $0xCA0, v0;
	v40 =	vadd.s32 $0xFC0, v0;
	s1 =	sadd.s32 s6, s1;
	s22 =	sadd.s32 $0x60000, s5;
	[dreg:$0x6] =	wrdreg s21  }
0x11: {  	v41 =	vadd.s32 $0x12E0, v0;
	v42 =	vadd.s32 $0x1600, v0;
	v43 =	vadd.s32 $0x28, v0;
	s23 =	sadd.s32 $0x80000, s5;
	s25 =	sadd.s32 $0xA0000, s5;
	[dreg:$0x7] =	wrdreg s22  }
0x12: {  	v44 =	vadd.s32 $0x348, v0;
	v45 =	vadd.s32 $0x668, v0;
	v46 =	vadd.s32 $0x988, v0;
	s26 =	sadd.s32 $0xC0000, s5;
	s5 =	smax.u32 s0, $0x1;
	[dreg:$0x8] =	wrdreg s23  }
0x13: {  	v47 =	vadd.s32 $0xCA8, v0;
	v48 =	vadd.s32 $0xFC8, v0;
	v49 =	vadd.s32 $0x12E8, v0;
	s6 =	simm.s32 $0x10100;
	s0 =	simm.s32 $0x2;
	[dreg:$0x9] =	wrdreg s25  }
0x14: {  	v50 =	vadd.s32 $0x1608, v0;
	v51 =	vadd.s32 $0x30, v0;
	v52 =	vadd.s32 $0x350, v0;
	s1 =	sadd.s32 $0x600, s1;
	[dreg:$0xa] =	wrdreg s26;
	s26 =	simm.s32 $0x9100  }
0x15: {  	v53 =	vadd.s32 $0x670, v0;
	v54 =	vadd.s32 $0x990, v0;
	v55 =	vadd.s32 $0xCB0, v0;
	s21 =	simm.s32 $0xB900;
	s20 =	simm.s32 $0xC100;
	s22 =	simm.s32 $0xC900  }
0x16: {  	v56 =	vadd.s32 $0xFD0, v0;
	v57 =	vadd.s32 $0x12F0, v0;
	v58 =	vadd.s32 $0x1610, v0;
	s23 =	simm.s32 $0xD100;
	s25 =	simm.s32 $0xD900;
	[dreg:$0x4] =	wrdreg s1  }
.LBB2_1:
0x17: {  	s4 =	rddreg [dreg:$0x4];
	s7 =	simm.s32 $0x3  }
0x18: {  	[tilespmem:s6], [sflag:$0x3] =	stream.linear.gather [hbm4b:s4+s3], $0x1900, $0x38;
	[tilespmem:$0x11A00] =	vst v63  }
0x19: {  	_ =	swait.ge [sflag:s7], $0x1900  }
0x1a: {  	[sflag:s7] =	ssyncset.done $0x0  }
0x1b: {  	[sflag:s7] =	ssyncadd.s32 $0xFFFFE700  }
0x1c: {  	v59 =	vld.idx.msk [tilespmem:v0+s6+$0x0], $0xffff;
	_ =	sdelay $0x4  }
0x1d: {  	v59 =	vtrunc.f32 v59  }
0x1e: {  	v59 =	vcvt.f32.s32 v59;
	_ =	sdelay $0x1  }
0x1f: {  	[tilespmem:$0x0] =	vst v59  }
0x20: {  	v60 =	vld.idx.msk [tilespmem:v1+s6+$0x0], $0xffff;
	_ =	sdelay $0x4  }
0x21: {  	v60 =	vtrunc.f32 v60  }
0x22: {  	v60 =	vcvt.f32.s32 v60;
	_ =	sdelay $0x1  }
0x23: {  	[tilespmem:$0x10] =	vst v60  }
0x24: {  	v60 =	vld.idx.msk [tilespmem:v2+s6+$0x0], $0xffff;
	_ =	sdelay $0x4  }
0x25: {  	v60 =	vtrunc.f32 v60  }
0x26: {  	v60 =	vcvt.f32.s32 v60;
	_ =	sdelay $0x1  }
0x27: {  	[tilespmem:$0x20] =	vst v60  }
0x28: {  	v60 =	vld.idx.msk [tilespmem:v3+s6+$0x0], $0xffff;
	_ =	sdelay $0x4  }
0x29: {  	v60 =	vtrunc.f32 v60  }
0x2a: {  	v60 =	vcvt.f32.s32 v60;
	_ =	sdelay $0x1  }
0x2b: {  	[tilespmem:$0x30] =	vst v60  }
0x2c: {  	v60 =	vld.idx.msk [tilespmem:v4+s6+$0x0], $0xffff;
	_ =	sdelay $0x4  }
0x2d: {  	v60 =	vtrunc.f32 v60  }
0x2e: {  	v60 =	vcvt.f32.s32 v60;
	_ =	sdelay $0x1  }
0x2f: {  	[tilespmem:$0x40] =	vst v60  }
0x30: {  	v60 =	vld.idx.msk [tilespmem:v5+s6+$0x0], $0xffff;
	_ =	sdelay $0x4  }
0x31: {  	v60 =	vtrunc.f32 v60  }
0x32: {  	v60 =	vcvt.f32.s32 v60;
	_ =	sdelay $0x1  }
0x33: {  	[tilespmem:$0x50] =	vst v60  }
0x34: {  	v60 =	vld.idx.msk [tilespmem:v6+s6+$0x0], $0xffff;
	_ =	sdelay $0x4  }
0x35: {  	v60 =	vtrunc.f32 v60  }
0x36: {  	v60 =	vcvt.f32.s32 v60;
	_ =	sdelay $0x1  }
0x37: {  	[tilespmem:$0x60] =	vst v60;
	v60 =	vshll.u32 v59, $0x1  }
0x38: {  	v59 =	vand.u32 $0x7, v59;
	v61 =	vld.idx.msk [tilespmem:v7+s6+$0x0], $0xffff;
	v60 =	vand.u32 $0xFFFFFFF0, v60  }
0x39: {  	v59 =	vor.u32 v59, v60  }
0x3a: {  	v60 =	vperm.xlane v59, v8;
	_ =	sdelay $0x1  }
0x3b: {  	v59 =	vperm.xlane v59, v10;
	v60 =	vadd.s32 v9, v60  }
0x3c: {  	v61 =	vtrunc.f32 v61  }
0x3d: {  	v59 =	vadd.s32 v9, v59;
	v61 =	vcvt.f32.s32 v61;
	_ =	sdelay $0x1  }
0x3e: {  	[tilespmem:$0x70] =	vst v61  }
0x3f: {  	[tilespmem:s19], [sflag:$0x1] =	stream.indirect_vreg.gather [hbm4b:s2+s3], $0x80, v60, vm0, $0xb8;
	[tilespmem:$0x11A00] =	vst v63  }
0x40: {  	s1 =	simm.s32 $0x900  }
0x41: {  	[tilespmem:s1], [sflag:$0x1] =	stream.indirect_vreg.gather [hbm4b:s2+s3], $0x80, v59, vm0, $0xb8;
	[tilespmem:$0x11A00] =	vst v63  }
0x42: {  	v59 =	vld [tilespmem:$0x10];
	_ =	sdelay $0x4  }
0x43: {  	v60 =	vshll.u32 v59, $0x1  }
0x44: {  	v59 =	vand.u32 $0x7, v59;
	v60 =	vand.u32 $0xFFFFFFF0, v60  }
0x45: {  	v59 =	vor.u32 v59, v60  }
0x46: {  	v60 =	vperm.xlane v59, v8;
	_ =	sdelay $0x1  }
0x47: {  	v59 =	vperm.xlane v59, v10;
	v60 =	vadd.s32 v9, v60;
	_ =	sdelay $0x1  }
0x48: {  	v59 =	vadd.s32 v9, v59;
	_ =	sdelay $0x1  }
0x49: {  	s8 =	simm.s32 $0x1100  }
0x4a: {  	[tilespmem:s8], [sflag:$0x1] =	stream.indirect_vreg.gather [hbm4b:s2+s3], $0x80, v60, vm0, $0xb8;
	[tilespmem:$0x11A00] =	vst v63  }
0x4b: {  	s9 =	simm.s32 $0x1900  }
0x4c: {  	[tilespmem:s9], [sflag:$0x1] =	stream.indirect_vreg.gather [hbm4b:s2+s3], $0x80, v59, vm0, $0xb8;
	[tilespmem:$0x11A00] =	vst v63  }
0x4d: {  	v59 =	vld [tilespmem:$0x20];
	_ =	sdelay $0x4  }
0x4e: {  	v60 =	vshll.u32 v59, $0x1  }
0x4f: {  	v59 =	vand.u32 $0x7, v59;
	v60 =	vand.u32 $0xFFFFFFF0, v60  }
0x50: {  	v59 =	vor.u32 v59, v60  }
0x51: {  	v60 =	vperm.xlane v59, v8;
	_ =	sdelay $0x1  }
0x52: {  	v59 =	vperm.xlane v59, v10;
	v60 =	vadd.s32 v9, v60;
	_ =	sdelay $0x1  }
0x53: {  	v59 =	vadd.s32 v9, v59;
	_ =	sdelay $0x1  }
0x54: {  	s10 =	simm.s32 $0x2100  }
0x55: {  	[tilespmem:s10], [sflag:$0x1] =	stream.indirect_vreg.gather [hbm4b:s2+s3], $0x80, v60, vm0, $0xb8;
	[tilespmem:$0x11A00] =	vst v63  }
0x56: {  	s11 =	simm.s32 $0x2900  }
0x57: {  	[tilespmem:s11], [sflag:$0x1] =	stream.indirect_vreg.gather [hbm4b:s2+s3], $0x80, v59, vm0, $0xb8;
	[tilespmem:$0x11A00] =	vst v63  }
0x58: {  	v59 =	vld [tilespmem:$0x30];
	_ =	sdelay $0x4  }
0x59: {  	v60 =	vshll.u32 v59, $0x1  }
0x5a: {  	v59 =	vand.u32 $0x7, v59;
	v60 =	vand.u32 $0xFFFFFFF0, v60  }
0x5b: {  	v59 =	vor.u32 v59, v60  }
0x5c: {  	v60 =	vperm.xlane v59, v8;
	_ =	sdelay $0x1  }
0x5d: {  	v59 =	vperm.xlane v59, v10;
	v60 =	vadd.s32 v9, v60;
	_ =	sdelay $0x1  }
0x5e: {  	v59 =	vadd.s32 v9, v59;
	_ =	sdelay $0x1  }
0x5f: {  	s12 =	simm.s32 $0x3100  }
0x60: {  	[tilespmem:s12], [sflag:$0x1] =	stream.indirect_vreg.gather [hbm4b:s2+s3], $0x80, v60, vm0, $0xb8;
	[tilespmem:$0x11A00] =	vst v63  }
0x61: {  	s13 =	simm.s32 $0x3900  }
0x62: {  	[tilespmem:s13], [sflag:$0x1] =	stream.indirect_vreg.gather [hbm4b:s2+s3], $0x80, v59, vm0, $0xb8;
	[tilespmem:$0x11A00] =	vst v63  }
0x63: {  	v59 =	vld [tilespmem:$0x40];
	_ =	sdelay $0x4  }
0x64: {  	v60 =	vshll.u32 v59, $0x1  }
0x65: {  	v59 =	vand.u32 $0x7, v59;
	v60 =	vand.u32 $0xFFFFFFF0, v60  }
0x66: {  	v59 =	vor.u32 v59, v60  }
0x67: {  	v60 =	vperm.xlane v59, v8;
	_ =	sdelay $0x1  }
0x68: {  	v59 =	vperm.xlane v59, v10;
	v60 =	vadd.s32 v9, v60;
	_ =	sdelay $0x1  }
0x69: {  	v59 =	vadd.s32 v9, v59;
	_ =	sdelay $0x1  }
0x6a: {  	s4 =	simm.s32 $0x4100  }
0x6b: {  	[tilespmem:s4], [sflag:$0x1] =	stream.indirect_vreg.gather [hbm4b:s2+s3], $0x80, v60, vm0, $0xb8;
	[tilespmem:$0x11A00] =	vst v63  }
0x6c: {  	s11 =	simm.s32 $0x4900  }
0x6d: {  	[tilespmem:s11], [sflag:$0x1] =	stream.indirect_vreg.gather [hbm4b:s2+s3], $0x80, v59, vm0, $0xb8;
	[tilespmem:$0x11A00] =	vst v63  }
0x6e: {  	v59 =	vld [tilespmem:$0x50];
	_ =	sdelay $0x4  }
0x6f: {  	v60 =	vshll.u32 v59, $0x1  }
0x70: {  	v59 =	vand.u32 $0x7, v59;
	v60 =	vand.u32 $0xFFFFFFF0, v60  }
0x71: {  	v59 =	vor.u32 v59, v60  }
0x72: {  	v60 =	vperm.xlane v59, v8;
	_ =	sdelay $0x1  }
0x73: {  	v59 =	vperm.xlane v59, v10;
	v60 =	vadd.s32 v9, v60;
	_ =	sdelay $0x1  }
0x74: {  	v59 =	vadd.s32 v9, v59;
	_ =	sdelay $0x1  }
0x75: {  	s12 =	simm.s32 $0x5100  }
0x76: {  	[tilespmem:s12], [sflag:$0x1] =	stream.indirect_vreg.gather [hbm4b:s2+s3], $0x80, v60, vm0, $0xb8;
	[tilespmem:$0x11A00] =	vst v63  }
0x77: {  	s13 =	simm.s32 $0x5900  }
0x78: {  	[tilespmem:s13], [sflag:$0x1] =	stream.indirect_vreg.gather [hbm4b:s2+s3], $0x80, v59, vm0, $0xb8;
	[tilespmem:$0x11A00] =	vst v63  }
0x79: {  	v59 =	vld [tilespmem:$0x60];
	_ =	sdelay $0x4  }
0x7a: {  	v60 =	vshll.u32 v59, $0x1  }
0x7b: {  	v59 =	vand.u32 $0x7, v59;
	v60 =	vand.u32 $0xFFFFFFF0, v60  }
0x7c: {  	v59 =	vor.u32 v59, v60  }
0x7d: {  	v60 =	vperm.xlane v59, v8;
	_ =	sdelay $0x1  }
0x7e: {  	v59 =	vperm.xlane v59, v10;
	v60 =	vadd.s32 v9, v60;
	_ =	sdelay $0x1  }
0x7f: {  	v59 =	vadd.s32 v9, v59;
	_ =	sdelay $0x1  }
0x80: {  	s4 =	simm.s32 $0x6100  }
0x81: {  	[tilespmem:s4], [sflag:$0x1] =	stream.indirect_vreg.gather [hbm4b:s2+s3], $0x80, v60, vm0, $0xb8;
	[tilespmem:$0x11A00] =	vst v63  }
0x82: {  	s13 =	simm.s32 $0x6900  }
0x83: {  	[tilespmem:s13], [sflag:$0x1] =	stream.indirect_vreg.gather [hbm4b:s2+s3], $0x80, v59, vm0, $0xb8;
	[tilespmem:$0x11A00] =	vst v63  }
0x84: {  	v59 =	vld [tilespmem:$0x70];
	_ =	sdelay $0x4  }
0x85: {  	v60 =	vshll.u32 v59, $0x1  }
0x86: {  	v59 =	vand.u32 $0x7, v59;
	v60 =	vand.u32 $0xFFFFFFF0, v60  }
0x87: {  	v59 =	vor.u32 v59, v60  }
0x88: {  	v60 =	vperm.xlane v59, v8;
	_ =	sdelay $0x1  }
0x89: {  	v59 =	vperm.xlane v59, v10;
	v60 =	vadd.s32 v9, v60;
	_ =	sdelay $0x1  }
0x8a: {  	v59 =	vadd.s32 v9, v59;
	_ =	sdelay $0x1  }
0x8b: {  	s4 =	simm.s32 $0x7100  }
0x8c: {  	[tilespmem:s4], [sflag:$0x1] =	stream.indirect_vreg.gather [hbm4b:s2+s3], $0x80, v60, vm0, $0xb8;
	[tilespmem:$0x11A00] =	vst v63  }
0x8d: {  	s13 =	simm.s32 $0x7900  }
0x8e: {  	[tilespmem:s13], [sflag:$0x1] =	stream.indirect_vreg.gather [hbm4b:s2+s3], $0x80, v59, vm0, $0xb8;
	[tilespmem:$0x11A00] =	vst v63  }
0x8f: {  	_ =	swait.ge [sflag:s24], $0x8000  }
0x90: {  	[sflag:s24] =	ssyncset.done $0x0  }
0x91: {  	s1 =	rddreg [dreg:$0xb];
	[sflag:s24] =	ssyncadd.s32 $0xFFFF8000  }
0x92: {  	[hbm4b:s1+s3] =	stream.linear.scatter [tilespmem:s19], [sflag:$0x2], $0x8000, $0x38;
	[tilespmem:$0x11A00] =	vst v63  }
0x93: {  	v62 =	vld.idx.msk [tilespmem:v11+s6+$0x0], $0xffff;
	_ =	sdelay $0x4  }
0x94: {  	v59 =	vtrunc.f32 v62  }
0x95: {  	v59 =	vcvt.f32.s32 v59;
	_ =	sdelay $0x1  }
0x96: {  	[tilespmem:$0x80] =	vst v59  }
0x97: {  	v60 =	vld.idx.msk [tilespmem:v12+s6+$0x0], $0xffff;
	_ =	sdelay $0x4  }
0x98: {  	v60 =	vtrunc.f32 v60  }
0x99: {  	v60 =	vcvt.f32.s32 v60;
	_ =	sdelay $0x1  }
0x9a: {  	[tilespmem:$0x90] =	vst v60  }
0x9b: {  	v60 =	vld.idx.msk [tilespmem:v13+s6+$0x0], $0xffff;
	_ =	sdelay $0x4  }
0x9c: {  	v60 =	vtrunc.f32 v60  }
0x9d: {  	v60 =	vcvt.f32.s32 v60;
	_ =	sdelay $0x1  }
0x9e: {  	[tilespmem:$0xA0] =	vst v60  }
0x9f: {  	v60 =	vld.idx.msk [tilespmem:v14+s6+$0x0], $0xffff;
	_ =	sdelay $0x4  }
0xa0: {  	v60 =	vtrunc.f32 v60  }
0xa1: {  	v60 =	vcvt.f32.s32 v60;
	_ =	sdelay $0x1  }
0xa2: {  	[tilespmem:$0xB0] =	vst v60  }
0xa3: {  	v60 =	vld.idx.msk [tilespmem:v15+s6+$0x0], $0xffff;
	_ =	sdelay $0x4  }
0xa4: {  	v60 =	vtrunc.f32 v60  }
0xa5: {  	v60 =	vcvt.f32.s32 v60;
	_ =	sdelay $0x1  }
0xa6: {  	[tilespmem:$0xC0] =	vst v60  }
0xa7: {  	v60 =	vld.idx.msk [tilespmem:v16+s6+$0x0], $0xffff;
	_ =	sdelay $0x4  }
0xa8: {  	v60 =	vtrunc.f32 v60  }
0xa9: {  	v60 =	vcvt.f32.s32 v60;
	_ =	sdelay $0x1  }
0xaa: {  	[tilespmem:$0xD0] =	vst v60  }
0xab: {  	v60 =	vld.idx.msk [tilespmem:v17+s6+$0x0], $0xffff;
	_ =	sdelay $0x4  }
0xac: {  	v60 =	vtrunc.f32 v60  }
0xad: {  	v60 =	vcvt.f32.s32 v60;
	_ =	sdelay $0x1  }
0xae: {  	[tilespmem:$0xE0] =	vst v60;
	v60 =	vshll.u32 v59, $0x1  }
0xaf: {  	v59 =	vand.u32 $0x7, v59;
	v61 =	vld.idx.msk [tilespmem:v18+s6+$0x0], $0xffff;
	v60 =	vand.u32 $0xFFFFFFF0, v60  }
0xb0: {  	v59 =	vor.u32 v59, v60  }
0xb1: {  	v60 =	vperm.xlane v59, v8;
	_ =	sdelay $0x1  }
0xb2: {  	v59 =	vperm.xlane v59, v10;
	v60 =	vadd.s32 v9, v60  }
0xb3: {  	v61 =	vtrunc.f32 v61  }
0xb4: {  	v59 =	vadd.s32 v9, v59;
	v61 =	vcvt.f32.s32 v61;
	_ =	sdelay $0x1  }
0xb5: {  	s1 =	simm.s32 $0x8100;
	[tilespmem:$0xF0] =	vst v61  }
0xb6: {  	[tilespmem:s1], [sflag:$0x1] =	stream.indirect_vreg.gather [hbm4b:s2+s3], $0x80, v60, vm0, $0xb8;
	[tilespmem:$0x11A00] =	vst v63  }
0xb7: {  	_ = 	snop  }
0xb8: {  	[tilespmem:s18], [sflag:$0x1] =	stream.indirect_vreg.gather [hbm4b:s2+s3], $0x80, v59, vm0, $0xb8;
	[tilespmem:$0x11A00] =	vst v63  }
0xb9: {  	v59 =	vld [tilespmem:$0x90];
	_ =	sdelay $0x4  }
0xba: {  	v60 =	vshll.u32 v59, $0x1  }
0xbb: {  	v59 =	vand.u32 $0x7, v59;
	v60 =	vand.u32 $0xFFFFFFF0, v60  }
0xbc: {  	v59 =	vor.u32 v59, v60  }
0xbd: {  	v60 =	vperm.xlane v59, v8;
	_ =	sdelay $0x1  }
0xbe: {  	v59 =	vperm.xlane v59, v10;
	v60 =	vadd.s32 v9, v60;
	_ =	sdelay $0x1  }
0xbf: {  	v59 =	vadd.s32 v9, v59;
	_ =	sdelay $0x2  }
0xc0: {  	[tilespmem:s26], [sflag:$0x1] =	stream.indirect_vreg.gather [hbm4b:s2+s3], $0x80, v60, vm0, $0xb8;
	[tilespmem:$0x11A00] =	vst v63  }
0xc1: {  	_ = 	snop  }
0xc2: {  	[tilespmem:s28], [sflag:$0x1] =	stream.indirect_vreg.gather [hbm4b:s2+s3], $0x80, v59, vm0, $0xb8;
	[tilespmem:$0x11A00] =	vst v63  }
0xc3: {  	v59 =	vld [tilespmem:$0xA0];
	_ =	sdelay $0x4  }
0xc4: {  	v60 =	vshll.u32 v59, $0x1  }
0xc5: {  	v59 =	vand.u32 $0x7, v59;
	v60 =	vand.u32 $0xFFFFFFF0, v60  }
0xc6: {  	v59 =	vor.u32 v59, v60  }
0xc7: {  	v60 =	vperm.xlane v59, v8;
	_ =	sdelay $0x1  }
0xc8: {  	v59 =	vperm.xlane v59, v10;
	v60 =	vadd.s32 v9, v60;
	_ =	sdelay $0x1  }
0xc9: {  	v59 =	vadd.s32 v9, v59;
	_ =	sdelay $0x2  }
0xca: {  	[tilespmem:s29], [sflag:$0x1] =	stream.indirect_vreg.gather [hbm4b:s2+s3], $0x80, v60, vm0, $0xb8;
	[tilespmem:$0x11A00] =	vst v63  }
0xcb: {  	_ = 	snop  }
0xcc: {  	[tilespmem:s30], [sflag:$0x1] =	stream.indirect_vreg.gather [hbm4b:s2+s3], $0x80, v59, vm0, $0xb8;
	[tilespmem:$0x11A00] =	vst v63  }
0xcd: {  	v59 =	vld [tilespmem:$0xB0];
	_ =	sdelay $0x4  }
0xce: {  	v60 =	vshll.u32 v59, $0x1  }
0xcf: {  	v59 =	vand.u32 $0x7, v59;
	v60 =	vand.u32 $0xFFFFFFF0, v60  }
0xd0: {  	v59 =	vor.u32 v59, v60  }
0xd1: {  	v60 =	vperm.xlane v59, v8;
	_ =	sdelay $0x1  }
0xd2: {  	v59 =	vperm.xlane v59, v10;
	v60 =	vadd.s32 v9, v60;
	_ =	sdelay $0x1  }
0xd3: {  	v59 =	vadd.s32 v9, v59;
	_ =	sdelay $0x2  }
0xd4: {  	[tilespmem:s31], [sflag:$0x1] =	stream.indirect_vreg.gather [hbm4b:s2+s3], $0x80, v60, vm0, $0xb8;
	[tilespmem:$0x11A00] =	vst v63  }
0xd5: {  	_ = 	snop  }
0xd6: {  	[tilespmem:s21], [sflag:$0x1] =	stream.indirect_vreg.gather [hbm4b:s2+s3], $0x80, v59, vm0, $0xb8;
	[tilespmem:$0x11A00] =	vst v63  }
0xd7: {  	v59 =	vld [tilespmem:$0xC0];
	_ =	sdelay $0x4  }
0xd8: {  	v60 =	vshll.u32 v59, $0x1  }
0xd9: {  	v59 =	vand.u32 $0x7, v59;
	v60 =	vand.u32 $0xFFFFFFF0, v60  }
0xda: {  	v59 =	vor.u32 v59, v60  }
0xdb: {  	v60 =	vperm.xlane v59, v8;
	_ =	sdelay $0x1  }
0xdc: {  	v59 =	vperm.xlane v59, v10;
	v60 =	vadd.s32 v9, v60;
	_ =	sdelay $0x1  }
0xdd: {  	v59 =	vadd.s32 v9, v59;
	_ =	sdelay $0x2  }
0xde: {  	[tilespmem:s20], [sflag:$0x1] =	stream.indirect_vreg.gather [hbm4b:s2+s3], $0x80, v60, vm0, $0xb8;
	[tilespmem:$0x11A00] =	vst v63  }
0xdf: {  	_ = 	snop  }
0xe0: {  	[tilespmem:s22], [sflag:$0x1] =	stream.indirect_vreg.gather [hbm4b:s2+s3], $0x80, v59, vm0, $0xb8;
	[tilespmem:$0x11A00] =	vst v63  }
0xe1: {  	v59 =	vld [tilespmem:$0xD0];
	_ =	sdelay $0x4  }
0xe2: {  	v60 =	vshll.u32 v59, $0x1  }
0xe3: {  	v59 =	vand.u32 $0x7, v59;
	v60 =	vand.u32 $0xFFFFFFF0, v60  }
0xe4: {  	v59 =	vor.u32 v59, v60  }
0xe5: {  	v60 =	vperm.xlane v59, v8;
	_ =	sdelay $0x1  }
0xe6: {  	v59 =	vperm.xlane v59, v10;
	v60 =	vadd.s32 v9, v60;
	_ =	sdelay $0x1  }
0xe7: {  	v59 =	vadd.s32 v9, v59;
	_ =	sdelay $0x2  }
0xe8: {  	[tilespmem:s23], [sflag:$0x1] =	stream.indirect_vreg.gather [hbm4b:s2+s3], $0x80, v60, vm0, $0xb8;
	[tilespmem:$0x11A00] =	vst v63  }
0xe9: {  	_ = 	snop  }
0xea: {  	[tilespmem:s25], [sflag:$0x1] =	stream.indirect_vreg.gather [hbm4b:s2+s3], $0x80, v59, vm0, $0xb8;
	[tilespmem:$0x11A00] =	vst v63  }
0xeb: {  	v59 =	vld [tilespmem:$0xE0];
	_ =	sdelay $0x4  }
0xec: {  	v60 =	vshll.u32 v59, $0x1  }
0xed: {  	v59 =	vand.u32 $0x7, v59;
	v60 =	vand.u32 $0xFFFFFFF0, v60  }
0xee: {  	v59 =	vor.u32 v59, v60  }
0xef: {  	v60 =	vperm.xlane v59, v8;
	_ =	sdelay $0x1  }
0xf0: {  	v59 =	vperm.xlane v59, v10;
	v60 =	vadd.s32 v9, v60;
	_ =	sdelay $0x1  }
0xf1: {  	v59 =	vadd.s32 v9, v59;
	_ =	sdelay $0x2  }
0xf2: {  	[tilespmem:s14], [sflag:$0x1] =	stream.indirect_vreg.gather [hbm4b:s2+s3], $0x80, v60, vm0, $0xb8;
	[tilespmem:$0x11A00] =	vst v63  }
0xf3: {  	_ = 	snop  }
0xf4: {  	[tilespmem:s15], [sflag:$0x1] =	stream.indirect_vreg.gather [hbm4b:s2+s3], $0x80, v59, vm0, $0xb8;
	[tilespmem:$0x11A00] =	vst v63  }
0xf5: {  	v59 =	vld [tilespmem:$0xF0];
	_ =	sdelay $0x4  }
0xf6: {  	v60 =	vshll.u32 v59, $0x1  }
0xf7: {  	v59 =	vand.u32 $0x7, v59;
	v60 =	vand.u32 $0xFFFFFFF0, v60  }
0xf8: {  	v59 =	vor.u32 v59, v60  }
0xf9: {  	v60 =	vperm.xlane v59, v8;
	_ =	sdelay $0x1  }
0xfa: {  	v59 =	vperm.xlane v59, v10;
	v60 =	vadd.s32 v9, v60;
	_ =	sdelay $0x1  }
0xfb: {  	v59 =	vadd.s32 v9, v59;
	_ =	sdelay $0x2  }
0xfc: {  	[tilespmem:s16], [sflag:$0x1] =	stream.indirect_vreg.gather [hbm4b:s2+s3], $0x80, v60, vm0, $0xb8;
	[tilespmem:$0x11A00] =	vst v63  }
0xfd: {  	_ = 	snop  }
0xfe: {  	[tilespmem:s17], [sflag:$0x1] =	stream.indirect_vreg.gather [hbm4b:s2+s3], $0x80, v59, vm0, $0xb8;
	[tilespmem:$0x11A00] =	vst v63  }
0xff: {  	_ =	swait.ge [sflag:s24], $0x8000  }
0x100: {  	[sflag:s24] =	ssyncset.done $0x0  }
0x101: {  	s13 =	rddreg [dreg:$0x5];
	[sflag:s24] =	ssyncadd.s32 $0xFFFF8000  }
0x102: {  	[hbm4b:s13+s3] =	stream.linear.scatter [tilespmem:s1], [sflag:$0x2], $0x8000, $0x38;
	[tilespmem:$0x11A00] =	vst v63  }
0x103: {  	_ =	swait.ge [sflag:s0], $0x8000  }
0x104: {  	[sflag:s0] =	ssyncset.done $0x0  }
0x105: {  	[sflag:s0] =	ssyncadd.s32 $0xFFFF8000  }
0x106: {  	v63 =	vld.idx.msk [tilespmem:v19+s6+$0x0], $0xffff;
	_ =	sdelay $0x4  }
0x107: {  	v59 =	vtrunc.f32 v63  }
0x108: {  	v59 =	vcvt.f32.s32 v59;
	_ =	sdelay $0x1  }
0x109: {  	[tilespmem:$0x0] =	vst v59  }
0x10a: {  	v60 =	vld.idx.msk [tilespmem:v20+s6+$0x0], $0xffff;
	_ =	sdelay $0x4  }
0x10b: {  	v60 =	vtrunc.f32 v60  }
0x10c: {  	v60 =	vcvt.f32.s32 v60;
	_ =	sdelay $0x1  }
0x10d: {  	[tilespmem:$0x10] =	vst v60  }
0x10e: {  	v60 =	vld.idx.msk [tilespmem:v21+s6+$0x0], $0xffff;
	_ =	sdelay $0x4  }
0x10f: {  	v60 =	vtrunc.f32 v60  }
0x110: {  	v60 =	vcvt.f32.s32 v60;
	_ =	sdelay $0x1  }
0x111: {  	[tilespmem:$0x20] =	vst v60  }
0x112: {  	v60 =	vld.idx.msk [tilespmem:v22+s6+$0x0], $0xffff;
	_ =	sdelay $0x4  }
0x113: {  	v60 =	vtrunc.f32 v60  }
0x114: {  	v60 =	vcvt.f32.s32 v60;
	_ =	sdelay $0x1  }
0x115: {  	[tilespmem:$0x30] =	vst v60  }
0x116: {  	v60 =	vld.idx.msk [tilespmem:v23+s6+$0x0], $0xffff;
	_ =	sdelay $0x4  }
0x117: {  	v60 =	vtrunc.f32 v60  }
0x118: {  	v60 =	vcvt.f32.s32 v60;
	_ =	sdelay $0x1  }
0x119: {  	[tilespmem:$0x40] =	vst v60  }
0x11a: {  	v60 =	vld.idx.msk [tilespmem:v24+s6+$0x0], $0xffff;
	_ =	sdelay $0x4  }
0x11b: {  	v60 =	vtrunc.f32 v60  }
0x11c: {  	v60 =	vcvt.f32.s32 v60;
	_ =	sdelay $0x1  }
0x11d: {  	[tilespmem:$0x50] =	vst v60  }
0x11e: {  	v60 =	vld.idx.msk [tilespmem:v25+s6+$0x0], $0xffff;
	_ =	sdelay $0x4  }
0x11f: {  	v60 =	vtrunc.f32 v60  }
0x120: {  	v60 =	vcvt.f32.s32 v60;
	_ =	sdelay $0x1  }
0x121: {  	[tilespmem:$0x60] =	vst v60;
	v60 =	vshll.u32 v59, $0x1  }
0x122: {  	v59 =	vand.u32 $0x7, v59;
	v61 =	vld.idx.msk [tilespmem:v26+s6+$0x0], $0xffff;
	v60 =	vand.u32 $0xFFFFFFF0, v60  }
0x123: {  	v59 =	vor.u32 v59, v60  }
0x124: {  	v60 =	vperm.xlane v59, v8;
	_ =	sdelay $0x1  }
0x125: {  	v59 =	vperm.xlane v59, v10;
	v60 =	vadd.s32 v9, v60  }
0x126: {  	v61 =	vtrunc.f32 v61  }
0x127: {  	v59 =	vadd.s32 v9, v59;
	v61 =	vcvt.f32.s32 v61;
	_ =	sdelay $0x1  }
0x128: {  	[tilespmem:$0x70] =	vst v61  }
0x129: {  	[tilespmem:s19], [sflag:$0x1] =	stream.indirect_vreg.gather [hbm4b:s2+s3], $0x80, v60, vm0, $0xb8;
	[tilespmem:$0x11A00] =	vst v63  }
0x12a: {  	s7 =	simm.s32 $0x900  }
0x12b: {  	[tilespmem:s7], [sflag:$0x1] =	stream.indirect_vreg.gather [hbm4b:s2+s3], $0x80, v59, vm0, $0xb8;
	[tilespmem:$0x11A00] =	vst v63  }
0x12c: {  	v59 =	vld [tilespmem:$0x10];
	_ =	sdelay $0x4  }
0x12d: {  	v60 =	vshll.u32 v59, $0x1  }
0x12e: {  	v59 =	vand.u32 $0x7, v59;
	v60 =	vand.u32 $0xFFFFFFF0, v60  }
0x12f: {  	v59 =	vor.u32 v59, v60  }
0x130: {  	v60 =	vperm.xlane v59, v8;
	_ =	sdelay $0x1  }
0x131: {  	v59 =	vperm.xlane v59, v10;
	v60 =	vadd.s32 v9, v60;
	_ =	sdelay $0x1  }
0x132: {  	v59 =	vadd.s32 v9, v59;
	_ =	sdelay $0x1  }
0x133: {  	s7 =	simm.s32 $0x1100  }
0x134: {  	[tilespmem:s7], [sflag:$0x1] =	stream.indirect_vreg.gather [hbm4b:s2+s3], $0x80, v60, vm0, $0xb8;
	[tilespmem:$0x11A00] =	vst v63  }
0x135: {  	s8 =	simm.s32 $0x1900  }
0x136: {  	[tilespmem:s8], [sflag:$0x1] =	stream.indirect_vreg.gather [hbm4b:s2+s3], $0x80, v59, vm0, $0xb8;
	[tilespmem:$0x11A00] =	vst v63  }
0x137: {  	v59 =	vld [tilespmem:$0x20];
	_ =	sdelay $0x4  }
0x138: {  	v60 =	vshll.u32 v59, $0x1  }
0x139: {  	v59 =	vand.u32 $0x7, v59;
	v60 =	vand.u32 $0xFFFFFFF0, v60  }
0x13a: {  	v59 =	vor.u32 v59, v60  }
0x13b: {  	v60 =	vperm.xlane v59, v8;
	_ =	sdelay $0x1  }
0x13c: {  	v59 =	vperm.xlane v59, v10;
	v60 =	vadd.s32 v9, v60;
	_ =	sdelay $0x1  }
0x13d: {  	v59 =	vadd.s32 v9, v59;
	_ =	sdelay $0x1  }
0x13e: {  	s8 =	simm.s32 $0x2100  }
0x13f: {  	[tilespmem:s8], [sflag:$0x1] =	stream.indirect_vreg.gather [hbm4b:s2+s3], $0x80, v60, vm0, $0xb8;
	[tilespmem:$0x11A00] =	vst v63  }
0x140: {  	s9 =	simm.s32 $0x2900  }
0x141: {  	[tilespmem:s9], [sflag:$0x1] =	stream.indirect_vreg.gather [hbm4b:s2+s3], $0x80, v59, vm0, $0xb8;
	[tilespmem:$0x11A00] =	vst v63  }
0x142: {  	v59 =	vld [tilespmem:$0x30];
	_ =	sdelay $0x4  }
0x143: {  	v60 =	vshll.u32 v59, $0x1  }
0x144: {  	v59 =	vand.u32 $0x7, v59;
	v60 =	vand.u32 $0xFFFFFFF0, v60  }
0x145: {  	v59 =	vor.u32 v59, v60  }
0x146: {  	v60 =	vperm.xlane v59, v8;
	_ =	sdelay $0x1  }
0x147: {  	v59 =	vperm.xlane v59, v10;
	v60 =	vadd.s32 v9, v60;
	_ =	sdelay $0x1  }
0x148: {  	v59 =	vadd.s32 v9, v59;
	_ =	sdelay $0x1  }
0x149: {  	s9 =	simm.s32 $0x3100  }
0x14a: {  	[tilespmem:s9], [sflag:$0x1] =	stream.indirect_vreg.gather [hbm4b:s2+s3], $0x80, v60, vm0, $0xb8;
	[tilespmem:$0x11A00] =	vst v63  }
0x14b: {  	s10 =	simm.s32 $0x3900  }
0x14c: {  	[tilespmem:s10], [sflag:$0x1] =	stream.indirect_vreg.gather [hbm4b:s2+s3], $0x80, v59, vm0, $0xb8;
	[tilespmem:$0x11A00] =	vst v63  }
0x14d: {  	v59 =	vld [tilespmem:$0x40];
	_ =	sdelay $0x4  }
0x14e: {  	v60 =	vshll.u32 v59, $0x1  }
0x14f: {  	v59 =	vand.u32 $0x7, v59;
	v60 =	vand.u32 $0xFFFFFFF0, v60  }
0x150: {  	v59 =	vor.u32 v59, v60  }
0x151: {  	v60 =	vperm.xlane v59, v8;
	_ =	sdelay $0x1  }
0x152: {  	v59 =	vperm.xlane v59, v10;
	v60 =	vadd.s32 v9, v60;
	_ =	sdelay $0x1  }
0x153: {  	v59 =	vadd.s32 v9, v59;
	_ =	sdelay $0x1  }
0x154: {  	s10 =	simm.s32 $0x4100  }
0x155: {  	[tilespmem:s10], [sflag:$0x1] =	stream.indirect_vreg.gather [hbm4b:s2+s3], $0x80, v60, vm0, $0xb8;
	[tilespmem:$0x11A00] =	vst v63  }
0x156: {  	s11 =	simm.s32 $0x4900  }
0x157: {  	[tilespmem:s11], [sflag:$0x1] =	stream.indirect_vreg.gather [hbm4b:s2+s3], $0x80, v59, vm0, $0xb8;
	[tilespmem:$0x11A00] =	vst v63  }
0x158: {  	v59 =	vld [tilespmem:$0x50];
	_ =	sdelay $0x4  }
0x159: {  	v60 =	vshll.u32 v59, $0x1  }
0x15a: {  	v59 =	vand.u32 $0x7, v59;
	v60 =	vand.u32 $0xFFFFFFF0, v60  }
0x15b: {  	v59 =	vor.u32 v59, v60  }
0x15c: {  	v60 =	vperm.xlane v59, v8;
	_ =	sdelay $0x1  }
0x15d: {  	v59 =	vperm.xlane v59, v10;
	v60 =	vadd.s32 v9, v60;
	_ =	sdelay $0x1  }
0x15e: {  	v59 =	vadd.s32 v9, v59;
	_ =	sdelay $0x1  }
0x15f: {  	s11 =	simm.s32 $0x5100  }
0x160: {  	[tilespmem:s11], [sflag:$0x1] =	stream.indirect_vreg.gather [hbm4b:s2+s3], $0x80, v60, vm0, $0xb8;
	[tilespmem:$0x11A00] =	vst v63  }
0x161: {  	s12 =	simm.s32 $0x5900  }
0x162: {  	[tilespmem:s12], [sflag:$0x1] =	stream.indirect_vreg.gather [hbm4b:s2+s3], $0x80, v59, vm0, $0xb8;
	[tilespmem:$0x11A00] =	vst v63  }
0x163: {  	v59 =	vld [tilespmem:$0x60];
	_ =	sdelay $0x4  }
0x164: {  	v60 =	vshll.u32 v59, $0x1  }
0x165: {  	v59 =	vand.u32 $0x7, v59;
	v60 =	vand.u32 $0xFFFFFFF0, v60  }
0x166: {  	v59 =	vor.u32 v59, v60  }
0x167: {  	v60 =	vperm.xlane v59, v8;
	_ =	sdelay $0x1  }
0x168: {  	v59 =	vperm.xlane v59, v10;
	v60 =	vadd.s32 v9, v60;
	_ =	sdelay $0x1  }
0x169: {  	v59 =	vadd.s32 v9, v59;
	_ =	sdelay $0x1  }
0x16a: {  	s12 =	simm.s32 $0x6100  }
0x16b: {  	[tilespmem:s12], [sflag:$0x1] =	stream.indirect_vreg.gather [hbm4b:s2+s3], $0x80, v60, vm0, $0xb8;
	[tilespmem:$0x11A00] =	vst v63  }
0x16c: {  	s13 =	simm.s32 $0x6900  }
0x16d: {  	[tilespmem:s13], [sflag:$0x1] =	stream.indirect_vreg.gather [hbm4b:s2+s3], $0x80, v59, vm0, $0xb8;
	[tilespmem:$0x11A00] =	vst v63  }
0x16e: {  	v59 =	vld [tilespmem:$0x70];
	_ =	sdelay $0x4  }
0x16f: {  	v60 =	vshll.u32 v59, $0x1  }
0x170: {  	v59 =	vand.u32 $0x7, v59;
	v60 =	vand.u32 $0xFFFFFFF0, v60  }
0x171: {  	v59 =	vor.u32 v59, v60  }
0x172: {  	v60 =	vperm.xlane v59, v8;
	_ =	sdelay $0x1  }
0x173: {  	v59 =	vperm.xlane v59, v10;
	v60 =	vadd.s32 v9, v60;
	_ =	sdelay $0x1  }
0x174: {  	v59 =	vadd.s32 v9, v59;
	_ =	sdelay $0x1  }
0x175: {  	s4 =	simm.s32 $0x7100  }
0x176: {  	[tilespmem:s4], [sflag:$0x1] =	stream.indirect_vreg.gather [hbm4b:s2+s3], $0x80, v60, vm0, $0xb8;
	[tilespmem:$0x11A00] =	vst v63  }
0x177: {  	s4 =	simm.s32 $0x7900  }
0x178: {  	[tilespmem:s4], [sflag:$0x1] =	stream.indirect_vreg.gather [hbm4b:s2+s3], $0x80, v59, vm0, $0xb8;
	[tilespmem:$0x11A00] =	vst v63  }
0x179: {  	_ =	swait.ge [sflag:s24], $0x8000  }
0x17a: {  	[sflag:s24] =	ssyncset.done $0x0  }
0x17b: {  	s4 =	rddreg [dreg:$0x6];
	[sflag:s24] =	ssyncadd.s32 $0xFFFF8000  }
0x17c: {  	[hbm4b:s4+s3] =	stream.linear.scatter [tilespmem:s19], [sflag:$0x2], $0x8000, $0x38;
	[tilespmem:$0x11A00] =	vst v63  }
0x17d: {  	_ =	swait.ge [sflag:s0], $0x8000  }
0x17e: {  	[sflag:s0] =	ssyncset.done $0x0  }
0x17f: {  	[sflag:s0] =	ssyncadd.s32 $0xFFFF8000  }
0x180: {  	v60 =	vld.idx.msk [tilespmem:v27+s6+$0x0], $0xffff;
	_ =	sdelay $0x4  }
0x181: {  	v59 =	vtrunc.f32 v60  }
0x182: {  	v59 =	vcvt.f32.s32 v59;
	_ =	sdelay $0x1  }
0x183: {  	[tilespmem:$0x80] =	vst v59  }
0x184: {  	v60 =	vld.idx.msk [tilespmem:v28+s6+$0x0], $0xffff;
	_ =	sdelay $0x4  }
0x185: {  	v60 =	vtrunc.f32 v60  }
0x186: {  	v60 =	vcvt.f32.s32 v60;
	_ =	sdelay $0x1  }
0x187: {  	[tilespmem:$0x90] =	vst v60  }
0x188: {  	v60 =	vld.idx.msk [tilespmem:v29+s6+$0x0], $0xffff;
	_ =	sdelay $0x4  }
0x189: {  	v60 =	vtrunc.f32 v60  }
0x18a: {  	v60 =	vcvt.f32.s32 v60;
	_ =	sdelay $0x1  }
0x18b: {  	[tilespmem:$0xA0] =	vst v60  }
0x18c: {  	v60 =	vld.idx.msk [tilespmem:v30+s6+$0x0], $0xffff;
	_ =	sdelay $0x4  }
0x18d: {  	v60 =	vtrunc.f32 v60  }
0x18e: {  	v60 =	vcvt.f32.s32 v60;
	_ =	sdelay $0x1  }
0x18f: {  	[tilespmem:$0xB0] =	vst v60  }
0x190: {  	v60 =	vld.idx.msk [tilespmem:v31+s6+$0x0], $0xffff;
	_ =	sdelay $0x4  }
0x191: {  	v60 =	vtrunc.f32 v60  }
0x192: {  	v60 =	vcvt.f32.s32 v60;
	_ =	sdelay $0x1  }
0x193: {  	[tilespmem:$0xC0] =	vst v60  }
0x194: {  	v60 =	vld.idx.msk [tilespmem:v32+s6+$0x0], $0xffff;
	_ =	sdelay $0x4  }
0x195: {  	v60 =	vtrunc.f32 v60  }
0x196: {  	v60 =	vcvt.f32.s32 v60;
	_ =	sdelay $0x1  }
0x197: {  	[tilespmem:$0xD0] =	vst v60  }
0x198: {  	v60 =	vld.idx.msk [tilespmem:v33+s6+$0x0], $0xffff;
	_ =	sdelay $0x4  }
0x199: {  	v60 =	vtrunc.f32 v60  }
0x19a: {  	v60 =	vcvt.f32.s32 v60;
	_ =	sdelay $0x1  }
0x19b: {  	[tilespmem:$0xE0] =	vst v60;
	v60 =	vshll.u32 v59, $0x1  }
0x19c: {  	v59 =	vand.u32 $0x7, v59;
	v61 =	vld.idx.msk [tilespmem:v34+s6+$0x0], $0xffff;
	v60 =	vand.u32 $0xFFFFFFF0, v60  }
0x19d: {  	v59 =	vor.u32 v59, v60  }
0x19e: {  	v60 =	vperm.xlane v59, v8;
	_ =	sdelay $0x1  }
0x19f: {  	v59 =	vperm.xlane v59, v10;
	v60 =	vadd.s32 v9, v60  }
0x1a0: {  	v61 =	vtrunc.f32 v61  }
0x1a1: {  	v59 =	vadd.s32 v9, v59;
	v61 =	vcvt.f32.s32 v61;
	_ =	sdelay $0x1  }
0x1a2: {  	[tilespmem:$0xF0] =	vst v61  }
0x1a3: {  	[tilespmem:s1], [sflag:$0x1] =	stream.indirect_vreg.gather [hbm4b:s2+s3], $0x80, v60, vm0, $0xb8;
	[tilespmem:$0x11A00] =	vst v63  }
0x1a4: {  	_ = 	snop  }
0x1a5: {  	[tilespmem:s18], [sflag:$0x1] =	stream.indirect_vreg.gather [hbm4b:s2+s3], $0x80, v59, vm0, $0xb8;
	[tilespmem:$0x11A00] =	vst v63  }
0x1a6: {  	v59 =	vld [tilespmem:$0x90];
	_ =	sdelay $0x4  }
0x1a7: {  	v60 =	vshll.u32 v59, $0x1  }
0x1a8: {  	v59 =	vand.u32 $0x7, v59;
	v60 =	vand.u32 $0xFFFFFFF0, v60  }
0x1a9: {  	v59 =	vor.u32 v59, v60  }
0x1aa: {  	v60 =	vperm.xlane v59, v8;
	_ =	sdelay $0x1  }
0x1ab: {  	v59 =	vperm.xlane v59, v10;
	v60 =	vadd.s32 v9, v60;
	_ =	sdelay $0x1  }
0x1ac: {  	v59 =	vadd.s32 v9, v59;
	_ =	sdelay $0x2  }
0x1ad: {  	[tilespmem:s26], [sflag:$0x1] =	stream.indirect_vreg.gather [hbm4b:s2+s3], $0x80, v60, vm0, $0xb8;
	[tilespmem:$0x11A00] =	vst v63  }
0x1ae: {  	_ = 	snop  }
0x1af: {  	[tilespmem:s28], [sflag:$0x1] =	stream.indirect_vreg.gather [hbm4b:s2+s3], $0x80, v59, vm0, $0xb8;
	[tilespmem:$0x11A00] =	vst v63  }
0x1b0: {  	v59 =	vld [tilespmem:$0xA0];
	_ =	sdelay $0x4  }
0x1b1: {  	v60 =	vshll.u32 v59, $0x1  }
0x1b2: {  	v59 =	vand.u32 $0x7, v59;
	v60 =	vand.u32 $0xFFFFFFF0, v60  }
0x1b3: {  	v59 =	vor.u32 v59, v60  }
0x1b4: {  	v60 =	vperm.xlane v59, v8;
	_ =	sdelay $0x1  }
0x1b5: {  	v59 =	vperm.xlane v59, v10;
	v60 =	vadd.s32 v9, v60;
	_ =	sdelay $0x1  }
0x1b6: {  	v59 =	vadd.s32 v9, v59;
	_ =	sdelay $0x2  }
0x1b7: {  	[tilespmem:s29], [sflag:$0x1] =	stream.indirect_vreg.gather [hbm4b:s2+s3], $0x80, v60, vm0, $0xb8;
	[tilespmem:$0x11A00] =	vst v63  }
0x1b8: {  	_ = 	snop  }
0x1b9: {  	[tilespmem:s30], [sflag:$0x1] =	stream.indirect_vreg.gather [hbm4b:s2+s3], $0x80, v59, vm0, $0xb8;
	[tilespmem:$0x11A00] =	vst v63  }
0x1ba: {  	v59 =	vld [tilespmem:$0xB0];
	_ =	sdelay $0x4  }
0x1bb: {  	v60 =	vshll.u32 v59, $0x1  }
0x1bc: {  	v59 =	vand.u32 $0x7, v59;
	v60 =	vand.u32 $0xFFFFFFF0, v60  }
0x1bd: {  	v59 =	vor.u32 v59, v60  }
0x1be: {  	v60 =	vperm.xlane v59, v8;
	_ =	sdelay $0x1  }
0x1bf: {  	v59 =	vperm.xlane v59, v10;
	v60 =	vadd.s32 v9, v60;
	_ =	sdelay $0x1  }
0x1c0: {  	v59 =	vadd.s32 v9, v59;
	_ =	sdelay $0x2  }
0x1c1: {  	[tilespmem:s31], [sflag:$0x1] =	stream.indirect_vreg.gather [hbm4b:s2+s3], $0x80, v60, vm0, $0xb8;
	[tilespmem:$0x11A00] =	vst v63  }
0x1c2: {  	_ = 	snop  }
0x1c3: {  	[tilespmem:s21], [sflag:$0x1] =	stream.indirect_vreg.gather [hbm4b:s2+s3], $0x80, v59, vm0, $0xb8;
	[tilespmem:$0x11A00] =	vst v63  }
0x1c4: {  	v59 =	vld [tilespmem:$0xC0];
	_ =	sdelay $0x4  }
0x1c5: {  	v60 =	vshll.u32 v59, $0x1  }
0x1c6: {  	v59 =	vand.u32 $0x7, v59;
	v60 =	vand.u32 $0xFFFFFFF0, v60  }
0x1c7: {  	v59 =	vor.u32 v59, v60  }
0x1c8: {  	v60 =	vperm.xlane v59, v8;
	_ =	sdelay $0x1  }
0x1c9: {  	v59 =	vperm.xlane v59, v10;
	v60 =	vadd.s32 v9, v60;
	_ =	sdelay $0x1  }
0x1ca: {  	v59 =	vadd.s32 v9, v59;
	_ =	sdelay $0x2  }
0x1cb: {  	[tilespmem:s20], [sflag:$0x1] =	stream.indirect_vreg.gather [hbm4b:s2+s3], $0x80, v60, vm0, $0xb8;
	[tilespmem:$0x11A00] =	vst v63  }
0x1cc: {  	_ = 	snop  }
0x1cd: {  	[tilespmem:s22], [sflag:$0x1] =	stream.indirect_vreg.gather [hbm4b:s2+s3], $0x80, v59, vm0, $0xb8;
	[tilespmem:$0x11A00] =	vst v63  }
0x1ce: {  	v59 =	vld [tilespmem:$0xD0];
	_ =	sdelay $0x4  }
0x1cf: {  	v60 =	vshll.u32 v59, $0x1  }
0x1d0: {  	v59 =	vand.u32 $0x7, v59;
	v60 =	vand.u32 $0xFFFFFFF0, v60  }
0x1d1: {  	v59 =	vor.u32 v59, v60  }
0x1d2: {  	v60 =	vperm.xlane v59, v8;
	_ =	sdelay $0x1  }
0x1d3: {  	v59 =	vperm.xlane v59, v10;
	v60 =	vadd.s32 v9, v60;
	_ =	sdelay $0x1  }
0x1d4: {  	v59 =	vadd.s32 v9, v59;
	_ =	sdelay $0x2  }
0x1d5: {  	[tilespmem:s23], [sflag:$0x1] =	stream.indirect_vreg.gather [hbm4b:s2+s3], $0x80, v60, vm0, $0xb8;
	[tilespmem:$0x11A00] =	vst v63  }
0x1d6: {  	_ = 	snop  }
0x1d7: {  	[tilespmem:s25], [sflag:$0x1] =	stream.indirect_vreg.gather [hbm4b:s2+s3], $0x80, v59, vm0, $0xb8;
	[tilespmem:$0x11A00] =	vst v63  }
0x1d8: {  	v59 =	vld [tilespmem:$0xE0];
	_ =	sdelay $0x4  }
0x1d9: {  	v60 =	vshll.u32 v59, $0x1  }
0x1da: {  	v59 =	vand.u32 $0x7, v59;
	v60 =	vand.u32 $0xFFFFFFF0, v60  }
0x1db: {  	v59 =	vor.u32 v59, v60  }
0x1dc: {  	v60 =	vperm.xlane v59, v8;
	_ =	sdelay $0x1  }
0x1dd: {  	v59 =	vperm.xlane v59, v10;
	v60 =	vadd.s32 v9, v60;
	_ =	sdelay $0x1  }
0x1de: {  	v59 =	vadd.s32 v9, v59;
	_ =	sdelay $0x2  }
0x1df: {  	[tilespmem:s14], [sflag:$0x1] =	stream.indirect_vreg.gather [hbm4b:s2+s3], $0x80, v60, vm0, $0xb8;
	[tilespmem:$0x11A00] =	vst v63  }
0x1e0: {  	_ = 	snop  }
0x1e1: {  	[tilespmem:s15], [sflag:$0x1] =	stream.indirect_vreg.gather [hbm4b:s2+s3], $0x80, v59, vm0, $0xb8;
	[tilespmem:$0x11A00] =	vst v63  }
0x1e2: {  	v59 =	vld [tilespmem:$0xF0];
	_ =	sdelay $0x4  }
0x1e3: {  	v60 =	vshll.u32 v59, $0x1  }
0x1e4: {  	v59 =	vand.u32 $0x7, v59;
	v60 =	vand.u32 $0xFFFFFFF0, v60  }
0x1e5: {  	v59 =	vor.u32 v59, v60  }
0x1e6: {  	v60 =	vperm.xlane v59, v8;
	_ =	sdelay $0x1  }
0x1e7: {  	v59 =	vperm.xlane v59, v10;
	v60 =	vadd.s32 v9, v60;
	_ =	sdelay $0x1  }
0x1e8: {  	v59 =	vadd.s32 v9, v59;
	_ =	sdelay $0x2  }
0x1e9: {  	[tilespmem:s16], [sflag:$0x1] =	stream.indirect_vreg.gather [hbm4b:s2+s3], $0x80, v60, vm0, $0xb8;
	[tilespmem:$0x11A00] =	vst v63  }
0x1ea: {  	_ = 	snop  }
0x1eb: {  	[tilespmem:s17], [sflag:$0x1] =	stream.indirect_vreg.gather [hbm4b:s2+s3], $0x80, v59, vm0, $0xb8;
	[tilespmem:$0x11A00] =	vst v63  }
0x1ec: {  	_ =	swait.ge [sflag:s24], $0x8000  }
0x1ed: {  	[sflag:s24] =	ssyncset.done $0x0  }
0x1ee: {  	s4 =	rddreg [dreg:$0x7];
	[sflag:s24] =	ssyncadd.s32 $0xFFFF8000  }
0x1ef: {  	[hbm4b:s4+s3] =	stream.linear.scatter [tilespmem:s1], [sflag:$0x2], $0x8000, $0x38;
	[tilespmem:$0x11A00] =	vst v63  }
0x1f0: {  	_ =	swait.ge [sflag:s0], $0x8000  }
0x1f1: {  	[sflag:s0] =	ssyncset.done $0x0  }
0x1f2: {  	[sflag:s0] =	ssyncadd.s32 $0xFFFF8000  }
0x1f3: {  	v61 =	vld.idx.msk [tilespmem:v35+s6+$0x0], $0xffff;
	_ =	sdelay $0x4  }
0x1f4: {  	v59 =	vtrunc.f32 v61  }
0x1f5: {  	v59 =	vcvt.f32.s32 v59;
	_ =	sdelay $0x1  }
0x1f6: {  	[tilespmem:$0x0] =	vst v59  }
0x1f7: {  	v60 =	vld.idx.msk [tilespmem:v36+s6+$0x0], $0xffff;
	_ =	sdelay $0x4  }
0x1f8: {  	v60 =	vtrunc.f32 v60  }
0x1f9: {  	v60 =	vcvt.f32.s32 v60;
	_ =	sdelay $0x1  }
0x1fa: {  	[tilespmem:$0x10] =	vst v60  }
0x1fb: {  	v60 =	vld.idx.msk [tilespmem:v37+s6+$0x0], $0xffff;
	_ =	sdelay $0x4  }
0x1fc: {  	v60 =	vtrunc.f32 v60  }
0x1fd: {  	v60 =	vcvt.f32.s32 v60;
	_ =	sdelay $0x1  }
0x1fe: {  	[tilespmem:$0x20] =	vst v60  }
0x1ff: {  	v60 =	vld.idx.msk [tilespmem:v38+s6+$0x0], $0xffff;
	_ =	sdelay $0x4  }
0x200: {  	v60 =	vtrunc.f32 v60  }
0x201: {  	v60 =	vcvt.f32.s32 v60;
	_ =	sdelay $0x1  }
0x202: {  	[tilespmem:$0x30] =	vst v60  }
0x203: {  	v60 =	vld.idx.msk [tilespmem:v39+s6+$0x0], $0xffff;
	_ =	sdelay $0x4  }
0x204: {  	v60 =	vtrunc.f32 v60  }
0x205: {  	v60 =	vcvt.f32.s32 v60;
	_ =	sdelay $0x1  }
0x206: {  	[tilespmem:$0x40] =	vst v60  }
0x207: {  	v60 =	vld.idx.msk [tilespmem:v40+s6+$0x0], $0xffff;
	_ =	sdelay $0x4  }
0x208: {  	v60 =	vtrunc.f32 v60  }
0x209: {  	v60 =	vcvt.f32.s32 v60;
	_ =	sdelay $0x1  }
0x20a: {  	[tilespmem:$0x50] =	vst v60  }
0x20b: {  	v60 =	vld.idx.msk [tilespmem:v41+s6+$0x0], $0xffff;
	_ =	sdelay $0x4  }
0x20c: {  	v60 =	vtrunc.f32 v60  }
0x20d: {  	v60 =	vcvt.f32.s32 v60;
	_ =	sdelay $0x1  }
0x20e: {  	[tilespmem:$0x60] =	vst v60;
	v60 =	vshll.u32 v59, $0x1  }
0x20f: {  	v59 =	vand.u32 $0x7, v59;
	v61 =	vld.idx.msk [tilespmem:v42+s6+$0x0], $0xffff;
	v60 =	vand.u32 $0xFFFFFFF0, v60  }
0x210: {  	v59 =	vor.u32 v59, v60  }
0x211: {  	v60 =	vperm.xlane v59, v8;
	_ =	sdelay $0x1  }
0x212: {  	v59 =	vperm.xlane v59, v10;
	v60 =	vadd.s32 v9, v60  }
0x213: {  	v61 =	vtrunc.f32 v61  }
0x214: {  	v59 =	vadd.s32 v9, v59;
	v61 =	vcvt.f32.s32 v61;
	_ =	sdelay $0x1  }
0x215: {  	[tilespmem:$0x70] =	vst v61  }
0x216: {  	[tilespmem:s19], [sflag:$0x1] =	stream.indirect_vreg.gather [hbm4b:s2+s3], $0x80, v60, vm0, $0xb8;
	[tilespmem:$0x11A00] =	vst v63  }
0x217: {  	s4 =	simm.s32 $0x900  }
0x218: {  	[tilespmem:s4], [sflag:$0x1] =	stream.indirect_vreg.gather [hbm4b:s2+s3], $0x80, v59, vm0, $0xb8;
	[tilespmem:$0x11A00] =	vst v63  }
0x219: {  	v59 =	vld [tilespmem:$0x10];
	_ =	sdelay $0x4  }
0x21a: {  	v60 =	vshll.u32 v59, $0x1  }
0x21b: {  	v59 =	vand.u32 $0x7, v59;
	v60 =	vand.u32 $0xFFFFFFF0, v60  }
0x21c: {  	v59 =	vor.u32 v59, v60  }
0x21d: {  	v60 =	vperm.xlane v59, v8;
	_ =	sdelay $0x1  }
0x21e: {  	v59 =	vperm.xlane v59, v10;
	v60 =	vadd.s32 v9, v60;
	_ =	sdelay $0x1  }
0x21f: {  	v59 =	vadd.s32 v9, v59;
	_ =	sdelay $0x2  }
0x220: {  	[tilespmem:s7], [sflag:$0x1] =	stream.indirect_vreg.gather [hbm4b:s2+s3], $0x80, v60, vm0, $0xb8;
	[tilespmem:$0x11A00] =	vst v63  }
0x221: {  	s4 =	simm.s32 $0x1900  }
0x222: {  	[tilespmem:s4], [sflag:$0x1] =	stream.indirect_vreg.gather [hbm4b:s2+s3], $0x80, v59, vm0, $0xb8;
	[tilespmem:$0x11A00] =	vst v63  }
0x223: {  	v59 =	vld [tilespmem:$0x20];
	_ =	sdelay $0x4  }
0x224: {  	v60 =	vshll.u32 v59, $0x1  }
0x225: {  	v59 =	vand.u32 $0x7, v59;
	v60 =	vand.u32 $0xFFFFFFF0, v60  }
0x226: {  	v59 =	vor.u32 v59, v60  }
0x227: {  	v60 =	vperm.xlane v59, v8;
	_ =	sdelay $0x1  }
0x228: {  	v59 =	vperm.xlane v59, v10;
	v60 =	vadd.s32 v9, v60;
	_ =	sdelay $0x1  }
0x229: {  	v59 =	vadd.s32 v9, v59;
	_ =	sdelay $0x2  }
0x22a: {  	[tilespmem:s8], [sflag:$0x1] =	stream.indirect_vreg.gather [hbm4b:s2+s3], $0x80, v60, vm0, $0xb8;
	[tilespmem:$0x11A00] =	vst v63  }
0x22b: {  	s4 =	simm.s32 $0x2900  }
0x22c: {  	[tilespmem:s4], [sflag:$0x1] =	stream.indirect_vreg.gather [hbm4b:s2+s3], $0x80, v59, vm0, $0xb8;
	[tilespmem:$0x11A00] =	vst v63  }
0x22d: {  	v59 =	vld [tilespmem:$0x30];
	_ =	sdelay $0x4  }
0x22e: {  	v60 =	vshll.u32 v59, $0x1  }
0x22f: {  	v59 =	vand.u32 $0x7, v59;
	v60 =	vand.u32 $0xFFFFFFF0, v60  }
0x230: {  	v59 =	vor.u32 v59, v60  }
0x231: {  	v60 =	vperm.xlane v59, v8;
	_ =	sdelay $0x1  }
0x232: {  	v59 =	vperm.xlane v59, v10;
	v60 =	vadd.s32 v9, v60;
	_ =	sdelay $0x1  }
0x233: {  	v59 =	vadd.s32 v9, v59;
	_ =	sdelay $0x2  }
0x234: {  	[tilespmem:s9], [sflag:$0x1] =	stream.indirect_vreg.gather [hbm4b:s2+s3], $0x80, v60, vm0, $0xb8;
	[tilespmem:$0x11A00] =	vst v63  }
0x235: {  	s4 =	simm.s32 $0x3900  }
0x236: {  	[tilespmem:s4], [sflag:$0x1] =	stream.indirect_vreg.gather [hbm4b:s2+s3], $0x80, v59, vm0, $0xb8;
	[tilespmem:$0x11A00] =	vst v63  }
0x237: {  	v59 =	vld [tilespmem:$0x40];
	_ =	sdelay $0x4  }
0x238: {  	v60 =	vshll.u32 v59, $0x1  }
0x239: {  	v59 =	vand.u32 $0x7, v59;
	v60 =	vand.u32 $0xFFFFFFF0, v60  }
0x23a: {  	v59 =	vor.u32 v59, v60  }
0x23b: {  	v60 =	vperm.xlane v59, v8;
	_ =	sdelay $0x1  }
0x23c: {  	v59 =	vperm.xlane v59, v10;
	v60 =	vadd.s32 v9, v60;
	_ =	sdelay $0x1  }
0x23d: {  	v59 =	vadd.s32 v9, v59;
	_ =	sdelay $0x2  }
0x23e: {  	[tilespmem:s10], [sflag:$0x1] =	stream.indirect_vreg.gather [hbm4b:s2+s3], $0x80, v60, vm0, $0xb8;
	[tilespmem:$0x11A00] =	vst v63  }
0x23f: {  	s4 =	simm.s32 $0x4900  }
0x240: {  	[tilespmem:s4], [sflag:$0x1] =	stream.indirect_vreg.gather [hbm4b:s2+s3], $0x80, v59, vm0, $0xb8;
	[tilespmem:$0x11A00] =	vst v63  }
0x241: {  	v59 =	vld [tilespmem:$0x50];
	_ =	sdelay $0x4  }
0x242: {  	v60 =	vshll.u32 v59, $0x1  }
0x243: {  	v59 =	vand.u32 $0x7, v59;
	v60 =	vand.u32 $0xFFFFFFF0, v60  }
0x244: {  	v59 =	vor.u32 v59, v60  }
0x245: {  	v60 =	vperm.xlane v59, v8;
	_ =	sdelay $0x1  }
0x246: {  	v59 =	vperm.xlane v59, v10;
	v60 =	vadd.s32 v9, v60;
	_ =	sdelay $0x1  }
0x247: {  	v59 =	vadd.s32 v9, v59;
	_ =	sdelay $0x2  }
0x248: {  	[tilespmem:s11], [sflag:$0x1] =	stream.indirect_vreg.gather [hbm4b:s2+s3], $0x80, v60, vm0, $0xb8;
	[tilespmem:$0x11A00] =	vst v63  }
0x249: {  	s4 =	simm.s32 $0x5900  }
0x24a: {  	[tilespmem:s4], [sflag:$0x1] =	stream.indirect_vreg.gather [hbm4b:s2+s3], $0x80, v59, vm0, $0xb8;
	[tilespmem:$0x11A00] =	vst v63  }
0x24b: {  	v59 =	vld [tilespmem:$0x60];
	_ =	sdelay $0x4  }
0x24c: {  	v60 =	vshll.u32 v59, $0x1  }
0x24d: {  	v59 =	vand.u32 $0x7, v59;
	v60 =	vand.u32 $0xFFFFFFF0, v60  }
0x24e: {  	v59 =	vor.u32 v59, v60  }
0x24f: {  	v60 =	vperm.xlane v59, v8;
	_ =	sdelay $0x1  }
0x250: {  	v59 =	vperm.xlane v59, v10;
	v60 =	vadd.s32 v9, v60;
	_ =	sdelay $0x1  }
0x251: {  	v59 =	vadd.s32 v9, v59;
	_ =	sdelay $0x2  }
0x252: {  	[tilespmem:s12], [sflag:$0x1] =	stream.indirect_vreg.gather [hbm4b:s2+s3], $0x80, v60, vm0, $0xb8;
	[tilespmem:$0x11A00] =	vst v63  }
0x253: {  	_ = 	snop  }
0x254: {  	[tilespmem:s13], [sflag:$0x1] =	stream.indirect_vreg.gather [hbm4b:s2+s3], $0x80, v59, vm0, $0xb8;
	[tilespmem:$0x11A00] =	vst v63  }
0x255: {  	v59 =	vld [tilespmem:$0x70];
	_ =	sdelay $0x4  }
0x256: {  	v60 =	vshll.u32 v59, $0x1  }
0x257: {  	v59 =	vand.u32 $0x7, v59;
	v60 =	vand.u32 $0xFFFFFFF0, v60  }
0x258: {  	v59 =	vor.u32 v59, v60  }
0x259: {  	v60 =	vperm.xlane v59, v8;
	_ =	sdelay $0x1  }
0x25a: {  	v59 =	vperm.xlane v59, v10;
	v60 =	vadd.s32 v9, v60;
	_ =	sdelay $0x1  }
0x25b: {  	v59 =	vadd.s32 v9, v59;
	_ =	sdelay $0x1  }
0x25c: {  	s4 =	simm.s32 $0x7100  }
0x25d: {  	[tilespmem:s4], [sflag:$0x1] =	stream.indirect_vreg.gather [hbm4b:s2+s3], $0x80, v60, vm0, $0xb8;
	[tilespmem:$0x11A00] =	vst v63  }
0x25e: {  	s4 =	simm.s32 $0x7900  }
0x25f: {  	[tilespmem:s4], [sflag:$0x1] =	stream.indirect_vreg.gather [hbm4b:s2+s3], $0x80, v59, vm0, $0xb8;
	[tilespmem:$0x11A00] =	vst v63  }
0x260: {  	_ =	swait.ge [sflag:s24], $0x8000  }
0x261: {  	[sflag:s24] =	ssyncset.done $0x0  }
0x262: {  	s4 =	rddreg [dreg:$0x8];
	[sflag:s24] =	ssyncadd.s32 $0xFFFF8000  }
0x263: {  	[hbm4b:s4+s3] =	stream.linear.scatter [tilespmem:s19], [sflag:$0x2], $0x8000, $0x38;
	[tilespmem:$0x11A00] =	vst v63  }
0x264: {  	_ =	swait.ge [sflag:s0], $0x8000  }
0x265: {  	[sflag:s0] =	ssyncset.done $0x0  }
0x266: {  	[sflag:s0] =	ssyncadd.s32 $0xFFFF8000  }
0x267: {  	v62 =	vld.idx.msk [tilespmem:v43+s6+$0x0], $0xffff;
	_ =	sdelay $0x4  }
0x268: {  	v59 =	vtrunc.f32 v62  }
0x269: {  	v59 =	vcvt.f32.s32 v59;
	_ =	sdelay $0x1  }
0x26a: {  	[tilespmem:$0x80] =	vst v59  }
0x26b: {  	v60 =	vld.idx.msk [tilespmem:v44+s6+$0x0], $0xffff;
	_ =	sdelay $0x4  }
0x26c: {  	v60 =	vtrunc.f32 v60  }
0x26d: {  	v60 =	vcvt.f32.s32 v60;
	_ =	sdelay $0x1  }
0x26e: {  	[tilespmem:$0x90] =	vst v60  }
0x26f: {  	v60 =	vld.idx.msk [tilespmem:v45+s6+$0x0], $0xffff;
	_ =	sdelay $0x4  }
0x270: {  	v60 =	vtrunc.f32 v60  }
0x271: {  	v60 =	vcvt.f32.s32 v60;
	_ =	sdelay $0x1  }
0x272: {  	[tilespmem:$0xA0] =	vst v60  }
0x273: {  	v60 =	vld.idx.msk [tilespmem:v46+s6+$0x0], $0xffff;
	_ =	sdelay $0x4  }
0x274: {  	v60 =	vtrunc.f32 v60  }
0x275: {  	v60 =	vcvt.f32.s32 v60;
	_ =	sdelay $0x1  }
0x276: {  	[tilespmem:$0xB0] =	vst v60  }
0x277: {  	v60 =	vld.idx.msk [tilespmem:v47+s6+$0x0], $0xffff;
	_ =	sdelay $0x4  }
0x278: {  	v60 =	vtrunc.f32 v60  }
0x279: {  	v60 =	vcvt.f32.s32 v60;
	_ =	sdelay $0x1  }
0x27a: {  	[tilespmem:$0xC0] =	vst v60  }
0x27b: {  	v60 =	vld.idx.msk [tilespmem:v48+s6+$0x0], $0xffff;
	_ =	sdelay $0x4  }
0x27c: {  	v60 =	vtrunc.f32 v60  }
0x27d: {  	v60 =	vcvt.f32.s32 v60;
	_ =	sdelay $0x1  }
0x27e: {  	[tilespmem:$0xD0] =	vst v60  }
0x27f: {  	v60 =	vld.idx.msk [tilespmem:v49+s6+$0x0], $0xffff;
	_ =	sdelay $0x4  }
0x280: {  	v60 =	vtrunc.f32 v60  }
0x281: {  	v60 =	vcvt.f32.s32 v60;
	_ =	sdelay $0x1  }
0x282: {  	[tilespmem:$0xE0] =	vst v60;
	v60 =	vshll.u32 v59, $0x1  }
0x283: {  	v59 =	vand.u32 $0x7, v59;
	v61 =	vld.idx.msk [tilespmem:v50+s6+$0x0], $0xffff;
	v60 =	vand.u32 $0xFFFFFFF0, v60  }
0x284: {  	v59 =	vor.u32 v59, v60  }
0x285: {  	v60 =	vperm.xlane v59, v8;
	_ =	sdelay $0x1  }
0x286: {  	v59 =	vperm.xlane v59, v10;
	v60 =	vadd.s32 v9, v60  }
0x287: {  	v61 =	vtrunc.f32 v61  }
0x288: {  	v59 =	vadd.s32 v9, v59;
	v61 =	vcvt.f32.s32 v61;
	_ =	sdelay $0x1  }
0x289: {  	[tilespmem:$0xF0] =	vst v61  }
0x28a: {  	[tilespmem:s1], [sflag:$0x1] =	stream.indirect_vreg.gather [hbm4b:s2+s3], $0x80, v60, vm0, $0xb8;
	[tilespmem:$0x11A00] =	vst v63  }
0x28b: {  	_ = 	snop  }
0x28c: {  	[tilespmem:s18], [sflag:$0x1] =	stream.indirect_vreg.gather [hbm4b:s2+s3], $0x80, v59, vm0, $0xb8;
	[tilespmem:$0x11A00] =	vst v63  }
0x28d: {  	v59 =	vld [tilespmem:$0x90];
	_ =	sdelay $0x4  }
0x28e: {  	v60 =	vshll.u32 v59, $0x1  }
0x28f: {  	v59 =	vand.u32 $0x7, v59;
	v60 =	vand.u32 $0xFFFFFFF0, v60  }
0x290: {  	v59 =	vor.u32 v59, v60  }
0x291: {  	v60 =	vperm.xlane v59, v8;
	_ =	sdelay $0x1  }
0x292: {  	v59 =	vperm.xlane v59, v10;
	v60 =	vadd.s32 v9, v60;
	_ =	sdelay $0x1  }
0x293: {  	v59 =	vadd.s32 v9, v59;
	_ =	sdelay $0x2  }
0x294: {  	[tilespmem:s26], [sflag:$0x1] =	stream.indirect_vreg.gather [hbm4b:s2+s3], $0x80, v60, vm0, $0xb8;
	[tilespmem:$0x11A00] =	vst v63  }
0x295: {  	_ = 	snop  }
0x296: {  	[tilespmem:s28], [sflag:$0x1] =	stream.indirect_vreg.gather [hbm4b:s2+s3], $0x80, v59, vm0, $0xb8;
	[tilespmem:$0x11A00] =	vst v63  }
0x297: {  	v59 =	vld [tilespmem:$0xA0];
	_ =	sdelay $0x4  }
0x298: {  	v60 =	vshll.u32 v59, $0x1  }
0x299: {  	v59 =	vand.u32 $0x7, v59;
	v60 =	vand.u32 $0xFFFFFFF0, v60  }
0x29a: {  	v59 =	vor.u32 v59, v60  }
0x29b: {  	v60 =	vperm.xlane v59, v8;
	_ =	sdelay $0x1  }
0x29c: {  	v59 =	vperm.xlane v59, v10;
	v60 =	vadd.s32 v9, v60;
	_ =	sdelay $0x1  }
0x29d: {  	v59 =	vadd.s32 v9, v59;
	_ =	sdelay $0x2  }
0x29e: {  	[tilespmem:s29], [sflag:$0x1] =	stream.indirect_vreg.gather [hbm4b:s2+s3], $0x80, v60, vm0, $0xb8;
	[tilespmem:$0x11A00] =	vst v63  }
0x29f: {  	_ = 	snop  }
0x2a0: {  	[tilespmem:s30], [sflag:$0x1] =	stream.indirect_vreg.gather [hbm4b:s2+s3], $0x80, v59, vm0, $0xb8;
	[tilespmem:$0x11A00] =	vst v63  }
0x2a1: {  	v59 =	vld [tilespmem:$0xB0];
	_ =	sdelay $0x4  }
0x2a2: {  	v60 =	vshll.u32 v59, $0x1  }
0x2a3: {  	v59 =	vand.u32 $0x7, v59;
	v60 =	vand.u32 $0xFFFFFFF0, v60  }
0x2a4: {  	v59 =	vor.u32 v59, v60  }
0x2a5: {  	v60 =	vperm.xlane v59, v8;
	_ =	sdelay $0x1  }
0x2a6: {  	v59 =	vperm.xlane v59, v10;
	v60 =	vadd.s32 v9, v60;
	_ =	sdelay $0x1  }
0x2a7: {  	v59 =	vadd.s32 v9, v59;
	_ =	sdelay $0x2  }
0x2a8: {  	[tilespmem:s31], [sflag:$0x1] =	stream.indirect_vreg.gather [hbm4b:s2+s3], $0x80, v60, vm0, $0xb8;
	[tilespmem:$0x11A00] =	vst v63  }
0x2a9: {  	_ = 	snop  }
0x2aa: {  	[tilespmem:s21], [sflag:$0x1] =	stream.indirect_vreg.gather [hbm4b:s2+s3], $0x80, v59, vm0, $0xb8;
	[tilespmem:$0x11A00] =	vst v63  }
0x2ab: {  	v59 =	vld [tilespmem:$0xC0];
	_ =	sdelay $0x4  }
0x2ac: {  	v60 =	vshll.u32 v59, $0x1  }
0x2ad: {  	v59 =	vand.u32 $0x7, v59;
	v60 =	vand.u32 $0xFFFFFFF0, v60  }
0x2ae: {  	v59 =	vor.u32 v59, v60  }
0x2af: {  	v60 =	vperm.xlane v59, v8;
	_ =	sdelay $0x1  }
0x2b0: {  	v59 =	vperm.xlane v59, v10;
	v60 =	vadd.s32 v9, v60;
	_ =	sdelay $0x1  }
0x2b1: {  	v59 =	vadd.s32 v9, v59;
	_ =	sdelay $0x2  }
0x2b2: {  	[tilespmem:s20], [sflag:$0x1] =	stream.indirect_vreg.gather [hbm4b:s2+s3], $0x80, v60, vm0, $0xb8;
	[tilespmem:$0x11A00] =	vst v63  }
0x2b3: {  	_ = 	snop  }
0x2b4: {  	[tilespmem:s22], [sflag:$0x1] =	stream.indirect_vreg.gather [hbm4b:s2+s3], $0x80, v59, vm0, $0xb8;
	[tilespmem:$0x11A00] =	vst v63  }
0x2b5: {  	v59 =	vld [tilespmem:$0xD0];
	_ =	sdelay $0x4  }
0x2b6: {  	v60 =	vshll.u32 v59, $0x1  }
0x2b7: {  	v59 =	vand.u32 $0x7, v59;
	v60 =	vand.u32 $0xFFFFFFF0, v60  }
0x2b8: {  	v59 =	vor.u32 v59, v60  }
0x2b9: {  	v60 =	vperm.xlane v59, v8;
	_ =	sdelay $0x1  }
0x2ba: {  	v59 =	vperm.xlane v59, v10;
	v60 =	vadd.s32 v9, v60;
	_ =	sdelay $0x1  }
0x2bb: {  	v59 =	vadd.s32 v9, v59;
	_ =	sdelay $0x2  }
0x2bc: {  	[tilespmem:s23], [sflag:$0x1] =	stream.indirect_vreg.gather [hbm4b:s2+s3], $0x80, v60, vm0, $0xb8;
	[tilespmem:$0x11A00] =	vst v63  }
0x2bd: {  	_ = 	snop  }
0x2be: {  	[tilespmem:s25], [sflag:$0x1] =	stream.indirect_vreg.gather [hbm4b:s2+s3], $0x80, v59, vm0, $0xb8;
	[tilespmem:$0x11A00] =	vst v63  }
0x2bf: {  	v59 =	vld [tilespmem:$0xE0];
	_ =	sdelay $0x4  }
0x2c0: {  	v60 =	vshll.u32 v59, $0x1  }
0x2c1: {  	v59 =	vand.u32 $0x7, v59;
	v60 =	vand.u32 $0xFFFFFFF0, v60  }
0x2c2: {  	v59 =	vor.u32 v59, v60  }
0x2c3: {  	v60 =	vperm.xlane v59, v8;
	_ =	sdelay $0x1  }
0x2c4: {  	v59 =	vperm.xlane v59, v10;
	v60 =	vadd.s32 v9, v60;
	_ =	sdelay $0x1  }
0x2c5: {  	v59 =	vadd.s32 v9, v59;
	_ =	sdelay $0x2  }
0x2c6: {  	[tilespmem:s14], [sflag:$0x1] =	stream.indirect_vreg.gather [hbm4b:s2+s3], $0x80, v60, vm0, $0xb8;
	[tilespmem:$0x11A00] =	vst v63  }
0x2c7: {  	_ = 	snop  }
0x2c8: {  	[tilespmem:s15], [sflag:$0x1] =	stream.indirect_vreg.gather [hbm4b:s2+s3], $0x80, v59, vm0, $0xb8;
	[tilespmem:$0x11A00] =	vst v63  }
0x2c9: {  	v59 =	vld [tilespmem:$0xF0];
	_ =	sdelay $0x4  }
0x2ca: {  	v60 =	vshll.u32 v59, $0x1  }
0x2cb: {  	v59 =	vand.u32 $0x7, v59;
	v60 =	vand.u32 $0xFFFFFFF0, v60  }
0x2cc: {  	v59 =	vor.u32 v59, v60  }
0x2cd: {  	v60 =	vperm.xlane v59, v8;
	_ =	sdelay $0x1  }
0x2ce: {  	v59 =	vperm.xlane v59, v10;
	v60 =	vadd.s32 v9, v60;
	_ =	sdelay $0x1  }
0x2cf: {  	v59 =	vadd.s32 v9, v59;
	_ =	sdelay $0x2  }
0x2d0: {  	[tilespmem:s16], [sflag:$0x1] =	stream.indirect_vreg.gather [hbm4b:s2+s3], $0x80, v60, vm0, $0xb8;
	[tilespmem:$0x11A00] =	vst v63  }
0x2d1: {  	_ = 	snop  }
0x2d2: {  	[tilespmem:s17], [sflag:$0x1] =	stream.indirect_vreg.gather [hbm4b:s2+s3], $0x80, v59, vm0, $0xb8;
	[tilespmem:$0x11A00] =	vst v63  }
0x2d3: {  	_ =	swait.ge [sflag:s24], $0x8000  }
0x2d4: {  	[sflag:s24] =	ssyncset.done $0x0  }
0x2d5: {  	s4 =	rddreg [dreg:$0x9];
	[sflag:s24] =	ssyncadd.s32 $0xFFFF8000  }
0x2d6: {  	[hbm4b:s4+s3] =	stream.linear.scatter [tilespmem:s1], [sflag:$0x2], $0x8000, $0x38;
	[tilespmem:$0x11A00] =	vst v63  }
0x2d7: {  	_ =	swait.ge [sflag:s0], $0x8000  }
0x2d8: {  	[sflag:s0] =	ssyncset.done $0x0  }
0x2d9: {  	[sflag:s0] =	ssyncadd.s32 $0xFFFF8000  }
0x2da: {  	v63 =	vld.idx.msk [tilespmem:v51+s6+$0x0], $0xffff;
	_ =	sdelay $0x4  }
0x2db: {  	v59 =	vtrunc.f32 v63  }
0x2dc: {  	v59 =	vcvt.f32.s32 v59;
	_ =	sdelay $0x1  }
0x2dd: {  	[tilespmem:$0x0] =	vst v59  }
0x2de: {  	v60 =	vld.idx.msk [tilespmem:v52+s6+$0x0], $0xffff;
	_ =	sdelay $0x4  }
0x2df: {  	v60 =	vtrunc.f32 v60  }
0x2e0: {  	v60 =	vcvt.f32.s32 v60;
	_ =	sdelay $0x1  }
0x2e1: {  	[tilespmem:$0x10] =	vst v60  }
0x2e2: {  	v60 =	vld.idx.msk [tilespmem:v53+s6+$0x0], $0xffff;
	_ =	sdelay $0x4  }
0x2e3: {  	v60 =	vtrunc.f32 v60  }
0x2e4: {  	v60 =	vcvt.f32.s32 v60;
	_ =	sdelay $0x1  }
0x2e5: {  	[tilespmem:$0x20] =	vst v60  }
0x2e6: {  	v60 =	vld.idx.msk [tilespmem:v54+s6+$0x0], $0xffff;
	_ =	sdelay $0x4  }
0x2e7: {  	v60 =	vtrunc.f32 v60  }
0x2e8: {  	v60 =	vcvt.f32.s32 v60;
	_ =	sdelay $0x1  }
0x2e9: {  	[tilespmem:$0x30] =	vst v60  }
0x2ea: {  	v60 =	vld.idx.msk [tilespmem:v55+s6+$0x0], $0xffff;
	_ =	sdelay $0x4  }
0x2eb: {  	v60 =	vtrunc.f32 v60  }
0x2ec: {  	v60 =	vcvt.f32.s32 v60;
	_ =	sdelay $0x1  }
0x2ed: {  	[tilespmem:$0x40] =	vst v60  }
0x2ee: {  	v60 =	vld.idx.msk [tilespmem:v56+s6+$0x0], $0xffff;
	_ =	sdelay $0x4  }
0x2ef: {  	v60 =	vtrunc.f32 v60  }
0x2f0: {  	v60 =	vcvt.f32.s32 v60;
	_ =	sdelay $0x1  }
0x2f1: {  	[tilespmem:$0x50] =	vst v60  }
0x2f2: {  	v60 =	vld.idx.msk [tilespmem:v57+s6+$0x0], $0xffff;
	_ =	sdelay $0x4  }
0x2f3: {  	v60 =	vtrunc.f32 v60  }
0x2f4: {  	v60 =	vcvt.f32.s32 v60;
	_ =	sdelay $0x1  }
0x2f5: {  	[tilespmem:$0x60] =	vst v60;
	v60 =	vshll.u32 v59, $0x1  }
0x2f6: {  	v59 =	vand.u32 $0x7, v59;
	v61 =	vld.idx.msk [tilespmem:v58+s6+$0x0], $0xffff;
	v60 =	vand.u32 $0xFFFFFFF0, v60  }
0x2f7: {  	v59 =	vor.u32 v59, v60  }
0x2f8: {  	v60 =	vperm.xlane v59, v8;
	_ =	sdelay $0x1  }
0x2f9: {  	v59 =	vperm.xlane v59, v10;
	v60 =	vadd.s32 v9, v60  }
0x2fa: {  	v61 =	vtrunc.f32 v61  }
0x2fb: {  	v59 =	vadd.s32 v9, v59;
	v61 =	vcvt.f32.s32 v61;
	_ =	sdelay $0x1  }
0x2fc: {  	[tilespmem:$0x70] =	vst v61  }
0x2fd: {  	[tilespmem:s19], [sflag:$0x1] =	stream.indirect_vreg.gather [hbm4b:s2+s3], $0x80, v60, vm0, $0xb8;
	[tilespmem:$0x11A00] =	vst v63  }
0x2fe: {  	s4 =	simm.s32 $0x900  }
0x2ff: {  	[tilespmem:s4], [sflag:$0x1] =	stream.indirect_vreg.gather [hbm4b:s2+s3], $0x80, v59, vm0, $0xb8;
	[tilespmem:$0x11A00] =	vst v63  }
0x300: {  	v59 =	vld [tilespmem:$0x10];
	_ =	sdelay $0x4  }
0x301: {  	v60 =	vshll.u32 v59, $0x1  }
0x302: {  	v59 =	vand.u32 $0x7, v59;
	v60 =	vand.u32 $0xFFFFFFF0, v60  }
0x303: {  	v59 =	vor.u32 v59, v60  }
0x304: {  	v60 =	vperm.xlane v59, v8;
	_ =	sdelay $0x1  }
0x305: {  	v59 =	vperm.xlane v59, v10;
	v60 =	vadd.s32 v9, v60;
	_ =	sdelay $0x1  }
0x306: {  	v59 =	vadd.s32 v9, v59;
	_ =	sdelay $0x1  }
0x307: {  	s7 =	simm.s32 $0x1100  }
0x308: {  	[tilespmem:s7], [sflag:$0x1] =	stream.indirect_vreg.gather [hbm4b:s2+s3], $0x80, v60, vm0, $0xb8;
	[tilespmem:$0x11A00] =	vst v63  }
0x309: {  	s4 =	simm.s32 $0x1900  }
0x30a: {  	[tilespmem:s4], [sflag:$0x1] =	stream.indirect_vreg.gather [hbm4b:s2+s3], $0x80, v59, vm0, $0xb8;
	[tilespmem:$0x11A00] =	vst v63  }
0x30b: {  	v59 =	vld [tilespmem:$0x20];
	_ =	sdelay $0x4  }
0x30c: {  	v60 =	vshll.u32 v59, $0x1  }
0x30d: {  	v59 =	vand.u32 $0x7, v59;
	v60 =	vand.u32 $0xFFFFFFF0, v60  }
0x30e: {  	v59 =	vor.u32 v59, v60  }
0x30f: {  	v60 =	vperm.xlane v59, v8;
	_ =	sdelay $0x1  }
0x310: {  	v59 =	vperm.xlane v59, v10;
	v60 =	vadd.s32 v9, v60;
	_ =	sdelay $0x1  }
0x311: {  	v59 =	vadd.s32 v9, v59;
	_ =	sdelay $0x1  }
0x312: {  	s8 =	simm.s32 $0x2100  }
0x313: {  	[tilespmem:s8], [sflag:$0x1] =	stream.indirect_vreg.gather [hbm4b:s2+s3], $0x80, v60, vm0, $0xb8;
	[tilespmem:$0x11A00] =	vst v63  }
0x314: {  	s7 =	simm.s32 $0x2900  }
0x315: {  	[tilespmem:s7], [sflag:$0x1] =	stream.indirect_vreg.gather [hbm4b:s2+s3], $0x80, v59, vm0, $0xb8;
	[tilespmem:$0x11A00] =	vst v63  }
0x316: {  	v59 =	vld [tilespmem:$0x30];
	_ =	sdelay $0x4  }
0x317: {  	v60 =	vshll.u32 v59, $0x1  }
0x318: {  	v59 =	vand.u32 $0x7, v59;
	v60 =	vand.u32 $0xFFFFFFF0, v60  }
0x319: {  	v59 =	vor.u32 v59, v60  }
0x31a: {  	v60 =	vperm.xlane v59, v8;
	_ =	sdelay $0x1  }
0x31b: {  	v59 =	vperm.xlane v59, v10;
	v60 =	vadd.s32 v9, v60;
	_ =	sdelay $0x1  }
0x31c: {  	v59 =	vadd.s32 v9, v59;
	_ =	sdelay $0x1  }
0x31d: {  	s9 =	simm.s32 $0x3100  }
0x31e: {  	[tilespmem:s9], [sflag:$0x1] =	stream.indirect_vreg.gather [hbm4b:s2+s3], $0x80, v60, vm0, $0xb8;
	[tilespmem:$0x11A00] =	vst v63  }
0x31f: {  	s8 =	simm.s32 $0x3900  }
0x320: {  	[tilespmem:s8], [sflag:$0x1] =	stream.indirect_vreg.gather [hbm4b:s2+s3], $0x80, v59, vm0, $0xb8;
	[tilespmem:$0x11A00] =	vst v63  }
0x321: {  	v59 =	vld [tilespmem:$0x40];
	_ =	sdelay $0x4  }
0x322: {  	v60 =	vshll.u32 v59, $0x1  }
0x323: {  	v59 =	vand.u32 $0x7, v59;
	v60 =	vand.u32 $0xFFFFFFF0, v60  }
0x324: {  	v59 =	vor.u32 v59, v60  }
0x325: {  	v60 =	vperm.xlane v59, v8;
	_ =	sdelay $0x1  }
0x326: {  	v59 =	vperm.xlane v59, v10;
	v60 =	vadd.s32 v9, v60;
	_ =	sdelay $0x1  }
0x327: {  	v59 =	vadd.s32 v9, v59;
	_ =	sdelay $0x1  }
0x328: {  	s10 =	simm.s32 $0x4100  }
0x329: {  	[tilespmem:s10], [sflag:$0x1] =	stream.indirect_vreg.gather [hbm4b:s2+s3], $0x80, v60, vm0, $0xb8;
	[tilespmem:$0x11A00] =	vst v63  }
0x32a: {  	s9 =	simm.s32 $0x4900  }
0x32b: {  	[tilespmem:s9], [sflag:$0x1] =	stream.indirect_vreg.gather [hbm4b:s2+s3], $0x80, v59, vm0, $0xb8;
	[tilespmem:$0x11A00] =	vst v63  }
0x32c: {  	v59 =	vld [tilespmem:$0x50];
	_ =	sdelay $0x4  }
0x32d: {  	v60 =	vshll.u32 v59, $0x1  }
0x32e: {  	v59 =	vand.u32 $0x7, v59;
	v60 =	vand.u32 $0xFFFFFFF0, v60  }
0x32f: {  	v59 =	vor.u32 v59, v60  }
0x330: {  	v60 =	vperm.xlane v59, v8;
	_ =	sdelay $0x1  }
0x331: {  	v59 =	vperm.xlane v59, v10;
	v60 =	vadd.s32 v9, v60;
	_ =	sdelay $0x1  }
0x332: {  	v59 =	vadd.s32 v9, v59;
	_ =	sdelay $0x1  }
0x333: {  	s11 =	simm.s32 $0x5100  }
0x334: {  	[tilespmem:s11], [sflag:$0x1] =	stream.indirect_vreg.gather [hbm4b:s2+s3], $0x80, v60, vm0, $0xb8;
	[tilespmem:$0x11A00] =	vst v63  }
0x335: {  	s10 =	simm.s32 $0x5900  }
0x336: {  	[tilespmem:s10], [sflag:$0x1] =	stream.indirect_vreg.gather [hbm4b:s2+s3], $0x80, v59, vm0, $0xb8;
	[tilespmem:$0x11A00] =	vst v63  }
0x337: {  	v59 =	vld [tilespmem:$0x60];
	_ =	sdelay $0x4  }
0x338: {  	v60 =	vshll.u32 v59, $0x1  }
0x339: {  	v59 =	vand.u32 $0x7, v59;
	v60 =	vand.u32 $0xFFFFFFF0, v60  }
0x33a: {  	v59 =	vor.u32 v59, v60  }
0x33b: {  	v60 =	vperm.xlane v59, v8;
	_ =	sdelay $0x1  }
0x33c: {  	v59 =	vperm.xlane v59, v10;
	v60 =	vadd.s32 v9, v60;
	_ =	sdelay $0x1  }
0x33d: {  	v59 =	vadd.s32 v9, v59;
	_ =	sdelay $0x1  }
0x33e: {  	s12 =	simm.s32 $0x6100  }
0x33f: {  	[tilespmem:s12], [sflag:$0x1] =	stream.indirect_vreg.gather [hbm4b:s2+s3], $0x80, v60, vm0, $0xb8;
	[tilespmem:$0x11A00] =	vst v63  }
0x340: {  	s13 =	simm.s32 $0x6900  }
0x341: {  	[tilespmem:s13], [sflag:$0x1] =	stream.indirect_vreg.gather [hbm4b:s2+s3], $0x80, v59, vm0, $0xb8;
	[tilespmem:$0x11A00] =	vst v63  }
0x342: {  	v59 =	vld [tilespmem:$0x70];
	_ =	sdelay $0x4  }
0x343: {  	v60 =	vshll.u32 v59, $0x1  }
0x344: {  	v59 =	vand.u32 $0x7, v59;
	v60 =	vand.u32 $0xFFFFFFF0, v60  }
0x345: {  	v59 =	vor.u32 v59, v60  }
0x346: {  	v60 =	vperm.xlane v59, v8;
	_ =	sdelay $0x1  }
0x347: {  	v59 =	vperm.xlane v59, v10;
	v60 =	vadd.s32 v9, v60;
	_ =	sdelay $0x1  }
0x348: {  	v59 =	vadd.s32 v9, v59;
	_ =	sdelay $0x1  }
0x349: {  	s11 =	simm.s32 $0x7100  }
0x34a: {  	[tilespmem:s11], [sflag:$0x1] =	stream.indirect_vreg.gather [hbm4b:s2+s3], $0x80, v60, vm0, $0xb8;
	[tilespmem:$0x11A00] =	vst v63  }
0x34b: {  	s12 =	simm.s32 $0x7900  }
0x34c: {  	[tilespmem:s12], [sflag:$0x1] =	stream.indirect_vreg.gather [hbm4b:s2+s3], $0x80, v59, vm0, $0xb8;
	[tilespmem:$0x11A00] =	vst v63  }
0x34d: {  	_ =	swait.ge [sflag:s24], $0x8000  }
0x34e: {  	[sflag:s24] =	ssyncset.done $0x0  }
0x34f: {  	s13 =	rddreg [dreg:$0xa];
	[sflag:s24] =	ssyncadd.s32 $0xFFFF8000  }
0x350: {  	[hbm4b:s13+s3] =	stream.linear.scatter [tilespmem:s19], [sflag:$0x2], $0x8000, $0x38;
	[tilespmem:$0x11A00] =	vst v63  }
0x351: {  	p0 =	sne.s32 s5, $0x1;
	_ =	swait.ge [sflag:s0], $0x8000  }
.Ltmp0:
0x352: {  	[sflag:s0] =	ssyncset.done $0x0;
	(pc) =	sbr.rel @p0 .LBB2_1-.Ltmp0, $4  }
0x353: {  	[sflag:s0] =	ssyncadd.s32 $0xFFFF8000  }
0x354: {  	_ =	swait.ge [sflag:s0], $0x8000  }
0x355: {  	[sflag:s0] =	ssyncset.done $0x0  }
0x356: {  	s5 =	sadd.s32 $0xFFFFFFFF, s5;
	[sflag:s0] =	ssyncadd.s32 $0xFFFF8000  }
0x357: {  	_ =	sfence.sel $0x180000  }
0x358: {  	[bflag:$0x0] =	sbarrier.arrive $0xFFFF  }
0x359: {  	_ =	strace $0x90000047  }
0x35a: {  	s0 =	stileid.u32;
	[bflag:$0x2] =	sbarrier.arrive $0xFFFF  }
0x35b: {  	p0 =	sne.s32 s0, $0x0;
	s0 =	rddreg [dreg:$0x3]  }
0x35c: {  	s0 =	sadd.s32 @!p0 $0x100000, s0  }
0x35d: {  	[sflag:s0] =	ssyncadd.tile.s32 @!p0 $0x1;
	_ =	shalt  }
.Lfunc_end2:
_tile_overlayer_lowered:
.L_overlay_start_2:
0x35e: {  	(tag) =	ssettag $0x2  }
0x35f: {  	s0 =	rddreg [dreg:$0x0];
	s2 =	stileid.u32  }
0x360: {  	s1 =	rddreg [dreg:$0x1];
	p0 =	sne.s32 s2, $0x0  }
0x361: {  	s3 =	rddreg [dreg:$0x2];
	[bflag:$0x3] =	sbarrier.arrive $0xFFFF;
	s2 =	simm.s32 @!p0 $0x1C03  }
0x362: {  	[timem:s3], [sflag:s2] =	dma.local @!p0 [hbm:s0], s1  }
0x363: {  	s0 =	simm.s32 @!p0 $0x3  }
0x364: {  	_ =	swait.ge @!p0 [sflag:s0], s1  }
0x365: {  	s1 =	ssub.s32 @!p0 $0x0, s1;
	[sflag:s0] =	ssyncset.done @!p0 $0x0  }
0x366: {  	[sflag:s0] =	ssyncadd.s32 @!p0 s1  }
0x367: {  	[bflag:$0x3] =	sbarrier.arrive $0xFFFF  }
0x368: {  	_ =	shalt  }

</sc_bundles>
